<compile_context>
chip_gen: v7x
topology: tpu7x:2x2x1
jax: 0.10.2.dev20260603
libtpu: 0.0.44.dev20260713+nightly
codegen_flags: <defaults>
</compile_context>

<pallas_src>
import functools

import jax
import jax.numpy as jnp
from jax import lax
from jax.experimental import pallas as pl
from jax.experimental.pallas import tpu as pltpu
from jax.experimental.pallas import tpu_sc as plsc

_N = 50000
_E = 800000
_S = 30
_T_LIQUID4 = 1.9 ** 4

_NT = 16
_NP = 51200
_NR = 3200
_RR = _NR // 128
_ROWS = _NP // 128
_EP = 51200
_C = 1600
_NCH = _EP // _C
_CW = 2 * _C
_RD = 3
_FD = 3


def _heat_body(rec_hbm, T_hbm, kl_hbm, g_hbm, sh_hbm,
               Tst, Pst, Fst,
               T_loc, acc, rec_b, flux_b, kl_b, g_b, heat_b, sh_b,
               sem_in, sem_out, sem_t, sem_p, sem_red, sem_bc, sem_z,
               acc_sh):
    sid = lax.axis_index("s")
    base = pl.multiple_of(sid * _NR, 8)
    rbase = sid * _RR
    zv = jnp.zeros((16,), jnp.float32)
    lane = lax.iota(jnp.int32, 16)

    def _rec_src(c):
        return rec_hbm.at[pl.ds(pl.multiple_of((sid * _NCH + c) * _CW, 8), _CW)]

    def _zheat(r, carry):
        for i in range(8):
            heat_b[r, pl.ds(i * 16, 16)] = zv
        return carry

    def _splat_acc():
        @plsc.parallel_loop(0, _ROWS, 1, unroll=4)
        def _iacc(r):
            for i in range(8):
                acc[r, pl.ds(i * 16, 16)] = sh16_v

    pltpu.sync_copy(T_hbm, T_loc)
    pltpu.sync_copy(kl_hbm.at[pl.ds(rbase, _RR)], kl_b)
    pltpu.sync_copy(g_hbm.at[pl.ds(rbase, _RR)], g_b)
    pltpu.sync_copy(sh_hbm, sh_b)
    sh16_v = sh_b[...] * (1.0 / _NT)

    lax.fori_loop(0, _RR, _zheat, 0)
    pltpu.sync_copy(heat_b, acc_sh.at[pl.ds(rbase, _RR)])
    pltpu.sync_copy(heat_b, Pst.at[pl.ds(rbase, _RR)])
    pltpu.sync_copy(T_loc.at[pl.ds(base, _NR)], Tst.at[pl.ds(base, _NR)])
    _splat_acc()
    for c in range(_RD - 1):
        pltpu.make_async_copy(_rec_src(c), rec_b.at[c], sem_in).start()
    plsc.subcore_barrier()

    def _step(s, carry):
        def _chunk(c, c2):
            gc = s * _NCH + c
            pb = lax.rem(gc, _RD)
            fb = lax.rem(gc, _FD)
            pltpu.make_async_copy(_rec_src(c), rec_b.at[pb], sem_in).wait()
            cn = lax.rem(c + _RD - 1, _NCH)
            pltpu.make_async_copy(_rec_src(cn),
                                  rec_b.at[lax.rem(gc + _RD - 1, _RD)],
                                  sem_in).start()
            fo = pl.multiple_of(s * (_NT * _EP) + sid * _EP + c * _C, 8)

            @pl.when(gc >= _FD)
            def _():
                pltpu.make_async_copy(
                    flux_b.at[fb], Fst.at[pl.ds(0, _C)], sem_out).wait()

            @plsc.parallel_loop(0, _C // 16, 1, unroll=2)
            def _edge(v):
                o = v * 16
                sd = rec_b[pb, pl.ds(o, 16)]
                cf = plsc.bitcast(rec_b[pb, pl.ds(_C + o, 16)],
                                  jnp.float32)
                si = lax.bitwise_and(sd, 0xFFFF)
                di = lax.shift_right_logical(sd, 16)
                ts = plsc.load_gather(T_loc, [si])
                td = plsc.load_gather(T_loc, [di])
                fx = cf * (ts - td)
                flux_b[fb, pl.ds(o, 16)] = fx
                dr = lax.shift_right_logical(di, 7)
                dc = lax.bitwise_and(di, 127)
                sr = lax.shift_right_logical(si, 7)
                sc = lax.bitwise_and(si, 127)
                plsc.addupdate_scatter(acc, [dr, dc], fx)
                plsc.addupdate_scatter(acc, [sr, sc], -fx)

            pltpu.make_async_copy(flux_b.at[fb], Fst.at[pl.ds(fo, _C)],
                                  sem_out).start()
            return c2
        lax.fori_loop(0, _NCH, _chunk, 0)

        descs = []
        for v in range(_ROWS // 16):
            idxv = v * 16 + lane
            descs.append(pltpu.async_copy(
                acc.at[pl.ds(v * 16, 16)], acc_sh.at[idxv], sem_red,
                add=True))
        for d in descs:
            d.wait()
        plsc.subcore_barrier()

        pltpu.sync_copy(acc_sh.at[pl.ds(rbase, _RR)], heat_b)
        d_z = pltpu.make_async_copy(Pst.at[pl.ds(rbase, _RR)],
                                    acc_sh.at[pl.ds(rbase, _RR)], sem_z)
        d_z.start()

        @plsc.parallel_loop(0, _RR, 1, unroll=2)
        def _upd(r):
            for i in range(8):
                o = base + r * 128 + i * 16
                li = pl.ds(i * 16, 16)
                tv = T_loc[pl.ds(o, 16)]
                t2 = tv * tv
                t4 = t2 * t2
                pw = kl_b[r, li] * (t4 - _T_LIQUID4)
                tn = tv + (heat_b[r, li] - pw) * g_b[r, li]
                T_loc[pl.ds(o, 16)] = tn
                heat_b[r, li] = pw

        ot = pl.multiple_of((s + 1) * _NP + base, 8)
        d_t = pltpu.make_async_copy(T_loc.at[pl.ds(base, _NR)],
                                    Tst.at[pl.ds(ot, _NR)], sem_t)
        d_t.start()
        d_p = pltpu.make_async_copy(
            heat_b, Pst.at[pl.ds((s + 1) * _ROWS + rbase, _RR)], sem_p)
        d_p.start()
        d_p.wait()
        d_t.wait()
        d_z.wait()
        plsc.subcore_barrier()

        d_bc = pltpu.make_async_copy(
            Tst.at[pl.ds(pl.multiple_of((s + 1) * _NP, 8), _NP)], T_loc,
            sem_bc)
        d_bc.start()
        _splat_acc()
        d_bc.wait()
        return carry

    lax.fori_loop(0, _S, _step, 0)
    for c in range(_RD - 1):
        pltpu.make_async_copy(_rec_src(c), rec_b.at[c], sem_in).wait()
    for _ in range(_FD):
        pltpu.make_async_copy(flux_b.at[0], Fst.at[pl.ds(0, _C)],
                              sem_out).wait()


@jax.jit
def _run(rec, T_pad, kl2, g2, sh16):
    mesh = plsc.VectorSubcoreMesh(
        core_axis_name="c", subcore_axis_name="s", num_cores=1)
    f = functools.partial(
        pl.kernel,
        out_type=(
            jax.ShapeDtypeStruct(((_S + 1) * _NP,), jnp.float32),
            jax.ShapeDtypeStruct(((_S + 1) * _ROWS, 128), jnp.float32),
            jax.ShapeDtypeStruct((_S * _NT * _EP,), jnp.float32),
        ),
        mesh=mesh,
        compiler_params=pltpu.CompilerParams(
            needs_layout_passes=False, use_tc_tiling_on_sc=False),
        scratch_types=[
            pltpu.VMEM((_NP,), jnp.float32),
            pltpu.VMEM((_ROWS, 128), jnp.float32),
            pltpu.VMEM((_RD, _CW), jnp.int32),
            pltpu.VMEM((_FD, _C), jnp.float32),
            pltpu.VMEM((_RR, 128), jnp.float32),
            pltpu.VMEM((_RR, 128), jnp.float32),
            pltpu.VMEM((_RR, 128), jnp.float32),
            pltpu.VMEM((16,), jnp.float32),
            pltpu.SemaphoreType.DMA,
            pltpu.SemaphoreType.DMA,
            pltpu.SemaphoreType.DMA,
            pltpu.SemaphoreType.DMA,
            pltpu.SemaphoreType.DMA,
            pltpu.SemaphoreType.DMA,
            pltpu.SemaphoreType.DMA,
            pltpu.VMEM_SHARED((_ROWS, 128), jnp.float32),
        ],
    )(_heat_body)
    return f(rec, T_pad, kl2, g2, sh16)


def kernel(T, mass, L, kap_conductivity, edge_index, edge_A, edge_L,
           edge_conductivity, static_heat, specific_heat_capacity, time_step):
    src = edge_index[0]
    dst = edge_index[1]
    coef = edge_conductivity * edge_A / edge_L
    cap = mass * specific_heat_capacity[0] + 1e-6
    dt = time_step[0] * 1e-3
    pad = _NP - _N
    epad = _EP - _E // _NT

    sd = jax.lax.bitcast_convert_type(
        src.astype(jnp.uint32) | (dst.astype(jnp.uint32) << 16), jnp.int32)

    def _shard(x):
        return jnp.pad(x.reshape(_NT, _E // _NT), ((0, 0), (0, epad)))
    sdp = _shard(sd).reshape(_NT, _NCH, 1, _C)
    cfp = _shard(jax.lax.bitcast_convert_type(coef, jnp.int32))
    cfp = cfp.reshape(_NT, _NCH, 1, _C)
    rec = jnp.concatenate([sdp, cfp], axis=2).reshape(-1)

    T_pad = jnp.pad(T, (0, pad), constant_values=1.9)
    kl2 = jnp.pad(kap_conductivity * L, (0, pad)).reshape(_ROWS, 128)
    g2 = jnp.pad(dt / cap, (0, pad)).reshape(_ROWS, 128)
    sh16 = jnp.full((16,), static_heat[0] / _N, dtype=jnp.float32)

    Tst_p, Pst_p, Fst_p = _run(rec, T_pad, kl2, g2, sh16)

    Tst = Tst_p.reshape(_S + 1, _NP)[:, :_N].reshape(-1)
    Pst = Pst_p.reshape(_S + 1, _NP)[:, :_N].reshape(-1)
    Fst = Fst_p.reshape(_S, _NT, _EP)[:, :, :_E // _NT].reshape(-1)
    times = jnp.arange(_S + 1, dtype=jnp.float32) * time_step[0]
    return (times, Tst, Pst, Fst)

# --- scband reference (transcript-rebuilt; emitter-appended) ---
"""Pipeline reference for scband-heat-simplified-model-1228360646885 (READ-ONLY COPY).

The authoritative reference and input builder live on the scoring server;
editing this copy changes nothing except your own understanding.
"""

import jax, jax.numpy as jnp
import numpy as np

NUM_STEPS = 30
N_NODES = 50000
N_EDGES = 800000
T_LIQUID = 1.9


def setup_inputs(seed: int = 0):
    key = jax.random.key(seed)
    ks = jax.random.split(key, 12)
    return {
        "T": 1.9 + 0.5 * jax.random.uniform(ks[0], (N_NODES,), dtype=jnp.float32),
        "mass": 0.1 + jax.random.uniform(ks[1], (N_NODES,), dtype=jnp.float32),
        "L": 0.1 + jax.random.uniform(ks[2], (N_NODES,), dtype=jnp.float32),
        "kap_conductivity": jax.random.uniform(ks[3], (N_NODES,), dtype=jnp.float32),
        "edge_index": jax.random.randint(ks[4], (2, N_EDGES), 0, N_NODES, dtype=jnp.int32),
        "edge_A": jax.random.uniform(ks[5], (N_EDGES,), dtype=jnp.float32),
        "edge_L": 0.1 + jax.random.uniform(ks[6], (N_EDGES,), dtype=jnp.float32),
        "edge_conductivity": jax.random.uniform(ks[7], (N_EDGES,), dtype=jnp.float32),
        "static_heat": jax.random.uniform(ks[8], (1,), dtype=jnp.float32),
        "specific_heat_capacity": jnp.ones((1,), dtype=jnp.float32),
        "time_step": jnp.ones((1,), dtype=jnp.float32),
    }


def reference(T, mass, L, kap_conductivity, edge_index, edge_A, edge_L, edge_conductivity, static_heat, specific_heat_capacity, time_step):
    # Faithful jax translation of the unrolled heat-flux GNN simulation:
    #  - preprocessing: thermal capacity = mass * specific_heat_capacity (ThermalCapacityComputation)
    #  - per step: Kapitza induced heat density on cell->liquid edges (KapitzaInducedHeatDensityLayer,
    #    proportional to T^4 - T_liquid^4), conduction message passing over 'conduction' edges
    #    (HeatFluxConductionLayer: flux = k*A/L * (T_src - T_dst), scatter-add into nodes),
    #    temperature integration (IncreaseTemperature), power to BHX readout (PowerBHXLayer),
    #    time increment (IncreaseTimeLayer). Readouts are concatenated along axis 0 as in the
    #    keras.layers.Concatenate(axis=0) stacks of the original model.
    src = edge_index[0]
    dst = edge_index[1]
    cap = mass * specific_heat_capacity[0] + 1e-6
    dt = time_step[0] * 1e-3
    sh_per_node = static_heat[0] / N_NODES
    edge_coef = edge_conductivity * edge_A / edge_L
    t = jnp.zeros((), dtype=jnp.float32)
    times = [t.reshape(1)]
    T_list = [T]
    power_list = [jnp.zeros_like(T)]
    flux_list = []
    for _ in range(NUM_STEPS):
        # Kapitza heat density (cell2liquid edge update)
        q_kap = kap_conductivity * (jnp.power(T, 4) - T_LIQUID ** 4)
        # conduction edge update: heat flux and delta T along conduction edges
        delta_t = T[src] - T[dst]
        flux = edge_coef * delta_t
        # message passing: scatter-add flux into destination nodes, subtract at sources
        heat_in = jax.ops.segment_sum(flux, dst, num_segments=N_NODES) - jax.ops.segment_sum(flux, src, num_segments=N_NODES)
        # power transferred to bayonet heat exchanger per cell
        power_to_bhx = q_kap * L
        # temperature integration step
        T = T + dt * (heat_in + sh_per_node - power_to_bhx) / cap
        t = t + time_step[0]
        times.append(t.reshape(1))
        T_list.append(T)
        power_list.append(power_to_bhx)
        flux_list.append(flux)
    stack_of_time = jnp.concatenate(times, axis=0)
    stack_of_temperatures = jnp.concatenate(T_list, axis=0)
    stack_of_power_to_bhx = jnp.concatenate(power_list, axis=0)
    stack_of_heat_flux_conduction = jnp.concatenate(flux_list, axis=0)
    return (stack_of_time, stack_of_temperatures, stack_of_power_to_bhx, stack_of_heat_flux_conduction)

if __name__ == "__main__":
    import jax
    _d = setup_inputs()
    print(jax.jit(kernel)(*tuple(_d.values())))

</pallas_src>

<mosaic_0001>
#map = affine_map<(d0, d1) -> (0)>
#map1 = affine_map<(d0, d1) -> (0, 0)>
module attributes {stable_mosaic.version = 14 : i64} {
  func.func @_heat_body(%arg0: i32, %arg1: i32, %arg2: memref<1638400xi32, #tpu.memory_space<hbm>>, %arg3: memref<51200xf32, #tpu.memory_space<hbm>>, %arg4: memref<400x128xf32, #tpu.memory_space<hbm>>, %arg5: memref<400x128xf32, #tpu.memory_space<hbm>>, %arg6: memref<16xf32, #tpu.memory_space<hbm>>, %arg7: memref<1587200xf32, #tpu.memory_space<hbm>>, %arg8: memref<12400x128xf32, #tpu.memory_space<hbm>>, %arg9: memref<24576000xf32, #tpu.memory_space<hbm>>, %arg10: memref<51200xf32, #tpu.memory_space<vmem>>, %arg11: memref<400x128xf32, #tpu.memory_space<vmem>>, %arg12: memref<3x3200xi32, #tpu.memory_space<vmem>>, %arg13: memref<3x1600xf32, #tpu.memory_space<vmem>>, %arg14: memref<25x128xf32, #tpu.memory_space<vmem>>, %arg15: memref<25x128xf32, #tpu.memory_space<vmem>>, %arg16: memref<25x128xf32, #tpu.memory_space<vmem>>, %arg17: memref<16xf32, #tpu.memory_space<vmem>>, %arg18: memref<!tpu.dma_semaphore, #tpu.memory_space<semaphore_mem>>, %arg19: memref<!tpu.dma_semaphore, #tpu.memory_space<semaphore_mem>>, %arg20: memref<!tpu.dma_semaphore, #tpu.memory_space<semaphore_mem>>, %arg21: memref<!tpu.dma_semaphore, #tpu.memory_space<semaphore_mem>>, %arg22: memref<!tpu.dma_semaphore, #tpu.memory_space<semaphore_mem>>, %arg23: memref<!tpu.dma_semaphore, #tpu.memory_space<semaphore_mem>>, %arg24: memref<!tpu.dma_semaphore, #tpu.memory_space<semaphore_mem>>, %arg25: memref<400x128xf32, #tpu.memory_space<vmem_shared>>) attributes {dimension_semantics = [#tpu.dimension_semantics<core_parallel>, #tpu.dimension_semantics<subcore_parallel>], iteration_bounds = array<i64: 1, 16>, scalar_prefetch = 0 : i64, scratch_operands = 16 : i64, tpu.core_type = #tpu.core_type<sc_vector_subcore>, window_params = [{transform_indices = #map}, {transform_indices = #map}, {transform_indices = #map1}, {transform_indices = #map1}, {transform_indices = #map}, {transform_indices = #map}, {transform_indices = #map1}, {transform_indices = #map}]} {
    %mul3A = arith.constant 3200 : i32
    %mul3A_0 = arith.muli %arg1, %mul3A : i32
    %multiple_of3A = tpu.assume_multiple %mul3A_0, 8 : i32
    %mul3A_1 = arith.constant 25 : i32
    %mul3A_2 = arith.muli %arg1, %mul3A_1 : i32
    %broadcast_in_dim3A = arith.constant 0.000000e+00 : f32
    %broadcast_in_dim3A_3 = vector.broadcast %broadcast_in_dim3A : f32 to vector<16xf32>
    %iota3A = tpu.iota {dimensions = array<i32: 0>} : vector<16xi32>
    "tpu.region"() ({
      %run_scoped3A = tpu.sem_alloc : memref<!tpu.dma_semaphore, #tpu.memory_space<semaphore_mem>>
      tpu.enqueue_dma source(%arg3 : memref<51200xf32, #tpu.memory_space<hbm>>) target(%arg10 : memref<51200xf32, #tpu.memory_space<vmem>>) target_semaphore(%run_scoped3A : memref<!tpu.dma_semaphore, #tpu.memory_space<semaphore_mem>>)
      tpu.wait_dma2 semaphore(%run_scoped3A : memref<!tpu.dma_semaphore, #tpu.memory_space<semaphore_mem>>) src(%arg3 : memref<51200xf32, #tpu.memory_space<hbm>>) dst(%arg10 : memref<51200xf32, #tpu.memory_space<vmem>>)
      tpu.yield
    }) : () -> ()
    "tpu.region"() ({
      %run_scoped3A = tpu.sem_alloc : memref<!tpu.dma_semaphore, #tpu.memory_space<semaphore_mem>>
      %dma_start3A_115 = arith.constant 0 : i32
      %dma_start3A_116 = tpu.memref_slice %arg4[%mul3A_2, %dma_start3A_115] : memref<400x128xf32, #tpu.memory_space<hbm>> -> memref<25x128xf32, #tpu.memory_space<hbm>>
      %dma_start3A_117 = arith.constant 0 : i32
      %dma_start3A_118 = tpu.memref_slice %arg4[%mul3A_2, %dma_start3A_117] : memref<400x128xf32, #tpu.memory_space<hbm>> -> memref<25x128xf32, #tpu.memory_space<hbm>>
      tpu.enqueue_dma source(%dma_start3A_118 : memref<25x128xf32, #tpu.memory_space<hbm>>) target(%arg14 : memref<25x128xf32, #tpu.memory_space<vmem>>) target_semaphore(%run_scoped3A : memref<!tpu.dma_semaphore, #tpu.memory_space<semaphore_mem>>)
      %dma_wait3A_119 = arith.constant 0 : i32
      %dma_wait3A_120 = tpu.memref_slice %arg4[%mul3A_2, %dma_wait3A_119] : memref<400x128xf32, #tpu.memory_space<hbm>> -> memref<25x128xf32, #tpu.memory_space<hbm>>
      %dma_wait3A_121 = arith.constant 0 : i32
      %dma_wait3A_122 = tpu.memref_slice %arg4[%mul3A_2, %dma_wait3A_121] : memref<400x128xf32, #tpu.memory_space<hbm>> -> memref<25x128xf32, #tpu.memory_space<hbm>>
      tpu.wait_dma2 semaphore(%run_scoped3A : memref<!tpu.dma_semaphore, #tpu.memory_space<semaphore_mem>>) src(%dma_wait3A_122 : memref<25x128xf32, #tpu.memory_space<hbm>>) dst(%arg14 : memref<25x128xf32, #tpu.memory_space<vmem>>)
      tpu.yield
    }) : () -> ()
    "tpu.region"() ({
      %run_scoped3A = tpu.sem_alloc : memref<!tpu.dma_semaphore, #tpu.memory_space<semaphore_mem>>
      %dma_start3A_115 = arith.constant 0 : i32
      %dma_start3A_116 = tpu.memref_slice %arg5[%mul3A_2, %dma_start3A_115] : memref<400x128xf32, #tpu.memory_space<hbm>> -> memref<25x128xf32, #tpu.memory_space<hbm>>
      %dma_start3A_117 = arith.constant 0 : i32
      %dma_start3A_118 = tpu.memref_slice %arg5[%mul3A_2, %dma_start3A_117] : memref<400x128xf32, #tpu.memory_space<hbm>> -> memref<25x128xf32, #tpu.memory_space<hbm>>
      tpu.enqueue_dma source(%dma_start3A_118 : memref<25x128xf32, #tpu.memory_space<hbm>>) target(%arg15 : memref<25x128xf32, #tpu.memory_space<vmem>>) target_semaphore(%run_scoped3A : memref<!tpu.dma_semaphore, #tpu.memory_space<semaphore_mem>>)
      %dma_wait3A_119 = arith.constant 0 : i32
      %dma_wait3A_120 = tpu.memref_slice %arg5[%mul3A_2, %dma_wait3A_119] : memref<400x128xf32, #tpu.memory_space<hbm>> -> memref<25x128xf32, #tpu.memory_space<hbm>>
      %dma_wait3A_121 = arith.constant 0 : i32
      %dma_wait3A_122 = tpu.memref_slice %arg5[%mul3A_2, %dma_wait3A_121] : memref<400x128xf32, #tpu.memory_space<hbm>> -> memref<25x128xf32, #tpu.memory_space<hbm>>
      tpu.wait_dma2 semaphore(%run_scoped3A : memref<!tpu.dma_semaphore, #tpu.memory_space<semaphore_mem>>) src(%dma_wait3A_122 : memref<25x128xf32, #tpu.memory_space<hbm>>) dst(%arg15 : memref<25x128xf32, #tpu.memory_space<vmem>>)
      tpu.yield
    }) : () -> ()
    "tpu.region"() ({
      %run_scoped3A = tpu.sem_alloc : memref<!tpu.dma_semaphore, #tpu.memory_space<semaphore_mem>>
      tpu.enqueue_dma source(%arg6 : memref<16xf32, #tpu.memory_space<hbm>>) target(%arg17 : memref<16xf32, #tpu.memory_space<vmem>>) target_semaphore(%run_scoped3A : memref<!tpu.dma_semaphore, #tpu.memory_space<semaphore_mem>>)
      tpu.wait_dma2 semaphore(%run_scoped3A : memref<!tpu.dma_semaphore, #tpu.memory_space<semaphore_mem>>) src(%arg6 : memref<16xf32, #tpu.memory_space<hbm>>) dst(%arg17 : memref<16xf32, #tpu.memory_space<vmem>>)
      tpu.yield
    }) : () -> ()
    %get3A = arith.constant 0 : index
    %get3A_4 = tpu.vector_load %arg17[%get3A] {strides = array<i32>} : memref<16xf32, #tpu.memory_space<vmem>>, vector<16xf32>,
    %mul3A_5 = arith.constant 6.250000e-02 : f32
    %mul3A_6 = vector.broadcast %mul3A_5 : f32 to vector<16xf32>
    %mul3A_7 = arith.mulf %get3A_4, %mul3A_6 : vector<16xf32>
    %scan3A = arith.constant 0 : i32
    %scan3A_8 = arith.constant 0 : i32
    %scan3A_9 = arith.constant 25 : i32
    %scan3A_10 = arith.addi %scan3A_8, %scan3A_9 : i32
    %scan3A_11 = arith.constant 1 : i32
    scf.for %scan3A_115 = %scan3A_8 to %scan3A_10 step %scan3A_11  : i32 {
      %swap3A = arith.index_cast %scan3A_115 : i32 to index
      %swap3A_116 = arith.constant 0 : index
      %swap3A_117 = tpu.vector_load %arg16[%swap3A, %swap3A_116] {strides = array<i32>} : memref<25x128xf32, #tpu.memory_space<vmem>>, vector<16xf32>,
      tpu.vector_store %arg16[%swap3A, %swap3A_116], %broadcast_in_dim3A_3 {strides = array<i32>} : memref<25x128xf32, #tpu.memory_space<vmem>>, vector<16xf32>,
      %swap3A_118 = arith.index_cast %scan3A_115 : i32 to index
      %swap3A_119 = arith.constant 16 : index
      %swap3A_120 = tpu.vector_load %arg16[%swap3A_118, %swap3A_119] {strides = array<i32>} : memref<25x128xf32, #tpu.memory_space<vmem>>, vector<16xf32>,
      tpu.vector_store %arg16[%swap3A_118, %swap3A_119], %broadcast_in_dim3A_3 {strides = array<i32>} : memref<25x128xf32, #tpu.memory_space<vmem>>, vector<16xf32>,
      %swap3A_121 = arith.index_cast %scan3A_115 : i32 to index
      %swap3A_122 = arith.constant 32 : index
      %swap3A_123 = tpu.vector_load %arg16[%swap3A_121, %swap3A_122] {strides = array<i32>} : memref<25x128xf32, #tpu.memory_space<vmem>>, vector<16xf32>,
      tpu.vector_store %arg16[%swap3A_121, %swap3A_122], %broadcast_in_dim3A_3 {strides = array<i32>} : memref<25x128xf32, #tpu.memory_space<vmem>>, vector<16xf32>,
      %swap3A_124 = arith.index_cast %scan3A_115 : i32 to index
      %swap3A_125 = arith.constant 48 : index
      %swap3A_126 = tpu.vector_load %arg16[%swap3A_124, %swap3A_125] {strides = array<i32>} : memref<25x128xf32, #tpu.memory_space<vmem>>, vector<16xf32>,
      tpu.vector_store %arg16[%swap3A_124, %swap3A_125], %broadcast_in_dim3A_3 {strides = array<i32>} : memref<25x128xf32, #tpu.memory_space<vmem>>, vector<16xf32>,
      %swap3A_127 = arith.index_cast %scan3A_115 : i32 to index
      %swap3A_128 = arith.constant 64 : index
      %swap3A_129 = tpu.vector_load %arg16[%swap3A_127, %swap3A_128] {strides = array<i32>} : memref<25x128xf32, #tpu.memory_space<vmem>>, vector<16xf32>,
      tpu.vector_store %arg16[%swap3A_127, %swap3A_128], %broadcast_in_dim3A_3 {strides = array<i32>} : memref<25x128xf32, #tpu.memory_space<vmem>>, vector<16xf32>,
      %swap3A_130 = arith.index_cast %scan3A_115 : i32 to index
      %swap3A_131 = arith.constant 80 : index
      %swap3A_132 = tpu.vector_load %arg16[%swap3A_130, %swap3A_131] {strides = array<i32>} : memref<25x128xf32, #tpu.memory_space<vmem>>, vector<16xf32>,
      tpu.vector_store %arg16[%swap3A_130, %swap3A_131], %broadcast_in_dim3A_3 {strides = array<i32>} : memref<25x128xf32, #tpu.memory_space<vmem>>, vector<16xf32>,
      %swap3A_133 = arith.index_cast %scan3A_115 : i32 to index
      %swap3A_134 = arith.constant 96 : index
      %swap3A_135 = tpu.vector_load %arg16[%swap3A_133, %swap3A_134] {strides = array<i32>} : memref<25x128xf32, #tpu.memory_space<vmem>>, vector<16xf32>,
      tpu.vector_store %arg16[%swap3A_133, %swap3A_134], %broadcast_in_dim3A_3 {strides = array<i32>} : memref<25x128xf32, #tpu.memory_space<vmem>>, vector<16xf32>,
      %swap3A_136 = arith.index_cast %scan3A_115 : i32 to index
      %swap3A_137 = arith.constant 112 : index
      %swap3A_138 = tpu.vector_load %arg16[%swap3A_136, %swap3A_137] {strides = array<i32>} : memref<25x128xf32, #tpu.memory_space<vmem>>, vector<16xf32>,
      tpu.vector_store %arg16[%swap3A_136, %swap3A_137], %broadcast_in_dim3A_3 {strides = array<i32>} : memref<25x128xf32, #tpu.memory_space<vmem>>, vector<16xf32>,
    }
    %scan3A_12 = arith.constant 25 : i32
    "tpu.region"() ({
      %run_scoped3A = tpu.sem_alloc : memref<!tpu.dma_semaphore, #tpu.memory_space<semaphore_mem>>
      %dma_start3A_115 = arith.constant 0 : i32
      %dma_start3A_116 = tpu.memref_slice %arg25[%mul3A_2, %dma_start3A_115] : memref<400x128xf32, #tpu.memory_space<vmem_shared>> -> memref<25x128xf32, #tpu.memory_space<vmem_shared>>
      %dma_start3A_117 = arith.constant 0 : i32
      %dma_start3A_118 = tpu.memref_slice %arg25[%mul3A_2, %dma_start3A_117] : memref<400x128xf32, #tpu.memory_space<vmem_shared>> -> memref<25x128xf32, #tpu.memory_space<vmem_shared>>
      tpu.enqueue_dma source(%arg16 : memref<25x128xf32, #tpu.memory_space<vmem>>) target(%dma_start3A_118 : memref<25x128xf32, #tpu.memory_space<vmem_shared>>) target_semaphore(%run_scoped3A : memref<!tpu.dma_semaphore, #tpu.memory_space<semaphore_mem>>)
      %dma_wait3A_119 = arith.constant 0 : i32
      %dma_wait3A_120 = tpu.memref_slice %arg25[%mul3A_2, %dma_wait3A_119] : memref<400x128xf32, #tpu.memory_space<vmem_shared>> -> memref<25x128xf32, #tpu.memory_space<vmem_shared>>
      %dma_wait3A_121 = arith.constant 0 : i32
      %dma_wait3A_122 = tpu.memref_slice %arg25[%mul3A_2, %dma_wait3A_121] : memref<400x128xf32, #tpu.memory_space<vmem_shared>> -> memref<25x128xf32, #tpu.memory_space<vmem_shared>>
      tpu.wait_dma2 semaphore(%run_scoped3A : memref<!tpu.dma_semaphore, #tpu.memory_space<semaphore_mem>>) src(%arg16 : memref<25x128xf32, #tpu.memory_space<vmem>>) dst(%dma_wait3A_122 : memref<25x128xf32, #tpu.memory_space<vmem_shared>>)
      tpu.yield
    }) : () -> ()
    "tpu.region"() ({
      %run_scoped3A = tpu.sem_alloc : memref<!tpu.dma_semaphore, #tpu.memory_space<semaphore_mem>>
      %dma_start3A_115 = arith.constant 0 : i32
      %dma_start3A_116 = tpu.memref_slice %arg8[%mul3A_2, %dma_start3A_115] : memref<12400x128xf32, #tpu.memory_space<hbm>> -> memref<25x128xf32, #tpu.memory_space<hbm>>
      %dma_start3A_117 = arith.constant 0 : i32
      %dma_start3A_118 = tpu.memref_slice %arg8[%mul3A_2, %dma_start3A_117] : memref<12400x128xf32, #tpu.memory_space<hbm>> -> memref<25x128xf32, #tpu.memory_space<hbm>>
      tpu.enqueue_dma source(%arg16 : memref<25x128xf32, #tpu.memory_space<vmem>>) target(%dma_start3A_118 : memref<25x128xf32, #tpu.memory_space<hbm>>) target_semaphore(%run_scoped3A : memref<!tpu.dma_semaphore, #tpu.memory_space<semaphore_mem>>)
      %dma_wait3A_119 = arith.constant 0 : i32
      %dma_wait3A_120 = tpu.memref_slice %arg8[%mul3A_2, %dma_wait3A_119] : memref<12400x128xf32, #tpu.memory_space<hbm>> -> memref<25x128xf32, #tpu.memory_space<hbm>>
      %dma_wait3A_121 = arith.constant 0 : i32
      %dma_wait3A_122 = tpu.memref_slice %arg8[%mul3A_2, %dma_wait3A_121] : memref<12400x128xf32, #tpu.memory_space<hbm>> -> memref<25x128xf32, #tpu.memory_space<hbm>>
      tpu.wait_dma2 semaphore(%run_scoped3A : memref<!tpu.dma_semaphore, #tpu.memory_space<semaphore_mem>>) src(%arg16 : memref<25x128xf32, #tpu.memory_space<vmem>>) dst(%dma_wait3A_122 : memref<25x128xf32, #tpu.memory_space<hbm>>)
      tpu.yield
    }) : () -> ()
    "tpu.region"() ({
      %run_scoped3A = tpu.sem_alloc : memref<!tpu.dma_semaphore, #tpu.memory_space<semaphore_mem>>
      %dma_start3A_115 = tpu.memref_slice %arg10[%multiple_of3A] : memref<51200xf32, #tpu.memory_space<vmem>> -> memref<3200xf32, #tpu.memory_space<vmem>>
      %dma_start3A_116 = tpu.memref_slice %arg7[%multiple_of3A] : memref<1587200xf32, #tpu.memory_space<hbm>> -> memref<3200xf32, #tpu.memory_space<hbm>>
      %dma_start3A_117 = tpu.memref_slice %arg7[%multiple_of3A] : memref<1587200xf32, #tpu.memory_space<hbm>> -> memref<3200xf32, #tpu.memory_space<hbm>>
      %dma_start3A_118 = tpu.memref_slice %arg10[%multiple_of3A] : memref<51200xf32, #tpu.memory_space<vmem>> -> memref<3200xf32, #tpu.memory_space<vmem>>
      tpu.enqueue_dma source(%dma_start3A_118 : memref<3200xf32, #tpu.memory_space<vmem>>) target(%dma_start3A_117 : memref<3200xf32, #tpu.memory_space<hbm>>) target_semaphore(%run_scoped3A : memref<!tpu.dma_semaphore, #tpu.memory_space<semaphore_mem>>)
      %dma_wait3A_119 = tpu.memref_slice %arg10[%multiple_of3A] : memref<51200xf32, #tpu.memory_space<vmem>> -> memref<3200xf32, #tpu.memory_space<vmem>>
      %dma_wait3A_120 = tpu.memref_slice %arg7[%multiple_of3A] : memref<1587200xf32, #tpu.memory_space<hbm>> -> memref<3200xf32, #tpu.memory_space<hbm>>
      %dma_wait3A_121 = tpu.memref_slice %arg7[%multiple_of3A] : memref<1587200xf32, #tpu.memory_space<hbm>> -> memref<3200xf32, #tpu.memory_space<hbm>>
      %dma_wait3A_122 = tpu.memref_slice %arg10[%multiple_of3A] : memref<51200xf32, #tpu.memory_space<vmem>> -> memref<3200xf32, #tpu.memory_space<vmem>>
      tpu.wait_dma2 semaphore(%run_scoped3A : memref<!tpu.dma_semaphore, #tpu.memory_space<semaphore_mem>>) src(%dma_wait3A_122 : memref<3200xf32, #tpu.memory_space<vmem>>) dst(%dma_wait3A_121 : memref<3200xf32, #tpu.memory_space<hbm>>)
      tpu.yield
    }) : () -> ()
    %parallel_loop3A = arith.constant 0 : i32
    %parallel_loop3A_13 = arith.constant 400 : i32
    %parallel_loop3A_14 = arith.constant 1 : i32
    scf.for %parallel_loop3A_115 = %parallel_loop3A to %parallel_loop3A_13 step %parallel_loop3A_14  : i32 {
      %parallel_loop3A_116 = arith.index_cast %parallel_loop3A_115 : i32 to index
      %parallel_loop3A_117 = arith.constant 0 : index
      %parallel_loop3A_118 = tpu.vector_load %arg11[%parallel_loop3A_116, %parallel_loop3A_117] {strides = array<i32>} : memref<400x128xf32, #tpu.memory_space<vmem>>, vector<16xf32>,
      tpu.vector_store %arg11[%parallel_loop3A_116, %parallel_loop3A_117], %mul3A_7 {strides = array<i32>} : memref<400x128xf32, #tpu.memory_space<vmem>>, vector<16xf32>,
      %parallel_loop3A_119 = arith.index_cast %parallel_loop3A_115 : i32 to index
      %parallel_loop3A_120 = arith.constant 16 : index
      %parallel_loop3A_121 = tpu.vector_load %arg11[%parallel_loop3A_119, %parallel_loop3A_120] {strides = array<i32>} : memref<400x128xf32, #tpu.memory_space<vmem>>, vector<16xf32>,
      tpu.vector_store %arg11[%parallel_loop3A_119, %parallel_loop3A_120], %mul3A_7 {strides = array<i32>} : memref<400x128xf32, #tpu.memory_space<vmem>>, vector<16xf32>,
      %parallel_loop3A_122 = arith.index_cast %parallel_loop3A_115 : i32 to index
      %parallel_loop3A_123 = arith.constant 32 : index
      %parallel_loop3A_124 = tpu.vector_load %arg11[%parallel_loop3A_122, %parallel_loop3A_123] {strides = array<i32>} : memref<400x128xf32, #tpu.memory_space<vmem>>, vector<16xf32>,
      tpu.vector_store %arg11[%parallel_loop3A_122, %parallel_loop3A_123], %mul3A_7 {strides = array<i32>} : memref<400x128xf32, #tpu.memory_space<vmem>>, vector<16xf32>,
      %parallel_loop3A_125 = arith.index_cast %parallel_loop3A_115 : i32 to index
      %parallel_loop3A_126 = arith.constant 48 : index
      %parallel_loop3A_127 = tpu.vector_load %arg11[%parallel_loop3A_125, %parallel_loop3A_126] {strides = array<i32>} : memref<400x128xf32, #tpu.memory_space<vmem>>, vector<16xf32>,
      tpu.vector_store %arg11[%parallel_loop3A_125, %parallel_loop3A_126], %mul3A_7 {strides = array<i32>} : memref<400x128xf32, #tpu.memory_space<vmem>>, vector<16xf32>,
      %parallel_loop3A_128 = arith.index_cast %parallel_loop3A_115 : i32 to index
      %parallel_loop3A_129 = arith.constant 64 : index
      %parallel_loop3A_130 = tpu.vector_load %arg11[%parallel_loop3A_128, %parallel_loop3A_129] {strides = array<i32>} : memref<400x128xf32, #tpu.memory_space<vmem>>, vector<16xf32>,
      tpu.vector_store %arg11[%parallel_loop3A_128, %parallel_loop3A_129], %mul3A_7 {strides = array<i32>} : memref<400x128xf32, #tpu.memory_space<vmem>>, vector<16xf32>,
      %parallel_loop3A_131 = arith.index_cast %parallel_loop3A_115 : i32 to index
      %parallel_loop3A_132 = arith.constant 80 : index
      %parallel_loop3A_133 = tpu.vector_load %arg11[%parallel_loop3A_131, %parallel_loop3A_132] {strides = array<i32>} : memref<400x128xf32, #tpu.memory_space<vmem>>, vector<16xf32>,
      tpu.vector_store %arg11[%parallel_loop3A_131, %parallel_loop3A_132], %mul3A_7 {strides = array<i32>} : memref<400x128xf32, #tpu.memory_space<vmem>>, vector<16xf32>,
      %parallel_loop3A_134 = arith.index_cast %parallel_loop3A_115 : i32 to index
      %parallel_loop3A_135 = arith.constant 96 : index
      %parallel_loop3A_136 = tpu.vector_load %arg11[%parallel_loop3A_134, %parallel_loop3A_135] {strides = array<i32>} : memref<400x128xf32, #tpu.memory_space<vmem>>, vector<16xf32>,
      tpu.vector_store %arg11[%parallel_loop3A_134, %parallel_loop3A_135], %mul3A_7 {strides = array<i32>} : memref<400x128xf32, #tpu.memory_space<vmem>>, vector<16xf32>,
      %parallel_loop3A_137 = arith.index_cast %parallel_loop3A_115 : i32 to index
      %parallel_loop3A_138 = arith.constant 112 : index
      %parallel_loop3A_139 = tpu.vector_load %arg11[%parallel_loop3A_137, %parallel_loop3A_138] {strides = array<i32>} : memref<400x128xf32, #tpu.memory_space<vmem>>, vector<16xf32>,
      tpu.vector_store %arg11[%parallel_loop3A_137, %parallel_loop3A_138], %mul3A_7 {strides = array<i32>} : memref<400x128xf32, #tpu.memory_space<vmem>>, vector<16xf32>,
    } {sc.loop_unroll_factor = 4 : i64, sc.parallel_access}
    %mul3A_15 = arith.constant 32 : i32
    %mul3A_16 = arith.muli %arg1, %mul3A_15 : i32
    %add3A = arith.constant 0 : i32
    %add3A_17 = arith.addi %mul3A_16, %add3A : i32
    %mul3A_18 = arith.constant 3200 : i32
    %mul3A_19 = arith.muli %add3A_17, %mul3A_18 : i32
    %multiple_of3A_20 = tpu.assume_multiple %mul3A_19, 8 : i32
    %dma_start3A = arith.constant 0 : i32
    %dma_start3A_21 = arith.constant 0 : i32
    %dma_start3A_22 = tpu.memref_slice %arg12[%dma_start3A, %dma_start3A_21] : memref<3x3200xi32, #tpu.memory_space<vmem>> -> memref<1x3200xi32, #tpu.memory_space<vmem>>
    %dma_start3A_23 = tpu.memref_squeeze %dma_start3A_22 : memref<1x3200xi32, #tpu.memory_space<vmem>> -> memref<3200xi32, #tpu.memory_space<vmem>>
    %dma_start3A_24 = tpu.memref_slice %arg2[%multiple_of3A_20] : memref<1638400xi32, #tpu.memory_space<hbm>> -> memref<3200xi32, #tpu.memory_space<hbm>>
    %dma_start3A_25 = arith.constant 0 : i32
    %dma_start3A_26 = tpu.memref_slice %arg12[%dma_start3A, %dma_start3A_25] : memref<3x3200xi32, #tpu.memory_space<vmem>> -> memref<1x3200xi32, #tpu.memory_space<vmem>>
    %dma_start3A_27 = tpu.memref_squeeze %dma_start3A_26 : memref<1x3200xi32, #tpu.memory_space<vmem>> -> memref<3200xi32, #tpu.memory_space<vmem>>
    %dma_start3A_28 = tpu.memref_slice %arg2[%multiple_of3A_20] : memref<1638400xi32, #tpu.memory_space<hbm>> -> memref<3200xi32, #tpu.memory_space<hbm>>
    tpu.enqueue_dma source(%dma_start3A_28 : memref<3200xi32, #tpu.memory_space<hbm>>) target(%dma_start3A_27 : memref<3200xi32, #tpu.memory_space<vmem>>) target_semaphore(%arg18 : memref<!tpu.dma_semaphore, #tpu.memory_space<semaphore_mem>>)
    %mul3A_29 = arith.constant 32 : i32
    %mul3A_30 = arith.muli %arg1, %mul3A_29 : i32
    %add3A_31 = arith.constant 1 : i32
    %add3A_32 = arith.addi %mul3A_30, %add3A_31 : i32
    %mul3A_33 = arith.constant 3200 : i32
    %mul3A_34 = arith.muli %add3A_32, %mul3A_33 : i32
    %multiple_of3A_35 = tpu.assume_multiple %mul3A_34, 8 : i32
    %dma_start3A_36 = arith.constant 1 : i32
    %dma_start3A_37 = arith.constant 0 : i32
    %dma_start3A_38 = tpu.memref_slice %arg12[%dma_start3A_36, %dma_start3A_37] : memref<3x3200xi32, #tpu.memory_space<vmem>> -> memref<1x3200xi32, #tpu.memory_space<vmem>>
    %dma_start3A_39 = tpu.memref_squeeze %dma_start3A_38 : memref<1x3200xi32, #tpu.memory_space<vmem>> -> memref<3200xi32, #tpu.memory_space<vmem>>
    %dma_start3A_40 = tpu.memref_slice %arg2[%multiple_of3A_35] : memref<1638400xi32, #tpu.memory_space<hbm>> -> memref<3200xi32, #tpu.memory_space<hbm>>
    %dma_start3A_41 = arith.constant 0 : i32
    %dma_start3A_42 = tpu.memref_slice %arg12[%dma_start3A_36, %dma_start3A_41] : memref<3x3200xi32, #tpu.memory_space<vmem>> -> memref<1x3200xi32, #tpu.memory_space<vmem>>
    %dma_start3A_43 = tpu.memref_squeeze %dma_start3A_42 : memref<1x3200xi32, #tpu.memory_space<vmem>> -> memref<3200xi32, #tpu.memory_space<vmem>>
    %dma_start3A_44 = tpu.memref_slice %arg2[%multiple_of3A_35] : memref<1638400xi32, #tpu.memory_space<hbm>> -> memref<3200xi32, #tpu.memory_space<hbm>>
    tpu.enqueue_dma source(%dma_start3A_44 : memref<3200xi32, #tpu.memory_space<hbm>>) target(%dma_start3A_43 : memref<3200xi32, #tpu.memory_space<vmem>>) target_semaphore(%arg18 : memref<!tpu.dma_semaphore, #tpu.memory_space<semaphore_mem>>)
    %barrier3A = arith.constant 0 : index
    tpu.barrier barrier_id(%barrier3A)
    %scan3A_45 = arith.constant 0 : i32
    %scan3A_46 = arith.constant 0 : i32
    %scan3A_47 = arith.constant 30 : i32
    %scan3A_48 = arith.addi %scan3A_46, %scan3A_47 : i32
    %scan3A_49 = arith.constant 1 : i32
    scf.for %scan3A_115 = %scan3A_46 to %scan3A_48 step %scan3A_49  : i32 {
      %scan3A_116 = arith.constant 0 : i32
      %scan3A_117 = arith.constant 0 : i32
      %scan3A_118 = arith.constant 32 : i32
      %scan3A_119 = arith.addi %scan3A_117, %scan3A_118 : i32
      %scan3A_120 = arith.constant 1 : i32
      scf.for %scan3A_549 = %scan3A_117 to %scan3A_119 step %scan3A_120  : i32 {
        %mul3A_550 = arith.constant 32 : i32
        %mul3A_551 = arith.muli %scan3A_115, %mul3A_550 : i32
        %add3A_552 = arith.addi %mul3A_551, %scan3A_549 : i32
        %rem3A = arith.constant 3 : i32
        %rem3A_553 = arith.remsi %add3A_552, %rem3A : i32
        %rem3A_554 = arith.constant 3 : i32
        %rem3A_555 = arith.remsi %add3A_552, %rem3A_554 : i32
        %mul3A_556 = arith.constant 32 : i32
        %mul3A_557 = arith.muli %arg1, %mul3A_556 : i32
        %add3A_558 = arith.addi %mul3A_557, %scan3A_549 : i32
        %mul3A_559 = arith.constant 3200 : i32
        %mul3A_560 = arith.muli %add3A_558, %mul3A_559 : i32
        %multiple_of3A_561 = tpu.assume_multiple %mul3A_560, 8 : i32
        %dma_wait3A_562 = arith.constant 0 : i32
        %dma_wait3A_563 = tpu.memref_slice %arg12[%rem3A_553, %dma_wait3A_562] : memref<3x3200xi32, #tpu.memory_space<vmem>> -> memref<1x3200xi32, #tpu.memory_space<vmem>>
        %dma_wait3A_564 = tpu.memref_squeeze %dma_wait3A_563 : memref<1x3200xi32, #tpu.memory_space<vmem>> -> memref<3200xi32, #tpu.memory_space<vmem>>
        %dma_wait3A_565 = tpu.memref_slice %arg2[%multiple_of3A_561] : memref<1638400xi32, #tpu.memory_space<hbm>> -> memref<3200xi32, #tpu.memory_space<hbm>>
        %dma_wait3A_566 = arith.constant 0 : i32
        %dma_wait3A_567 = tpu.memref_slice %arg12[%rem3A_553, %dma_wait3A_566] : memref<3x3200xi32, #tpu.memory_space<vmem>> -> memref<1x3200xi32, #tpu.memory_space<vmem>>
        %dma_wait3A_568 = tpu.memref_squeeze %dma_wait3A_567 : memref<1x3200xi32, #tpu.memory_space<vmem>> -> memref<3200xi32, #tpu.memory_space<vmem>>
        %dma_wait3A_569 = tpu.memref_slice %arg2[%multiple_of3A_561] : memref<1638400xi32, #tpu.memory_space<hbm>> -> memref<3200xi32, #tpu.memory_space<hbm>>
        tpu.wait_dma2 semaphore(%arg18 : memref<!tpu.dma_semaphore, #tpu.memory_space<semaphore_mem>>) src(%dma_wait3A_569 : memref<3200xi32, #tpu.memory_space<hbm>>) dst(%dma_wait3A_568 : memref<3200xi32, #tpu.memory_space<vmem>>)
        %add3A_570 = arith.constant 3 : i32
        %add3A_571 = arith.addi %scan3A_549, %add3A_570 : i32
        %sub3A = arith.constant 1 : i32
        %sub3A_572 = arith.subi %add3A_571, %sub3A : i32
        %rem3A_573 = arith.constant 32 : i32
        %rem3A_574 = arith.remsi %sub3A_572, %rem3A_573 : i32
        %mul3A_575 = arith.constant 32 : i32
        %mul3A_576 = arith.muli %arg1, %mul3A_575 : i32
        %add3A_577 = arith.addi %mul3A_576, %rem3A_574 : i32
        %mul3A_578 = arith.constant 3200 : i32
        %mul3A_579 = arith.muli %add3A_577, %mul3A_578 : i32
        %multiple_of3A_580 = tpu.assume_multiple %mul3A_579, 8 : i32
        %add3A_581 = arith.constant 3 : i32
        %add3A_582 = arith.addi %add3A_552, %add3A_581 : i32
        %sub3A_583 = arith.constant 1 : i32
        %sub3A_584 = arith.subi %add3A_582, %sub3A_583 : i32
        %rem3A_585 = arith.constant 3 : i32
        %rem3A_586 = arith.remsi %sub3A_584, %rem3A_585 : i32
        %dma_start3A_587 = arith.constant 0 : i32
        %dma_start3A_588 = tpu.memref_slice %arg12[%rem3A_586, %dma_start3A_587] : memref<3x3200xi32, #tpu.memory_space<vmem>> -> memref<1x3200xi32, #tpu.memory_space<vmem>>
        %dma_start3A_589 = tpu.memref_squeeze %dma_start3A_588 : memref<1x3200xi32, #tpu.memory_space<vmem>> -> memref<3200xi32, #tpu.memory_space<vmem>>
        %dma_start3A_590 = tpu.memref_slice %arg2[%multiple_of3A_580] : memref<1638400xi32, #tpu.memory_space<hbm>> -> memref<3200xi32, #tpu.memory_space<hbm>>
        %dma_start3A_591 = arith.constant 0 : i32
        %dma_start3A_592 = tpu.memref_slice %arg12[%rem3A_586, %dma_start3A_591] : memref<3x3200xi32, #tpu.memory_space<vmem>> -> memref<1x3200xi32, #tpu.memory_space<vmem>>
        %dma_start3A_593 = tpu.memref_squeeze %dma_start3A_592 : memref<1x3200xi32, #tpu.memory_space<vmem>> -> memref<3200xi32, #tpu.memory_space<vmem>>
        %dma_start3A_594 = tpu.memref_slice %arg2[%multiple_of3A_580] : memref<1638400xi32, #tpu.memory_space<hbm>> -> memref<3200xi32, #tpu.memory_space<hbm>>
        tpu.enqueue_dma source(%dma_start3A_594 : memref<3200xi32, #tpu.memory_space<hbm>>) target(%dma_start3A_593 : memref<3200xi32, #tpu.memory_space<vmem>>) target_semaphore(%arg18 : memref<!tpu.dma_semaphore, #tpu.memory_space<semaphore_mem>>)
        %mul3A_595 = arith.constant 819200 : i32
        %mul3A_596 = arith.muli %scan3A_115, %mul3A_595 : i32
        %mul3A_597 = arith.constant 51200 : i32
        %mul3A_598 = arith.muli %arg1, %mul3A_597 : i32
        %add3A_599 = arith.addi %mul3A_596, %mul3A_598 : i32
        %mul3A_600 = arith.constant 1600 : i32
        %mul3A_601 = arith.muli %scan3A_549, %mul3A_600 : i32
        %add3A_602 = arith.addi %add3A_599, %mul3A_601 : i32
        %multiple_of3A_603 = tpu.assume_multiple %add3A_602, 8 : i32
        %ge3A = arith.constant 3 : i32
        %ge3A_604 = arith.cmpi sge, %add3A_552, %ge3A : i32
        %convert_element_type3A = arith.extui %ge3A_604 : i1 to i32
        %cond3A = arith.constant 0 : i32
        %cond3A_605 = arith.cmpi ne, %convert_element_type3A, %cond3A : i32
        scf.if %cond3A_605 {
          %dma_wait3A_617 = arith.constant 0 : i32
          %dma_wait3A_618 = tpu.memref_slice %arg13[%rem3A_555, %dma_wait3A_617] : memref<3x1600xf32, #tpu.memory_space<vmem>> -> memref<1x1600xf32, #tpu.memory_space<vmem>>
          %dma_wait3A_619 = tpu.memref_squeeze %dma_wait3A_618 : memref<1x1600xf32, #tpu.memory_space<vmem>> -> memref<1600xf32, #tpu.memory_space<vmem>>
          %dma_wait3A_620 = arith.constant 0 : i32
          %dma_wait3A_621 = tpu.memref_slice %arg9[%dma_wait3A_620] : memref<24576000xf32, #tpu.memory_space<hbm>> -> memref<1600xf32, #tpu.memory_space<hbm>>
          %dma_wait3A_622 = arith.constant 0 : i32
          %dma_wait3A_623 = tpu.memref_slice %arg9[%dma_wait3A_622] : memref<24576000xf32, #tpu.memory_space<hbm>> -> memref<1600xf32, #tpu.memory_space<hbm>>
          %dma_wait3A_624 = arith.constant 0 : i32
          %dma_wait3A_625 = tpu.memref_slice %arg13[%rem3A_555, %dma_wait3A_624] : memref<3x1600xf32, #tpu.memory_space<vmem>> -> memref<1x1600xf32, #tpu.memory_space<vmem>>
          %dma_wait3A_626 = tpu.memref_squeeze %dma_wait3A_625 : memref<1x1600xf32, #tpu.memory_space<vmem>> -> memref<1600xf32, #tpu.memory_space<vmem>>
          tpu.wait_dma2 semaphore(%arg19 : memref<!tpu.dma_semaphore, #tpu.memory_space<semaphore_mem>>) src(%dma_wait3A_626 : memref<1600xf32, #tpu.memory_space<vmem>>) dst(%dma_wait3A_623 : memref<1600xf32, #tpu.memory_space<hbm>>)
        } else {
        }
        %parallel_loop3A_606 = arith.constant 0 : i32
        %parallel_loop3A_607 = arith.constant 100 : i32
        %parallel_loop3A_608 = arith.constant 1 : i32
        scf.for %parallel_loop3A_617 = %parallel_loop3A_606 to %parallel_loop3A_607 step %parallel_loop3A_608  : i32 {
          %parallel_loop3A_618 = arith.constant 16 : i32
          %parallel_loop3A_619 = arith.muli %parallel_loop3A_617, %parallel_loop3A_618 : i32
          %parallel_loop3A_620 = arith.index_cast %rem3A_553 : i32 to index
          %parallel_loop3A_621 = arith.index_cast %parallel_loop3A_619 : i32 to index
          %parallel_loop3A_622 = tpu.vector_load %arg12[%parallel_loop3A_620, %parallel_loop3A_621] {strides = array<i32>} : memref<3x3200xi32, #tpu.memory_space<vmem>>, vector<16xi32>,
          %parallel_loop3A_623 = arith.constant 1600 : i32
          %parallel_loop3A_624 = arith.addi %parallel_loop3A_623, %parallel_loop3A_619 : i32
          %parallel_loop3A_625 = arith.index_cast %rem3A_553 : i32 to index
          %parallel_loop3A_626 = arith.index_cast %parallel_loop3A_624 : i32 to index
          %parallel_loop3A_627 = tpu.vector_load %arg12[%parallel_loop3A_625, %parallel_loop3A_626] {strides = array<i32>} : memref<3x3200xi32, #tpu.memory_space<vmem>>, vector<16xi32>,
          %parallel_loop3A_628 = vector.bitcast %parallel_loop3A_627 : vector<16xi32> to vector<16xf32>
          %parallel_loop3A_629 = arith.constant 65535 : i32
          %parallel_loop3A_630 = vector.broadcast %parallel_loop3A_629 : i32 to vector<16xi32>
          %parallel_loop3A_631 = arith.andi %parallel_loop3A_622, %parallel_loop3A_630 : vector<16xi32>
          %parallel_loop3A_632 = arith.constant 16 : i32
          %parallel_loop3A_633 = vector.broadcast %parallel_loop3A_632 : i32 to vector<16xi32>
          %parallel_loop3A_634 = arith.shrui %parallel_loop3A_622, %parallel_loop3A_633 : vector<16xi32>
          %parallel_loop3A_635 = tpu.vector_load_idx %arg10[%parallel_loop3A_631] : memref<51200xf32, #tpu.memory_space<vmem>>[vector<16xi32>], vector<16xf32>,
          %parallel_loop3A_636 = tpu.vector_load_idx %arg10[%parallel_loop3A_634] : memref<51200xf32, #tpu.memory_space<vmem>>[vector<16xi32>], vector<16xf32>,
          %parallel_loop3A_637 = arith.subf %parallel_loop3A_635, %parallel_loop3A_636 : vector<16xf32>
          %parallel_loop3A_638 = arith.mulf %parallel_loop3A_628, %parallel_loop3A_637 : vector<16xf32>
          %parallel_loop3A_639 = arith.index_cast %rem3A_555 : i32 to index
          %parallel_loop3A_640 = arith.index_cast %parallel_loop3A_619 : i32 to index
          %parallel_loop3A_641 = tpu.vector_load %arg13[%parallel_loop3A_639, %parallel_loop3A_640] {strides = array<i32>} : memref<3x1600xf32, #tpu.memory_space<vmem>>, vector<16xf32>,
          tpu.vector_store %arg13[%parallel_loop3A_639, %parallel_loop3A_640], %parallel_loop3A_638 {strides = array<i32>} : memref<3x1600xf32, #tpu.memory_space<vmem>>, vector<16xf32>,
          %parallel_loop3A_642 = arith.constant 7 : i32
          %parallel_loop3A_643 = vector.broadcast %parallel_loop3A_642 : i32 to vector<16xi32>
          %parallel_loop3A_644 = arith.shrui %parallel_loop3A_634, %parallel_loop3A_643 : vector<16xi32>
          %parallel_loop3A_645 = arith.constant 127 : i32
          %parallel_loop3A_646 = vector.broadcast %parallel_loop3A_645 : i32 to vector<16xi32>
          %parallel_loop3A_647 = arith.andi %parallel_loop3A_634, %parallel_loop3A_646 : vector<16xi32>
          %parallel_loop3A_648 = arith.constant 7 : i32
          %parallel_loop3A_649 = vector.broadcast %parallel_loop3A_648 : i32 to vector<16xi32>
          %parallel_loop3A_650 = arith.shrui %parallel_loop3A_631, %parallel_loop3A_649 : vector<16xi32>
          %parallel_loop3A_651 = arith.constant 127 : i32
          %parallel_loop3A_652 = vector.broadcast %parallel_loop3A_651 : i32 to vector<16xi32>
          %parallel_loop3A_653 = arith.andi %parallel_loop3A_631, %parallel_loop3A_652 : vector<16xi32>
          tpu.vector_store_idx %arg11[%parallel_loop3A_644, %parallel_loop3A_647], %parallel_loop3A_638 {add = true} : memref<400x128xf32, #tpu.memory_space<vmem>>[vector<16xi32>, vector<16xi32>], vector<16xf32>,
          %parallel_loop3A_654 = arith.constant 0.000000e+00 : f32
          %parallel_loop3A_655 = vector.broadcast %parallel_loop3A_654 : f32 to vector<16xf32>
          %parallel_loop3A_656 = arith.subf %parallel_loop3A_655, %parallel_loop3A_638 : vector<16xf32>
          tpu.vector_store_idx %arg11[%parallel_loop3A_650, %parallel_loop3A_653], %parallel_loop3A_656 {add = true} : memref<400x128xf32, #tpu.memory_space<vmem>>[vector<16xi32>, vector<16xi32>], vector<16xf32>,
        } {sc.loop_unroll_factor = 2 : i64, sc.parallel_access}
        %dma_start3A_609 = arith.constant 0 : i32
        %dma_start3A_610 = tpu.memref_slice %arg13[%rem3A_555, %dma_start3A_609] : memref<3x1600xf32, #tpu.memory_space<vmem>> -> memref<1x1600xf32, #tpu.memory_space<vmem>>
        %dma_start3A_611 = tpu.memref_squeeze %dma_start3A_610 : memref<1x1600xf32, #tpu.memory_space<vmem>> -> memref<1600xf32, #tpu.memory_space<vmem>>
        %dma_start3A_612 = tpu.memref_slice %arg9[%multiple_of3A_603] : memref<24576000xf32, #tpu.memory_space<hbm>> -> memref<1600xf32, #tpu.memory_space<hbm>>
        %dma_start3A_613 = tpu.memref_slice %arg9[%multiple_of3A_603] : memref<24576000xf32, #tpu.memory_space<hbm>> -> memref<1600xf32, #tpu.memory_space<hbm>>
        %dma_start3A_614 = arith.constant 0 : i32
        %dma_start3A_615 = tpu.memref_slice %arg13[%rem3A_555, %dma_start3A_614] : memref<3x1600xf32, #tpu.memory_space<vmem>> -> memref<1x1600xf32, #tpu.memory_space<vmem>>
        %dma_start3A_616 = tpu.memref_squeeze %dma_start3A_615 : memref<1x1600xf32, #tpu.memory_space<vmem>> -> memref<1600xf32, #tpu.memory_space<vmem>>
        tpu.enqueue_dma source(%dma_start3A_616 : memref<1600xf32, #tpu.memory_space<vmem>>) target(%dma_start3A_613 : memref<1600xf32, #tpu.memory_space<hbm>>) target_semaphore(%arg19 : memref<!tpu.dma_semaphore, #tpu.memory_space<semaphore_mem>>)
      }
      %scan3A_121 = arith.constant 32 : i32
      %add3A_122 = arith.constant 0 : i32
      %add3A_123 = vector.broadcast %add3A_122 : i32 to vector<16xi32>
      %add3A_124 = arith.addi %add3A_123, %iota3A : vector<16xi32>
      %dma_start3A_125 = arith.constant 0 : i32
      %dma_start3A_126 = arith.constant 0 : i32
      %dma_start3A_127 = tpu.memref_slice %arg11[%dma_start3A_125, %dma_start3A_126] : memref<400x128xf32, #tpu.memory_space<vmem>> -> memref<16x128xf32, #tpu.memory_space<vmem>>
      %dma_start3A_128 = arith.constant 0 : i32
      %dma_start3A_129 = arith.constant 0 : i32
      %dma_start3A_130 = tpu.memref_slice %arg25[%dma_start3A_128, %dma_start3A_129] : memref<400x128xf32, #tpu.memory_space<vmem_shared>> -> memref<400x128xf32, #tpu.memory_space<vmem_shared>>
      tpu.enqueue_indirect_dma source(%dma_start3A_127 : memref<16x128xf32, #tpu.memory_space<vmem>>) target(%dma_start3A_130 : memref<400x128xf32, #tpu.memory_space<vmem_shared>>) offsets(%add3A_124 : vector<16xi32>) semaphore(%arg22 : memref<!tpu.dma_semaphore, #tpu.memory_space<semaphore_mem>>) {add = true}
      %add3A_131 = arith.constant 16 : i32
      %add3A_132 = vector.broadcast %add3A_131 : i32 to vector<16xi32>
      %add3A_133 = arith.addi %add3A_132, %iota3A : vector<16xi32>
      %dma_start3A_134 = arith.constant 16 : i32
      %dma_start3A_135 = arith.constant 0 : i32
      %dma_start3A_136 = tpu.memref_slice %arg11[%dma_start3A_134, %dma_start3A_135] : memref<400x128xf32, #tpu.memory_space<vmem>> -> memref<16x128xf32, #tpu.memory_space<vmem>>
      %dma_start3A_137 = arith.constant 0 : i32
      %dma_start3A_138 = arith.constant 0 : i32
      %dma_start3A_139 = tpu.memref_slice %arg25[%dma_start3A_137, %dma_start3A_138] : memref<400x128xf32, #tpu.memory_space<vmem_shared>> -> memref<400x128xf32, #tpu.memory_space<vmem_shared>>
      tpu.enqueue_indirect_dma source(%dma_start3A_136 : memref<16x128xf32, #tpu.memory_space<vmem>>) target(%dma_start3A_139 : memref<400x128xf32, #tpu.memory_space<vmem_shared>>) offsets(%add3A_133 : vector<16xi32>) semaphore(%arg22 : memref<!tpu.dma_semaphore, #tpu.memory_space<semaphore_mem>>) {add = true}
      %add3A_140 = arith.constant 32 : i32
      %add3A_141 = vector.broadcast %add3A_140 : i32 to vector<16xi32>
      %add3A_142 = arith.addi %add3A_141, %iota3A : vector<16xi32>
      %dma_start3A_143 = arith.constant 32 : i32
      %dma_start3A_144 = arith.constant 0 : i32
      %dma_start3A_145 = tpu.memref_slice %arg11[%dma_start3A_143, %dma_start3A_144] : memref<400x128xf32, #tpu.memory_space<vmem>> -> memref<16x128xf32, #tpu.memory_space<vmem>>
      %dma_start3A_146 = arith.constant 0 : i32
      %dma_start3A_147 = arith.constant 0 : i32
      %dma_start3A_148 = tpu.memref_slice %arg25[%dma_start3A_146, %dma_start3A_147] : memref<400x128xf32, #tpu.memory_space<vmem_shared>> -> memref<400x128xf32, #tpu.memory_space<vmem_shared>>
      tpu.enqueue_indirect_dma source(%dma_start3A_145 : memref<16x128xf32, #tpu.memory_space<vmem>>) target(%dma_start3A_148 : memref<400x128xf32, #tpu.memory_space<vmem_shared>>) offsets(%add3A_142 : vector<16xi32>) semaphore(%arg22 : memref<!tpu.dma_semaphore, #tpu.memory_space<semaphore_mem>>) {add = true}
      %add3A_149 = arith.constant 48 : i32
      %add3A_150 = vector.broadcast %add3A_149 : i32 to vector<16xi32>
      %add3A_151 = arith.addi %add3A_150, %iota3A : vector<16xi32>
      %dma_start3A_152 = arith.constant 48 : i32
      %dma_start3A_153 = arith.constant 0 : i32
      %dma_start3A_154 = tpu.memref_slice %arg11[%dma_start3A_152, %dma_start3A_153] : memref<400x128xf32, #tpu.memory_space<vmem>> -> memref<16x128xf32, #tpu.memory_space<vmem>>
      %dma_start3A_155 = arith.constant 0 : i32
      %dma_start3A_156 = arith.constant 0 : i32
      %dma_start3A_157 = tpu.memref_slice %arg25[%dma_start3A_155, %dma_start3A_156] : memref<400x128xf32, #tpu.memory_space<vmem_shared>> -> memref<400x128xf32, #tpu.memory_space<vmem_shared>>
      tpu.enqueue_indirect_dma source(%dma_start3A_154 : memref<16x128xf32, #tpu.memory_space<vmem>>) target(%dma_start3A_157 : memref<400x128xf32, #tpu.memory_space<vmem_shared>>) offsets(%add3A_151 : vector<16xi32>) semaphore(%arg22 : memref<!tpu.dma_semaphore, #tpu.memory_space<semaphore_mem>>) {add = true}
      %add3A_158 = arith.constant 64 : i32
      %add3A_159 = vector.broadcast %add3A_158 : i32 to vector<16xi32>
      %add3A_160 = arith.addi %add3A_159, %iota3A : vector<16xi32>
      %dma_start3A_161 = arith.constant 64 : i32
      %dma_start3A_162 = arith.constant 0 : i32
      %dma_start3A_163 = tpu.memref_slice %arg11[%dma_start3A_161, %dma_start3A_162] : memref<400x128xf32, #tpu.memory_space<vmem>> -> memref<16x128xf32, #tpu.memory_space<vmem>>
      %dma_start3A_164 = arith.constant 0 : i32
      %dma_start3A_165 = arith.constant 0 : i32
      %dma_start3A_166 = tpu.memref_slice %arg25[%dma_start3A_164, %dma_start3A_165] : memref<400x128xf32, #tpu.memory_space<vmem_shared>> -> memref<400x128xf32, #tpu.memory_space<vmem_shared>>
      tpu.enqueue_indirect_dma source(%dma_start3A_163 : memref<16x128xf32, #tpu.memory_space<vmem>>) target(%dma_start3A_166 : memref<400x128xf32, #tpu.memory_space<vmem_shared>>) offsets(%add3A_160 : vector<16xi32>) semaphore(%arg22 : memref<!tpu.dma_semaphore, #tpu.memory_space<semaphore_mem>>) {add = true}
      %add3A_167 = arith.constant 80 : i32
      %add3A_168 = vector.broadcast %add3A_167 : i32 to vector<16xi32>
      %add3A_169 = arith.addi %add3A_168, %iota3A : vector<16xi32>
      %dma_start3A_170 = arith.constant 80 : i32
      %dma_start3A_171 = arith.constant 0 : i32
      %dma_start3A_172 = tpu.memref_slice %arg11[%dma_start3A_170, %dma_start3A_171] : memref<400x128xf32, #tpu.memory_space<vmem>> -> memref<16x128xf32, #tpu.memory_space<vmem>>
      %dma_start3A_173 = arith.constant 0 : i32
      %dma_start3A_174 = arith.constant 0 : i32
      %dma_start3A_175 = tpu.memref_slice %arg25[%dma_start3A_173, %dma_start3A_174] : memref<400x128xf32, #tpu.memory_space<vmem_shared>> -> memref<400x128xf32, #tpu.memory_space<vmem_shared>>
      tpu.enqueue_indirect_dma source(%dma_start3A_172 : memref<16x128xf32, #tpu.memory_space<vmem>>) target(%dma_start3A_175 : memref<400x128xf32, #tpu.memory_space<vmem_shared>>) offsets(%add3A_169 : vector<16xi32>) semaphore(%arg22 : memref<!tpu.dma_semaphore, #tpu.memory_space<semaphore_mem>>) {add = true}
      %add3A_176 = arith.constant 96 : i32
      %add3A_177 = vector.broadcast %add3A_176 : i32 to vector<16xi32>
      %add3A_178 = arith.addi %add3A_177, %iota3A : vector<16xi32>
      %dma_start3A_179 = arith.constant 96 : i32
      %dma_start3A_180 = arith.constant 0 : i32
      %dma_start3A_181 = tpu.memref_slice %arg11[%dma_start3A_179, %dma_start3A_180] : memref<400x128xf32, #tpu.memory_space<vmem>> -> memref<16x128xf32, #tpu.memory_space<vmem>>
      %dma_start3A_182 = arith.constant 0 : i32
      %dma_start3A_183 = arith.constant 0 : i32
      %dma_start3A_184 = tpu.memref_slice %arg25[%dma_start3A_182, %dma_start3A_183] : memref<400x128xf32, #tpu.memory_space<vmem_shared>> -> memref<400x128xf32, #tpu.memory_space<vmem_shared>>
      tpu.enqueue_indirect_dma source(%dma_start3A_181 : memref<16x128xf32, #tpu.memory_space<vmem>>) target(%dma_start3A_184 : memref<400x128xf32, #tpu.memory_space<vmem_shared>>) offsets(%add3A_178 : vector<16xi32>) semaphore(%arg22 : memref<!tpu.dma_semaphore, #tpu.memory_space<semaphore_mem>>) {add = true}
      %add3A_185 = arith.constant 112 : i32
      %add3A_186 = vector.broadcast %add3A_185 : i32 to vector<16xi32>
      %add3A_187 = arith.addi %add3A_186, %iota3A : vector<16xi32>
      %dma_start3A_188 = arith.constant 112 : i32
      %dma_start3A_189 = arith.constant 0 : i32
      %dma_start3A_190 = tpu.memref_slice %arg11[%dma_start3A_188, %dma_start3A_189] : memref<400x128xf32, #tpu.memory_space<vmem>> -> memref<16x128xf32, #tpu.memory_space<vmem>>
      %dma_start3A_191 = arith.constant 0 : i32
      %dma_start3A_192 = arith.constant 0 : i32
      %dma_start3A_193 = tpu.memref_slice %arg25[%dma_start3A_191, %dma_start3A_192] : memref<400x128xf32, #tpu.memory_space<vmem_shared>> -> memref<400x128xf32, #tpu.memory_space<vmem_shared>>
      tpu.enqueue_indirect_dma source(%dma_start3A_190 : memref<16x128xf32, #tpu.memory_space<vmem>>) target(%dma_start3A_193 : memref<400x128xf32, #tpu.memory_space<vmem_shared>>) offsets(%add3A_187 : vector<16xi32>) semaphore(%arg22 : memref<!tpu.dma_semaphore, #tpu.memory_space<semaphore_mem>>) {add = true}
      %add3A_194 = arith.constant 128 : i32
      %add3A_195 = vector.broadcast %add3A_194 : i32 to vector<16xi32>
      %add3A_196 = arith.addi %add3A_195, %iota3A : vector<16xi32>
      %dma_start3A_197 = arith.constant 128 : i32
      %dma_start3A_198 = arith.constant 0 : i32
      %dma_start3A_199 = tpu.memref_slice %arg11[%dma_start3A_197, %dma_start3A_198] : memref<400x128xf32, #tpu.memory_space<vmem>> -> memref<16x128xf32, #tpu.memory_space<vmem>>
      %dma_start3A_200 = arith.constant 0 : i32
      %dma_start3A_201 = arith.constant 0 : i32
      %dma_start3A_202 = tpu.memref_slice %arg25[%dma_start3A_200, %dma_start3A_201] : memref<400x128xf32, #tpu.memory_space<vmem_shared>> -> memref<400x128xf32, #tpu.memory_space<vmem_shared>>
      tpu.enqueue_indirect_dma source(%dma_start3A_199 : memref<16x128xf32, #tpu.memory_space<vmem>>) target(%dma_start3A_202 : memref<400x128xf32, #tpu.memory_space<vmem_shared>>) offsets(%add3A_196 : vector<16xi32>) semaphore(%arg22 : memref<!tpu.dma_semaphore, #tpu.memory_space<semaphore_mem>>) {add = true}
      %add3A_203 = arith.constant 144 : i32
      %add3A_204 = vector.broadcast %add3A_203 : i32 to vector<16xi32>
      %add3A_205 = arith.addi %add3A_204, %iota3A : vector<16xi32>
      %dma_start3A_206 = arith.constant 144 : i32
      %dma_start3A_207 = arith.constant 0 : i32
      %dma_start3A_208 = tpu.memref_slice %arg11[%dma_start3A_206, %dma_start3A_207] : memref<400x128xf32, #tpu.memory_space<vmem>> -> memref<16x128xf32, #tpu.memory_space<vmem>>
      %dma_start3A_209 = arith.constant 0 : i32
      %dma_start3A_210 = arith.constant 0 : i32
      %dma_start3A_211 = tpu.memref_slice %arg25[%dma_start3A_209, %dma_start3A_210] : memref<400x128xf32, #tpu.memory_space<vmem_shared>> -> memref<400x128xf32, #tpu.memory_space<vmem_shared>>
      tpu.enqueue_indirect_dma source(%dma_start3A_208 : memref<16x128xf32, #tpu.memory_space<vmem>>) target(%dma_start3A_211 : memref<400x128xf32, #tpu.memory_space<vmem_shared>>) offsets(%add3A_205 : vector<16xi32>) semaphore(%arg22 : memref<!tpu.dma_semaphore, #tpu.memory_space<semaphore_mem>>) {add = true}
      %add3A_212 = arith.constant 160 : i32
      %add3A_213 = vector.broadcast %add3A_212 : i32 to vector<16xi32>
      %add3A_214 = arith.addi %add3A_213, %iota3A : vector<16xi32>
      %dma_start3A_215 = arith.constant 160 : i32
      %dma_start3A_216 = arith.constant 0 : i32
      %dma_start3A_217 = tpu.memref_slice %arg11[%dma_start3A_215, %dma_start3A_216] : memref<400x128xf32, #tpu.memory_space<vmem>> -> memref<16x128xf32, #tpu.memory_space<vmem>>
      %dma_start3A_218 = arith.constant 0 : i32
      %dma_start3A_219 = arith.constant 0 : i32
      %dma_start3A_220 = tpu.memref_slice %arg25[%dma_start3A_218, %dma_start3A_219] : memref<400x128xf32, #tpu.memory_space<vmem_shared>> -> memref<400x128xf32, #tpu.memory_space<vmem_shared>>
      tpu.enqueue_indirect_dma source(%dma_start3A_217 : memref<16x128xf32, #tpu.memory_space<vmem>>) target(%dma_start3A_220 : memref<400x128xf32, #tpu.memory_space<vmem_shared>>) offsets(%add3A_214 : vector<16xi32>) semaphore(%arg22 : memref<!tpu.dma_semaphore, #tpu.memory_space<semaphore_mem>>) {add = true}
      %add3A_221 = arith.constant 176 : i32
      %add3A_222 = vector.broadcast %add3A_221 : i32 to vector<16xi32>
      %add3A_223 = arith.addi %add3A_222, %iota3A : vector<16xi32>
      %dma_start3A_224 = arith.constant 176 : i32
      %dma_start3A_225 = arith.constant 0 : i32
      %dma_start3A_226 = tpu.memref_slice %arg11[%dma_start3A_224, %dma_start3A_225] : memref<400x128xf32, #tpu.memory_space<vmem>> -> memref<16x128xf32, #tpu.memory_space<vmem>>
      %dma_start3A_227 = arith.constant 0 : i32
      %dma_start3A_228 = arith.constant 0 : i32
      %dma_start3A_229 = tpu.memref_slice %arg25[%dma_start3A_227, %dma_start3A_228] : memref<400x128xf32, #tpu.memory_space<vmem_shared>> -> memref<400x128xf32, #tpu.memory_space<vmem_shared>>
      tpu.enqueue_indirect_dma source(%dma_start3A_226 : memref<16x128xf32, #tpu.memory_space<vmem>>) target(%dma_start3A_229 : memref<400x128xf32, #tpu.memory_space<vmem_shared>>) offsets(%add3A_223 : vector<16xi32>) semaphore(%arg22 : memref<!tpu.dma_semaphore, #tpu.memory_space<semaphore_mem>>) {add = true}
      %add3A_230 = arith.constant 192 : i32
      %add3A_231 = vector.broadcast %add3A_230 : i32 to vector<16xi32>
      %add3A_232 = arith.addi %add3A_231, %iota3A : vector<16xi32>
      %dma_start3A_233 = arith.constant 192 : i32
      %dma_start3A_234 = arith.constant 0 : i32
      %dma_start3A_235 = tpu.memref_slice %arg11[%dma_start3A_233, %dma_start3A_234] : memref<400x128xf32, #tpu.memory_space<vmem>> -> memref<16x128xf32, #tpu.memory_space<vmem>>
      %dma_start3A_236 = arith.constant 0 : i32
      %dma_start3A_237 = arith.constant 0 : i32
      %dma_start3A_238 = tpu.memref_slice %arg25[%dma_start3A_236, %dma_start3A_237] : memref<400x128xf32, #tpu.memory_space<vmem_shared>> -> memref<400x128xf32, #tpu.memory_space<vmem_shared>>
      tpu.enqueue_indirect_dma source(%dma_start3A_235 : memref<16x128xf32, #tpu.memory_space<vmem>>) target(%dma_start3A_238 : memref<400x128xf32, #tpu.memory_space<vmem_shared>>) offsets(%add3A_232 : vector<16xi32>) semaphore(%arg22 : memref<!tpu.dma_semaphore, #tpu.memory_space<semaphore_mem>>) {add = true}
      %add3A_239 = arith.constant 208 : i32
      %add3A_240 = vector.broadcast %add3A_239 : i32 to vector<16xi32>
      %add3A_241 = arith.addi %add3A_240, %iota3A : vector<16xi32>
      %dma_start3A_242 = arith.constant 208 : i32
      %dma_start3A_243 = arith.constant 0 : i32
      %dma_start3A_244 = tpu.memref_slice %arg11[%dma_start3A_242, %dma_start3A_243] : memref<400x128xf32, #tpu.memory_space<vmem>> -> memref<16x128xf32, #tpu.memory_space<vmem>>
      %dma_start3A_245 = arith.constant 0 : i32
      %dma_start3A_246 = arith.constant 0 : i32
      %dma_start3A_247 = tpu.memref_slice %arg25[%dma_start3A_245, %dma_start3A_246] : memref<400x128xf32, #tpu.memory_space<vmem_shared>> -> memref<400x128xf32, #tpu.memory_space<vmem_shared>>
      tpu.enqueue_indirect_dma source(%dma_start3A_244 : memref<16x128xf32, #tpu.memory_space<vmem>>) target(%dma_start3A_247 : memref<400x128xf32, #tpu.memory_space<vmem_shared>>) offsets(%add3A_241 : vector<16xi32>) semaphore(%arg22 : memref<!tpu.dma_semaphore, #tpu.memory_space<semaphore_mem>>) {add = true}
      %add3A_248 = arith.constant 224 : i32
      %add3A_249 = vector.broadcast %add3A_248 : i32 to vector<16xi32>
      %add3A_250 = arith.addi %add3A_249, %iota3A : vector<16xi32>
      %dma_start3A_251 = arith.constant 224 : i32
      %dma_start3A_252 = arith.constant 0 : i32
      %dma_start3A_253 = tpu.memref_slice %arg11[%dma_start3A_251, %dma_start3A_252] : memref<400x128xf32, #tpu.memory_space<vmem>> -> memref<16x128xf32, #tpu.memory_space<vmem>>
      %dma_start3A_254 = arith.constant 0 : i32
      %dma_start3A_255 = arith.constant 0 : i32
      %dma_start3A_256 = tpu.memref_slice %arg25[%dma_start3A_254, %dma_start3A_255] : memref<400x128xf32, #tpu.memory_space<vmem_shared>> -> memref<400x128xf32, #tpu.memory_space<vmem_shared>>
      tpu.enqueue_indirect_dma source(%dma_start3A_253 : memref<16x128xf32, #tpu.memory_space<vmem>>) target(%dma_start3A_256 : memref<400x128xf32, #tpu.memory_space<vmem_shared>>) offsets(%add3A_250 : vector<16xi32>) semaphore(%arg22 : memref<!tpu.dma_semaphore, #tpu.memory_space<semaphore_mem>>) {add = true}
      %add3A_257 = arith.constant 240 : i32
      %add3A_258 = vector.broadcast %add3A_257 : i32 to vector<16xi32>
      %add3A_259 = arith.addi %add3A_258, %iota3A : vector<16xi32>
      %dma_start3A_260 = arith.constant 240 : i32
      %dma_start3A_261 = arith.constant 0 : i32
      %dma_start3A_262 = tpu.memref_slice %arg11[%dma_start3A_260, %dma_start3A_261] : memref<400x128xf32, #tpu.memory_space<vmem>> -> memref<16x128xf32, #tpu.memory_space<vmem>>
      %dma_start3A_263 = arith.constant 0 : i32
      %dma_start3A_264 = arith.constant 0 : i32
      %dma_start3A_265 = tpu.memref_slice %arg25[%dma_start3A_263, %dma_start3A_264] : memref<400x128xf32, #tpu.memory_space<vmem_shared>> -> memref<400x128xf32, #tpu.memory_space<vmem_shared>>
      tpu.enqueue_indirect_dma source(%dma_start3A_262 : memref<16x128xf32, #tpu.memory_space<vmem>>) target(%dma_start3A_265 : memref<400x128xf32, #tpu.memory_space<vmem_shared>>) offsets(%add3A_259 : vector<16xi32>) semaphore(%arg22 : memref<!tpu.dma_semaphore, #tpu.memory_space<semaphore_mem>>) {add = true}
      %add3A_266 = arith.constant 256 : i32
      %add3A_267 = vector.broadcast %add3A_266 : i32 to vector<16xi32>
      %add3A_268 = arith.addi %add3A_267, %iota3A : vector<16xi32>
      %dma_start3A_269 = arith.constant 256 : i32
      %dma_start3A_270 = arith.constant 0 : i32
      %dma_start3A_271 = tpu.memref_slice %arg11[%dma_start3A_269, %dma_start3A_270] : memref<400x128xf32, #tpu.memory_space<vmem>> -> memref<16x128xf32, #tpu.memory_space<vmem>>
      %dma_start3A_272 = arith.constant 0 : i32
      %dma_start3A_273 = arith.constant 0 : i32
      %dma_start3A_274 = tpu.memref_slice %arg25[%dma_start3A_272, %dma_start3A_273] : memref<400x128xf32, #tpu.memory_space<vmem_shared>> -> memref<400x128xf32, #tpu.memory_space<vmem_shared>>
      tpu.enqueue_indirect_dma source(%dma_start3A_271 : memref<16x128xf32, #tpu.memory_space<vmem>>) target(%dma_start3A_274 : memref<400x128xf32, #tpu.memory_space<vmem_shared>>) offsets(%add3A_268 : vector<16xi32>) semaphore(%arg22 : memref<!tpu.dma_semaphore, #tpu.memory_space<semaphore_mem>>) {add = true}
      %add3A_275 = arith.constant 272 : i32
      %add3A_276 = vector.broadcast %add3A_275 : i32 to vector<16xi32>
      %add3A_277 = arith.addi %add3A_276, %iota3A : vector<16xi32>
      %dma_start3A_278 = arith.constant 272 : i32
      %dma_start3A_279 = arith.constant 0 : i32
      %dma_start3A_280 = tpu.memref_slice %arg11[%dma_start3A_278, %dma_start3A_279] : memref<400x128xf32, #tpu.memory_space<vmem>> -> memref<16x128xf32, #tpu.memory_space<vmem>>
      %dma_start3A_281 = arith.constant 0 : i32
      %dma_start3A_282 = arith.constant 0 : i32
      %dma_start3A_283 = tpu.memref_slice %arg25[%dma_start3A_281, %dma_start3A_282] : memref<400x128xf32, #tpu.memory_space<vmem_shared>> -> memref<400x128xf32, #tpu.memory_space<vmem_shared>>
      tpu.enqueue_indirect_dma source(%dma_start3A_280 : memref<16x128xf32, #tpu.memory_space<vmem>>) target(%dma_start3A_283 : memref<400x128xf32, #tpu.memory_space<vmem_shared>>) offsets(%add3A_277 : vector<16xi32>) semaphore(%arg22 : memref<!tpu.dma_semaphore, #tpu.memory_space<semaphore_mem>>) {add = true}
      %add3A_284 = arith.constant 288 : i32
      %add3A_285 = vector.broadcast %add3A_284 : i32 to vector<16xi32>
      %add3A_286 = arith.addi %add3A_285, %iota3A : vector<16xi32>
      %dma_start3A_287 = arith.constant 288 : i32
      %dma_start3A_288 = arith.constant 0 : i32
      %dma_start3A_289 = tpu.memref_slice %arg11[%dma_start3A_287, %dma_start3A_288] : memref<400x128xf32, #tpu.memory_space<vmem>> -> memref<16x128xf32, #tpu.memory_space<vmem>>
      %dma_start3A_290 = arith.constant 0 : i32
      %dma_start3A_291 = arith.constant 0 : i32
      %dma_start3A_292 = tpu.memref_slice %arg25[%dma_start3A_290, %dma_start3A_291] : memref<400x128xf32, #tpu.memory_space<vmem_shared>> -> memref<400x128xf32, #tpu.memory_space<vmem_shared>>
      tpu.enqueue_indirect_dma source(%dma_start3A_289 : memref<16x128xf32, #tpu.memory_space<vmem>>) target(%dma_start3A_292 : memref<400x128xf32, #tpu.memory_space<vmem_shared>>) offsets(%add3A_286 : vector<16xi32>) semaphore(%arg22 : memref<!tpu.dma_semaphore, #tpu.memory_space<semaphore_mem>>) {add = true}
      %add3A_293 = arith.constant 304 : i32
      %add3A_294 = vector.broadcast %add3A_293 : i32 to vector<16xi32>
      %add3A_295 = arith.addi %add3A_294, %iota3A : vector<16xi32>
      %dma_start3A_296 = arith.constant 304 : i32
      %dma_start3A_297 = arith.constant 0 : i32
      %dma_start3A_298 = tpu.memref_slice %arg11[%dma_start3A_296, %dma_start3A_297] : memref<400x128xf32, #tpu.memory_space<vmem>> -> memref<16x128xf32, #tpu.memory_space<vmem>>
      %dma_start3A_299 = arith.constant 0 : i32
      %dma_start3A_300 = arith.constant 0 : i32
      %dma_start3A_301 = tpu.memref_slice %arg25[%dma_start3A_299, %dma_start3A_300] : memref<400x128xf32, #tpu.memory_space<vmem_shared>> -> memref<400x128xf32, #tpu.memory_space<vmem_shared>>
      tpu.enqueue_indirect_dma source(%dma_start3A_298 : memref<16x128xf32, #tpu.memory_space<vmem>>) target(%dma_start3A_301 : memref<400x128xf32, #tpu.memory_space<vmem_shared>>) offsets(%add3A_295 : vector<16xi32>) semaphore(%arg22 : memref<!tpu.dma_semaphore, #tpu.memory_space<semaphore_mem>>) {add = true}
      %add3A_302 = arith.constant 320 : i32
      %add3A_303 = vector.broadcast %add3A_302 : i32 to vector<16xi32>
      %add3A_304 = arith.addi %add3A_303, %iota3A : vector<16xi32>
      %dma_start3A_305 = arith.constant 320 : i32
      %dma_start3A_306 = arith.constant 0 : i32
      %dma_start3A_307 = tpu.memref_slice %arg11[%dma_start3A_305, %dma_start3A_306] : memref<400x128xf32, #tpu.memory_space<vmem>> -> memref<16x128xf32, #tpu.memory_space<vmem>>
      %dma_start3A_308 = arith.constant 0 : i32
      %dma_start3A_309 = arith.constant 0 : i32
      %dma_start3A_310 = tpu.memref_slice %arg25[%dma_start3A_308, %dma_start3A_309] : memref<400x128xf32, #tpu.memory_space<vmem_shared>> -> memref<400x128xf32, #tpu.memory_space<vmem_shared>>
      tpu.enqueue_indirect_dma source(%dma_start3A_307 : memref<16x128xf32, #tpu.memory_space<vmem>>) target(%dma_start3A_310 : memref<400x128xf32, #tpu.memory_space<vmem_shared>>) offsets(%add3A_304 : vector<16xi32>) semaphore(%arg22 : memref<!tpu.dma_semaphore, #tpu.memory_space<semaphore_mem>>) {add = true}
      %add3A_311 = arith.constant 336 : i32
      %add3A_312 = vector.broadcast %add3A_311 : i32 to vector<16xi32>
      %add3A_313 = arith.addi %add3A_312, %iota3A : vector<16xi32>
      %dma_start3A_314 = arith.constant 336 : i32
      %dma_start3A_315 = arith.constant 0 : i32
      %dma_start3A_316 = tpu.memref_slice %arg11[%dma_start3A_314, %dma_start3A_315] : memref<400x128xf32, #tpu.memory_space<vmem>> -> memref<16x128xf32, #tpu.memory_space<vmem>>
      %dma_start3A_317 = arith.constant 0 : i32
      %dma_start3A_318 = arith.constant 0 : i32
      %dma_start3A_319 = tpu.memref_slice %arg25[%dma_start3A_317, %dma_start3A_318] : memref<400x128xf32, #tpu.memory_space<vmem_shared>> -> memref<400x128xf32, #tpu.memory_space<vmem_shared>>
      tpu.enqueue_indirect_dma source(%dma_start3A_316 : memref<16x128xf32, #tpu.memory_space<vmem>>) target(%dma_start3A_319 : memref<400x128xf32, #tpu.memory_space<vmem_shared>>) offsets(%add3A_313 : vector<16xi32>) semaphore(%arg22 : memref<!tpu.dma_semaphore, #tpu.memory_space<semaphore_mem>>) {add = true}
      %add3A_320 = arith.constant 352 : i32
      %add3A_321 = vector.broadcast %add3A_320 : i32 to vector<16xi32>
      %add3A_322 = arith.addi %add3A_321, %iota3A : vector<16xi32>
      %dma_start3A_323 = arith.constant 352 : i32
      %dma_start3A_324 = arith.constant 0 : i32
      %dma_start3A_325 = tpu.memref_slice %arg11[%dma_start3A_323, %dma_start3A_324] : memref<400x128xf32, #tpu.memory_space<vmem>> -> memref<16x128xf32, #tpu.memory_space<vmem>>
      %dma_start3A_326 = arith.constant 0 : i32
      %dma_start3A_327 = arith.constant 0 : i32
      %dma_start3A_328 = tpu.memref_slice %arg25[%dma_start3A_326, %dma_start3A_327] : memref<400x128xf32, #tpu.memory_space<vmem_shared>> -> memref<400x128xf32, #tpu.memory_space<vmem_shared>>
      tpu.enqueue_indirect_dma source(%dma_start3A_325 : memref<16x128xf32, #tpu.memory_space<vmem>>) target(%dma_start3A_328 : memref<400x128xf32, #tpu.memory_space<vmem_shared>>) offsets(%add3A_322 : vector<16xi32>) semaphore(%arg22 : memref<!tpu.dma_semaphore, #tpu.memory_space<semaphore_mem>>) {add = true}
      %add3A_329 = arith.constant 368 : i32
      %add3A_330 = vector.broadcast %add3A_329 : i32 to vector<16xi32>
      %add3A_331 = arith.addi %add3A_330, %iota3A : vector<16xi32>
      %dma_start3A_332 = arith.constant 368 : i32
      %dma_start3A_333 = arith.constant 0 : i32
      %dma_start3A_334 = tpu.memref_slice %arg11[%dma_start3A_332, %dma_start3A_333] : memref<400x128xf32, #tpu.memory_space<vmem>> -> memref<16x128xf32, #tpu.memory_space<vmem>>
      %dma_start3A_335 = arith.constant 0 : i32
      %dma_start3A_336 = arith.constant 0 : i32
      %dma_start3A_337 = tpu.memref_slice %arg25[%dma_start3A_335, %dma_start3A_336] : memref<400x128xf32, #tpu.memory_space<vmem_shared>> -> memref<400x128xf32, #tpu.memory_space<vmem_shared>>
      tpu.enqueue_indirect_dma source(%dma_start3A_334 : memref<16x128xf32, #tpu.memory_space<vmem>>) target(%dma_start3A_337 : memref<400x128xf32, #tpu.memory_space<vmem_shared>>) offsets(%add3A_331 : vector<16xi32>) semaphore(%arg22 : memref<!tpu.dma_semaphore, #tpu.memory_space<semaphore_mem>>) {add = true}
      %add3A_338 = arith.constant 384 : i32
      %add3A_339 = vector.broadcast %add3A_338 : i32 to vector<16xi32>
      %add3A_340 = arith.addi %add3A_339, %iota3A : vector<16xi32>
      %dma_start3A_341 = arith.constant 384 : i32
      %dma_start3A_342 = arith.constant 0 : i32
      %dma_start3A_343 = tpu.memref_slice %arg11[%dma_start3A_341, %dma_start3A_342] : memref<400x128xf32, #tpu.memory_space<vmem>> -> memref<16x128xf32, #tpu.memory_space<vmem>>
      %dma_start3A_344 = arith.constant 0 : i32
      %dma_start3A_345 = arith.constant 0 : i32
      %dma_start3A_346 = tpu.memref_slice %arg25[%dma_start3A_344, %dma_start3A_345] : memref<400x128xf32, #tpu.memory_space<vmem_shared>> -> memref<400x128xf32, #tpu.memory_space<vmem_shared>>
      tpu.enqueue_indirect_dma source(%dma_start3A_343 : memref<16x128xf32, #tpu.memory_space<vmem>>) target(%dma_start3A_346 : memref<400x128xf32, #tpu.memory_space<vmem_shared>>) offsets(%add3A_340 : vector<16xi32>) semaphore(%arg22 : memref<!tpu.dma_semaphore, #tpu.memory_space<semaphore_mem>>) {add = true}
      %dma_wait3A_347 = arith.constant 0 : i32
      %dma_wait3A_348 = arith.constant 0 : i32
      %dma_wait3A_349 = tpu.memref_slice %arg11[%dma_wait3A_347, %dma_wait3A_348] : memref<400x128xf32, #tpu.memory_space<vmem>> -> memref<16x128xf32, #tpu.memory_space<vmem>>
      %dma_wait3A_350 = arith.constant 0 : i32
      %dma_wait3A_351 = arith.constant 0 : i32
      %dma_wait3A_352 = tpu.memref_slice %arg25[%dma_wait3A_350, %dma_wait3A_351] : memref<400x128xf32, #tpu.memory_space<vmem_shared>> -> memref<400x128xf32, #tpu.memory_space<vmem_shared>>
      tpu.wait_indirect_dma semaphore(%arg22 : memref<!tpu.dma_semaphore, #tpu.memory_space<semaphore_mem>>) src(%dma_wait3A_349 : memref<16x128xf32, #tpu.memory_space<vmem>>) dst(%dma_wait3A_352 : memref<400x128xf32, #tpu.memory_space<vmem_shared>>)
      %dma_wait3A_353 = arith.constant 16 : i32
      %dma_wait3A_354 = arith.constant 0 : i32
      %dma_wait3A_355 = tpu.memref_slice %arg11[%dma_wait3A_353, %dma_wait3A_354] : memref<400x128xf32, #tpu.memory_space<vmem>> -> memref<16x128xf32, #tpu.memory_space<vmem>>
      %dma_wait3A_356 = arith.constant 0 : i32
      %dma_wait3A_357 = arith.constant 0 : i32
      %dma_wait3A_358 = tpu.memref_slice %arg25[%dma_wait3A_356, %dma_wait3A_357] : memref<400x128xf32, #tpu.memory_space<vmem_shared>> -> memref<400x128xf32, #tpu.memory_space<vmem_shared>>
      tpu.wait_indirect_dma semaphore(%arg22 : memref<!tpu.dma_semaphore, #tpu.memory_space<semaphore_mem>>) src(%dma_wait3A_355 : memref<16x128xf32, #tpu.memory_space<vmem>>) dst(%dma_wait3A_358 : memref<400x128xf32, #tpu.memory_space<vmem_shared>>)
      %dma_wait3A_359 = arith.constant 32 : i32
      %dma_wait3A_360 = arith.constant 0 : i32
      %dma_wait3A_361 = tpu.memref_slice %arg11[%dma_wait3A_359, %dma_wait3A_360] : memref<400x128xf32, #tpu.memory_space<vmem>> -> memref<16x128xf32, #tpu.memory_space<vmem>>
      %dma_wait3A_362 = arith.constant 0 : i32
      %dma_wait3A_363 = arith.constant 0 : i32
      %dma_wait3A_364 = tpu.memref_slice %arg25[%dma_wait3A_362, %dma_wait3A_363] : memref<400x128xf32, #tpu.memory_space<vmem_shared>> -> memref<400x128xf32, #tpu.memory_space<vmem_shared>>
      tpu.wait_indirect_dma semaphore(%arg22 : memref<!tpu.dma_semaphore, #tpu.memory_space<semaphore_mem>>) src(%dma_wait3A_361 : memref<16x128xf32, #tpu.memory_space<vmem>>) dst(%dma_wait3A_364 : memref<400x128xf32, #tpu.memory_space<vmem_shared>>)
      %dma_wait3A_365 = arith.constant 48 : i32
      %dma_wait3A_366 = arith.constant 0 : i32
      %dma_wait3A_367 = tpu.memref_slice %arg11[%dma_wait3A_365, %dma_wait3A_366] : memref<400x128xf32, #tpu.memory_space<vmem>> -> memref<16x128xf32, #tpu.memory_space<vmem>>
      %dma_wait3A_368 = arith.constant 0 : i32
      %dma_wait3A_369 = arith.constant 0 : i32
      %dma_wait3A_370 = tpu.memref_slice %arg25[%dma_wait3A_368, %dma_wait3A_369] : memref<400x128xf32, #tpu.memory_space<vmem_shared>> -> memref<400x128xf32, #tpu.memory_space<vmem_shared>>
      tpu.wait_indirect_dma semaphore(%arg22 : memref<!tpu.dma_semaphore, #tpu.memory_space<semaphore_mem>>) src(%dma_wait3A_367 : memref<16x128xf32, #tpu.memory_space<vmem>>) dst(%dma_wait3A_370 : memref<400x128xf32, #tpu.memory_space<vmem_shared>>)
      %dma_wait3A_371 = arith.constant 64 : i32
      %dma_wait3A_372 = arith.constant 0 : i32
      %dma_wait3A_373 = tpu.memref_slice %arg11[%dma_wait3A_371, %dma_wait3A_372] : memref<400x128xf32, #tpu.memory_space<vmem>> -> memref<16x128xf32, #tpu.memory_space<vmem>>
      %dma_wait3A_374 = arith.constant 0 : i32
      %dma_wait3A_375 = arith.constant 0 : i32
      %dma_wait3A_376 = tpu.memref_slice %arg25[%dma_wait3A_374, %dma_wait3A_375] : memref<400x128xf32, #tpu.memory_space<vmem_shared>> -> memref<400x128xf32, #tpu.memory_space<vmem_shared>>
      tpu.wait_indirect_dma semaphore(%arg22 : memref<!tpu.dma_semaphore, #tpu.memory_space<semaphore_mem>>) src(%dma_wait3A_373 : memref<16x128xf32, #tpu.memory_space<vmem>>) dst(%dma_wait3A_376 : memref<400x128xf32, #tpu.memory_space<vmem_shared>>)
      %dma_wait3A_377 = arith.constant 80 : i32
      %dma_wait3A_378 = arith.constant 0 : i32
      %dma_wait3A_379 = tpu.memref_slice %arg11[%dma_wait3A_377, %dma_wait3A_378] : memref<400x128xf32, #tpu.memory_space<vmem>> -> memref<16x128xf32, #tpu.memory_space<vmem>>
      %dma_wait3A_380 = arith.constant 0 : i32
      %dma_wait3A_381 = arith.constant 0 : i32
      %dma_wait3A_382 = tpu.memref_slice %arg25[%dma_wait3A_380, %dma_wait3A_381] : memref<400x128xf32, #tpu.memory_space<vmem_shared>> -> memref<400x128xf32, #tpu.memory_space<vmem_shared>>
      tpu.wait_indirect_dma semaphore(%arg22 : memref<!tpu.dma_semaphore, #tpu.memory_space<semaphore_mem>>) src(%dma_wait3A_379 : memref<16x128xf32, #tpu.memory_space<vmem>>) dst(%dma_wait3A_382 : memref<400x128xf32, #tpu.memory_space<vmem_shared>>)
      %dma_wait3A_383 = arith.constant 96 : i32
      %dma_wait3A_384 = arith.constant 0 : i32
      %dma_wait3A_385 = tpu.memref_slice %arg11[%dma_wait3A_383, %dma_wait3A_384] : memref<400x128xf32, #tpu.memory_space<vmem>> -> memref<16x128xf32, #tpu.memory_space<vmem>>
      %dma_wait3A_386 = arith.constant 0 : i32
      %dma_wait3A_387 = arith.constant 0 : i32
      %dma_wait3A_388 = tpu.memref_slice %arg25[%dma_wait3A_386, %dma_wait3A_387] : memref<400x128xf32, #tpu.memory_space<vmem_shared>> -> memref<400x128xf32, #tpu.memory_space<vmem_shared>>
      tpu.wait_indirect_dma semaphore(%arg22 : memref<!tpu.dma_semaphore, #tpu.memory_space<semaphore_mem>>) src(%dma_wait3A_385 : memref<16x128xf32, #tpu.memory_space<vmem>>) dst(%dma_wait3A_388 : memref<400x128xf32, #tpu.memory_space<vmem_shared>>)
      %dma_wait3A_389 = arith.constant 112 : i32
      %dma_wait3A_390 = arith.constant 0 : i32
      %dma_wait3A_391 = tpu.memref_slice %arg11[%dma_wait3A_389, %dma_wait3A_390] : memref<400x128xf32, #tpu.memory_space<vmem>> -> memref<16x128xf32, #tpu.memory_space<vmem>>
      %dma_wait3A_392 = arith.constant 0 : i32
      %dma_wait3A_393 = arith.constant 0 : i32
      %dma_wait3A_394 = tpu.memref_slice %arg25[%dma_wait3A_392, %dma_wait3A_393] : memref<400x128xf32, #tpu.memory_space<vmem_shared>> -> memref<400x128xf32, #tpu.memory_space<vmem_shared>>
      tpu.wait_indirect_dma semaphore(%arg22 : memref<!tpu.dma_semaphore, #tpu.memory_space<semaphore_mem>>) src(%dma_wait3A_391 : memref<16x128xf32, #tpu.memory_space<vmem>>) dst(%dma_wait3A_394 : memref<400x128xf32, #tpu.memory_space<vmem_shared>>)
      %dma_wait3A_395 = arith.constant 128 : i32
      %dma_wait3A_396 = arith.constant 0 : i32
      %dma_wait3A_397 = tpu.memref_slice %arg11[%dma_wait3A_395, %dma_wait3A_396] : memref<400x128xf32, #tpu.memory_space<vmem>> -> memref<16x128xf32, #tpu.memory_space<vmem>>
      %dma_wait3A_398 = arith.constant 0 : i32
      %dma_wait3A_399 = arith.constant 0 : i32
      %dma_wait3A_400 = tpu.memref_slice %arg25[%dma_wait3A_398, %dma_wait3A_399] : memref<400x128xf32, #tpu.memory_space<vmem_shared>> -> memref<400x128xf32, #tpu.memory_space<vmem_shared>>
      tpu.wait_indirect_dma semaphore(%arg22 : memref<!tpu.dma_semaphore, #tpu.memory_space<semaphore_mem>>) src(%dma_wait3A_397 : memref<16x128xf32, #tpu.memory_space<vmem>>) dst(%dma_wait3A_400 : memref<400x128xf32, #tpu.memory_space<vmem_shared>>)
      %dma_wait3A_401 = arith.constant 144 : i32
      %dma_wait3A_402 = arith.constant 0 : i32
      %dma_wait3A_403 = tpu.memref_slice %arg11[%dma_wait3A_401, %dma_wait3A_402] : memref<400x128xf32, #tpu.memory_space<vmem>> -> memref<16x128xf32, #tpu.memory_space<vmem>>
      %dma_wait3A_404 = arith.constant 0 : i32
      %dma_wait3A_405 = arith.constant 0 : i32
      %dma_wait3A_406 = tpu.memref_slice %arg25[%dma_wait3A_404, %dma_wait3A_405] : memref<400x128xf32, #tpu.memory_space<vmem_shared>> -> memref<400x128xf32, #tpu.memory_space<vmem_shared>>
      tpu.wait_indirect_dma semaphore(%arg22 : memref<!tpu.dma_semaphore, #tpu.memory_space<semaphore_mem>>) src(%dma_wait3A_403 : memref<16x128xf32, #tpu.memory_space<vmem>>) dst(%dma_wait3A_406 : memref<400x128xf32, #tpu.memory_space<vmem_shared>>)
      %dma_wait3A_407 = arith.constant 160 : i32
      %dma_wait3A_408 = arith.constant 0 : i32
      %dma_wait3A_409 = tpu.memref_slice %arg11[%dma_wait3A_407, %dma_wait3A_408] : memref<400x128xf32, #tpu.memory_space<vmem>> -> memref<16x128xf32, #tpu.memory_space<vmem>>
      %dma_wait3A_410 = arith.constant 0 : i32
      %dma_wait3A_411 = arith.constant 0 : i32
      %dma_wait3A_412 = tpu.memref_slice %arg25[%dma_wait3A_410, %dma_wait3A_411] : memref<400x128xf32, #tpu.memory_space<vmem_shared>> -> memref<400x128xf32, #tpu.memory_space<vmem_shared>>
      tpu.wait_indirect_dma semaphore(%arg22 : memref<!tpu.dma_semaphore, #tpu.memory_space<semaphore_mem>>) src(%dma_wait3A_409 : memref<16x128xf32, #tpu.memory_space<vmem>>) dst(%dma_wait3A_412 : memref<400x128xf32, #tpu.memory_space<vmem_shared>>)
      %dma_wait3A_413 = arith.constant 176 : i32
      %dma_wait3A_414 = arith.constant 0 : i32
      %dma_wait3A_415 = tpu.memref_slice %arg11[%dma_wait3A_413, %dma_wait3A_414] : memref<400x128xf32, #tpu.memory_space<vmem>> -> memref<16x128xf32, #tpu.memory_space<vmem>>
      %dma_wait3A_416 = arith.constant 0 : i32
      %dma_wait3A_417 = arith.constant 0 : i32
      %dma_wait3A_418 = tpu.memref_slice %arg25[%dma_wait3A_416, %dma_wait3A_417] : memref<400x128xf32, #tpu.memory_space<vmem_shared>> -> memref<400x128xf32, #tpu.memory_space<vmem_shared>>
      tpu.wait_indirect_dma semaphore(%arg22 : memref<!tpu.dma_semaphore, #tpu.memory_space<semaphore_mem>>) src(%dma_wait3A_415 : memref<16x128xf32, #tpu.memory_space<vmem>>) dst(%dma_wait3A_418 : memref<400x128xf32, #tpu.memory_space<vmem_shared>>)
      %dma_wait3A_419 = arith.constant 192 : i32
      %dma_wait3A_420 = arith.constant 0 : i32
      %dma_wait3A_421 = tpu.memref_slice %arg11[%dma_wait3A_419, %dma_wait3A_420] : memref<400x128xf32, #tpu.memory_space<vmem>> -> memref<16x128xf32, #tpu.memory_space<vmem>>
      %dma_wait3A_422 = arith.constant 0 : i32
      %dma_wait3A_423 = arith.constant 0 : i32
      %dma_wait3A_424 = tpu.memref_slice %arg25[%dma_wait3A_422, %dma_wait3A_423] : memref<400x128xf32, #tpu.memory_space<vmem_shared>> -> memref<400x128xf32, #tpu.memory_space<vmem_shared>>
      tpu.wait_indirect_dma semaphore(%arg22 : memref<!tpu.dma_semaphore, #tpu.memory_space<semaphore_mem>>) src(%dma_wait3A_421 : memref<16x128xf32, #tpu.memory_space<vmem>>) dst(%dma_wait3A_424 : memref<400x128xf32, #tpu.memory_space<vmem_shared>>)
      %dma_wait3A_425 = arith.constant 208 : i32
      %dma_wait3A_426 = arith.constant 0 : i32
      %dma_wait3A_427 = tpu.memref_slice %arg11[%dma_wait3A_425, %dma_wait3A_426] : memref<400x128xf32, #tpu.memory_space<vmem>> -> memref<16x128xf32, #tpu.memory_space<vmem>>
      %dma_wait3A_428 = arith.constant 0 : i32
      %dma_wait3A_429 = arith.constant 0 : i32
      %dma_wait3A_430 = tpu.memref_slice %arg25[%dma_wait3A_428, %dma_wait3A_429] : memref<400x128xf32, #tpu.memory_space<vmem_shared>> -> memref<400x128xf32, #tpu.memory_space<vmem_shared>>
      tpu.wait_indirect_dma semaphore(%arg22 : memref<!tpu.dma_semaphore, #tpu.memory_space<semaphore_mem>>) src(%dma_wait3A_427 : memref<16x128xf32, #tpu.memory_space<vmem>>) dst(%dma_wait3A_430 : memref<400x128xf32, #tpu.memory_space<vmem_shared>>)
      %dma_wait3A_431 = arith.constant 224 : i32
      %dma_wait3A_432 = arith.constant 0 : i32
      %dma_wait3A_433 = tpu.memref_slice %arg11[%dma_wait3A_431, %dma_wait3A_432] : memref<400x128xf32, #tpu.memory_space<vmem>> -> memref<16x128xf32, #tpu.memory_space<vmem>>
      %dma_wait3A_434 = arith.constant 0 : i32
      %dma_wait3A_435 = arith.constant 0 : i32
      %dma_wait3A_436 = tpu.memref_slice %arg25[%dma_wait3A_434, %dma_wait3A_435] : memref<400x128xf32, #tpu.memory_space<vmem_shared>> -> memref<400x128xf32, #tpu.memory_space<vmem_shared>>
      tpu.wait_indirect_dma semaphore(%arg22 : memref<!tpu.dma_semaphore, #tpu.memory_space<semaphore_mem>>) src(%dma_wait3A_433 : memref<16x128xf32, #tpu.memory_space<vmem>>) dst(%dma_wait3A_436 : memref<400x128xf32, #tpu.memory_space<vmem_shared>>)
      %dma_wait3A_437 = arith.constant 240 : i32
      %dma_wait3A_438 = arith.constant 0 : i32
      %dma_wait3A_439 = tpu.memref_slice %arg11[%dma_wait3A_437, %dma_wait3A_438] : memref<400x128xf32, #tpu.memory_space<vmem>> -> memref<16x128xf32, #tpu.memory_space<vmem>>
      %dma_wait3A_440 = arith.constant 0 : i32
      %dma_wait3A_441 = arith.constant 0 : i32
      %dma_wait3A_442 = tpu.memref_slice %arg25[%dma_wait3A_440, %dma_wait3A_441] : memref<400x128xf32, #tpu.memory_space<vmem_shared>> -> memref<400x128xf32, #tpu.memory_space<vmem_shared>>
      tpu.wait_indirect_dma semaphore(%arg22 : memref<!tpu.dma_semaphore, #tpu.memory_space<semaphore_mem>>) src(%dma_wait3A_439 : memref<16x128xf32, #tpu.memory_space<vmem>>) dst(%dma_wait3A_442 : memref<400x128xf32, #tpu.memory_space<vmem_shared>>)
      %dma_wait3A_443 = arith.constant 256 : i32
      %dma_wait3A_444 = arith.constant 0 : i32
      %dma_wait3A_445 = tpu.memref_slice %arg11[%dma_wait3A_443, %dma_wait3A_444] : memref<400x128xf32, #tpu.memory_space<vmem>> -> memref<16x128xf32, #tpu.memory_space<vmem>>
      %dma_wait3A_446 = arith.constant 0 : i32
      %dma_wait3A_447 = arith.constant 0 : i32
      %dma_wait3A_448 = tpu.memref_slice %arg25[%dma_wait3A_446, %dma_wait3A_447] : memref<400x128xf32, #tpu.memory_space<vmem_shared>> -> memref<400x128xf32, #tpu.memory_space<vmem_shared>>
      tpu.wait_indirect_dma semaphore(%arg22 : memref<!tpu.dma_semaphore, #tpu.memory_space<semaphore_mem>>) src(%dma_wait3A_445 : memref<16x128xf32, #tpu.memory_space<vmem>>) dst(%dma_wait3A_448 : memref<400x128xf32, #tpu.memory_space<vmem_shared>>)
      %dma_wait3A_449 = arith.constant 272 : i32
      %dma_wait3A_450 = arith.constant 0 : i32
      %dma_wait3A_451 = tpu.memref_slice %arg11[%dma_wait3A_449, %dma_wait3A_450] : memref<400x128xf32, #tpu.memory_space<vmem>> -> memref<16x128xf32, #tpu.memory_space<vmem>>
      %dma_wait3A_452 = arith.constant 0 : i32
      %dma_wait3A_453 = arith.constant 0 : i32
      %dma_wait3A_454 = tpu.memref_slice %arg25[%dma_wait3A_452, %dma_wait3A_453] : memref<400x128xf32, #tpu.memory_space<vmem_shared>> -> memref<400x128xf32, #tpu.memory_space<vmem_shared>>
      tpu.wait_indirect_dma semaphore(%arg22 : memref<!tpu.dma_semaphore, #tpu.memory_space<semaphore_mem>>) src(%dma_wait3A_451 : memref<16x128xf32, #tpu.memory_space<vmem>>) dst(%dma_wait3A_454 : memref<400x128xf32, #tpu.memory_space<vmem_shared>>)
      %dma_wait3A_455 = arith.constant 288 : i32
      %dma_wait3A_456 = arith.constant 0 : i32
      %dma_wait3A_457 = tpu.memref_slice %arg11[%dma_wait3A_455, %dma_wait3A_456] : memref<400x128xf32, #tpu.memory_space<vmem>> -> memref<16x128xf32, #tpu.memory_space<vmem>>
      %dma_wait3A_458 = arith.constant 0 : i32
      %dma_wait3A_459 = arith.constant 0 : i32
      %dma_wait3A_460 = tpu.memref_slice %arg25[%dma_wait3A_458, %dma_wait3A_459] : memref<400x128xf32, #tpu.memory_space<vmem_shared>> -> memref<400x128xf32, #tpu.memory_space<vmem_shared>>
      tpu.wait_indirect_dma semaphore(%arg22 : memref<!tpu.dma_semaphore, #tpu.memory_space<semaphore_mem>>) src(%dma_wait3A_457 : memref<16x128xf32, #tpu.memory_space<vmem>>) dst(%dma_wait3A_460 : memref<400x128xf32, #tpu.memory_space<vmem_shared>>)
      %dma_wait3A_461 = arith.constant 304 : i32
      %dma_wait3A_462 = arith.constant 0 : i32
      %dma_wait3A_463 = tpu.memref_slice %arg11[%dma_wait3A_461, %dma_wait3A_462] : memref<400x128xf32, #tpu.memory_space<vmem>> -> memref<16x128xf32, #tpu.memory_space<vmem>>
      %dma_wait3A_464 = arith.constant 0 : i32
      %dma_wait3A_465 = arith.constant 0 : i32
      %dma_wait3A_466 = tpu.memref_slice %arg25[%dma_wait3A_464, %dma_wait3A_465] : memref<400x128xf32, #tpu.memory_space<vmem_shared>> -> memref<400x128xf32, #tpu.memory_space<vmem_shared>>
      tpu.wait_indirect_dma semaphore(%arg22 : memref<!tpu.dma_semaphore, #tpu.memory_space<semaphore_mem>>) src(%dma_wait3A_463 : memref<16x128xf32, #tpu.memory_space<vmem>>) dst(%dma_wait3A_466 : memref<400x128xf32, #tpu.memory_space<vmem_shared>>)
      %dma_wait3A_467 = arith.constant 320 : i32
      %dma_wait3A_468 = arith.constant 0 : i32
      %dma_wait3A_469 = tpu.memref_slice %arg11[%dma_wait3A_467, %dma_wait3A_468] : memref<400x128xf32, #tpu.memory_space<vmem>> -> memref<16x128xf32, #tpu.memory_space<vmem>>
      %dma_wait3A_470 = arith.constant 0 : i32
      %dma_wait3A_471 = arith.constant 0 : i32
      %dma_wait3A_472 = tpu.memref_slice %arg25[%dma_wait3A_470, %dma_wait3A_471] : memref<400x128xf32, #tpu.memory_space<vmem_shared>> -> memref<400x128xf32, #tpu.memory_space<vmem_shared>>
      tpu.wait_indirect_dma semaphore(%arg22 : memref<!tpu.dma_semaphore, #tpu.memory_space<semaphore_mem>>) src(%dma_wait3A_469 : memref<16x128xf32, #tpu.memory_space<vmem>>) dst(%dma_wait3A_472 : memref<400x128xf32, #tpu.memory_space<vmem_shared>>)
      %dma_wait3A_473 = arith.constant 336 : i32
      %dma_wait3A_474 = arith.constant 0 : i32
      %dma_wait3A_475 = tpu.memref_slice %arg11[%dma_wait3A_473, %dma_wait3A_474] : memref<400x128xf32, #tpu.memory_space<vmem>> -> memref<16x128xf32, #tpu.memory_space<vmem>>
      %dma_wait3A_476 = arith.constant 0 : i32
      %dma_wait3A_477 = arith.constant 0 : i32
      %dma_wait3A_478 = tpu.memref_slice %arg25[%dma_wait3A_476, %dma_wait3A_477] : memref<400x128xf32, #tpu.memory_space<vmem_shared>> -> memref<400x128xf32, #tpu.memory_space<vmem_shared>>
      tpu.wait_indirect_dma semaphore(%arg22 : memref<!tpu.dma_semaphore, #tpu.memory_space<semaphore_mem>>) src(%dma_wait3A_475 : memref<16x128xf32, #tpu.memory_space<vmem>>) dst(%dma_wait3A_478 : memref<400x128xf32, #tpu.memory_space<vmem_shared>>)
      %dma_wait3A_479 = arith.constant 352 : i32
      %dma_wait3A_480 = arith.constant 0 : i32
      %dma_wait3A_481 = tpu.memref_slice %arg11[%dma_wait3A_479, %dma_wait3A_480] : memref<400x128xf32, #tpu.memory_space<vmem>> -> memref<16x128xf32, #tpu.memory_space<vmem>>
      %dma_wait3A_482 = arith.constant 0 : i32
      %dma_wait3A_483 = arith.constant 0 : i32
      %dma_wait3A_484 = tpu.memref_slice %arg25[%dma_wait3A_482, %dma_wait3A_483] : memref<400x128xf32, #tpu.memory_space<vmem_shared>> -> memref<400x128xf32, #tpu.memory_space<vmem_shared>>
      tpu.wait_indirect_dma semaphore(%arg22 : memref<!tpu.dma_semaphore, #tpu.memory_space<semaphore_mem>>) src(%dma_wait3A_481 : memref<16x128xf32, #tpu.memory_space<vmem>>) dst(%dma_wait3A_484 : memref<400x128xf32, #tpu.memory_space<vmem_shared>>)
      %dma_wait3A_485 = arith.constant 368 : i32
      %dma_wait3A_486 = arith.constant 0 : i32
      %dma_wait3A_487 = tpu.memref_slice %arg11[%dma_wait3A_485, %dma_wait3A_486] : memref<400x128xf32, #tpu.memory_space<vmem>> -> memref<16x128xf32, #tpu.memory_space<vmem>>
      %dma_wait3A_488 = arith.constant 0 : i32
      %dma_wait3A_489 = arith.constant 0 : i32
      %dma_wait3A_490 = tpu.memref_slice %arg25[%dma_wait3A_488, %dma_wait3A_489] : memref<400x128xf32, #tpu.memory_space<vmem_shared>> -> memref<400x128xf32, #tpu.memory_space<vmem_shared>>
      tpu.wait_indirect_dma semaphore(%arg22 : memref<!tpu.dma_semaphore, #tpu.memory_space<semaphore_mem>>) src(%dma_wait3A_487 : memref<16x128xf32, #tpu.memory_space<vmem>>) dst(%dma_wait3A_490 : memref<400x128xf32, #tpu.memory_space<vmem_shared>>)
      %dma_wait3A_491 = arith.constant 384 : i32
      %dma_wait3A_492 = arith.constant 0 : i32
      %dma_wait3A_493 = tpu.memref_slice %arg11[%dma_wait3A_491, %dma_wait3A_492] : memref<400x128xf32, #tpu.memory_space<vmem>> -> memref<16x128xf32, #tpu.memory_space<vmem>>
      %dma_wait3A_494 = arith.constant 0 : i32
      %dma_wait3A_495 = arith.constant 0 : i32
      %dma_wait3A_496 = tpu.memref_slice %arg25[%dma_wait3A_494, %dma_wait3A_495] : memref<400x128xf32, #tpu.memory_space<vmem_shared>> -> memref<400x128xf32, #tpu.memory_space<vmem_shared>>
      tpu.wait_indirect_dma semaphore(%arg22 : memref<!tpu.dma_semaphore, #tpu.memory_space<semaphore_mem>>) src(%dma_wait3A_493 : memref<16x128xf32, #tpu.memory_space<vmem>>) dst(%dma_wait3A_496 : memref<400x128xf32, #tpu.memory_space<vmem_shared>>)
      %barrier3A_497 = arith.constant 0 : index
      tpu.barrier barrier_id(%barrier3A_497)
      "tpu.region"() ({
        %run_scoped3A = tpu.sem_alloc : memref<!tpu.dma_semaphore, #tpu.memory_space<semaphore_mem>>
        %dma_start3A_549 = arith.constant 0 : i32
        %dma_start3A_550 = tpu.memref_slice %arg25[%mul3A_2, %dma_start3A_549] : memref<400x128xf32, #tpu.memory_space<vmem_shared>> -> memref<25x128xf32, #tpu.memory_space<vmem_shared>>
        %dma_start3A_551 = arith.constant 0 : i32
        %dma_start3A_552 = tpu.memref_slice %arg25[%mul3A_2, %dma_start3A_551] : memref<400x128xf32, #tpu.memory_space<vmem_shared>> -> memref<25x128xf32, #tpu.memory_space<vmem_shared>>
        tpu.enqueue_dma source(%dma_start3A_552 : memref<25x128xf32, #tpu.memory_space<vmem_shared>>) target(%arg16 : memref<25x128xf32, #tpu.memory_space<vmem>>) target_semaphore(%run_scoped3A : memref<!tpu.dma_semaphore, #tpu.memory_space<semaphore_mem>>)
        %dma_wait3A_553 = arith.constant 0 : i32
        %dma_wait3A_554 = tpu.memref_slice %arg25[%mul3A_2, %dma_wait3A_553] : memref<400x128xf32, #tpu.memory_space<vmem_shared>> -> memref<25x128xf32, #tpu.memory_space<vmem_shared>>
        %dma_wait3A_555 = arith.constant 0 : i32
        %dma_wait3A_556 = tpu.memref_slice %arg25[%mul3A_2, %dma_wait3A_555] : memref<400x128xf32, #tpu.memory_space<vmem_shared>> -> memref<25x128xf32, #tpu.memory_space<vmem_shared>>
        tpu.wait_dma2 semaphore(%run_scoped3A : memref<!tpu.dma_semaphore, #tpu.memory_space<semaphore_mem>>) src(%dma_wait3A_556 : memref<25x128xf32, #tpu.memory_space<vmem_shared>>) dst(%arg16 : memref<25x128xf32, #tpu.memory_space<vmem>>)
        tpu.yield
      }) : () -> ()
      %dma_start3A_498 = arith.constant 0 : i32
      %dma_start3A_499 = tpu.memref_slice %arg25[%mul3A_2, %dma_start3A_498] : memref<400x128xf32, #tpu.memory_space<vmem_shared>> -> memref<25x128xf32, #tpu.memory_space<vmem_shared>>
      %dma_start3A_500 = arith.constant 0 : i32
      %dma_start3A_501 = tpu.memref_slice %arg8[%mul3A_2, %dma_start3A_500] : memref<12400x128xf32, #tpu.memory_space<hbm>> -> memref<25x128xf32, #tpu.memory_space<hbm>>
      tpu.enqueue_dma source(%dma_start3A_501 : memref<25x128xf32, #tpu.memory_space<hbm>>) target(%dma_start3A_499 : memref<25x128xf32, #tpu.memory_space<vmem_shared>>) target_semaphore(%arg24 : memref<!tpu.dma_semaphore, #tpu.memory_space<semaphore_mem>>)
      %parallel_loop3A_502 = arith.constant 0 : i32
      %parallel_loop3A_503 = arith.constant 25 : i32
      %parallel_loop3A_504 = arith.constant 1 : i32
      scf.for %parallel_loop3A_549 = %parallel_loop3A_502 to %parallel_loop3A_503 step %parallel_loop3A_504  : i32 {
        %parallel_loop3A_550 = arith.constant 128 : i32
        %parallel_loop3A_551 = arith.muli %parallel_loop3A_549, %parallel_loop3A_550 : i32
        %parallel_loop3A_552 = arith.addi %multiple_of3A, %parallel_loop3A_551 : i32
        %parallel_loop3A_553 = arith.constant 0 : i32
        %parallel_loop3A_554 = arith.addi %parallel_loop3A_552, %parallel_loop3A_553 : i32
        %parallel_loop3A_555 = arith.index_cast %parallel_loop3A_554 : i32 to index
        %parallel_loop3A_556 = tpu.vector_load %arg10[%parallel_loop3A_555] {strides = array<i32>} : memref<51200xf32, #tpu.memory_space<vmem>>, vector<16xf32>,
        %parallel_loop3A_557 = arith.mulf %parallel_loop3A_556, %parallel_loop3A_556 : vector<16xf32>
        %parallel_loop3A_558 = arith.mulf %parallel_loop3A_557, %parallel_loop3A_557 : vector<16xf32>
        %parallel_loop3A_559 = arith.index_cast %parallel_loop3A_549 : i32 to index
        %parallel_loop3A_560 = arith.constant 0 : index
        %parallel_loop3A_561 = tpu.vector_load %arg14[%parallel_loop3A_559, %parallel_loop3A_560] {strides = array<i32>} : memref<25x128xf32, #tpu.memory_space<vmem>>, vector<16xf32>,
        %parallel_loop3A_562 = arith.constant 1.303210e+01 : f32
        %parallel_loop3A_563 = vector.broadcast %parallel_loop3A_562 : f32 to vector<16xf32>
        %parallel_loop3A_564 = arith.subf %parallel_loop3A_558, %parallel_loop3A_563 : vector<16xf32>
        %parallel_loop3A_565 = arith.mulf %parallel_loop3A_561, %parallel_loop3A_564 : vector<16xf32>
        %parallel_loop3A_566 = arith.index_cast %parallel_loop3A_549 : i32 to index
        %parallel_loop3A_567 = arith.constant 0 : index
        %parallel_loop3A_568 = tpu.vector_load %arg16[%parallel_loop3A_566, %parallel_loop3A_567] {strides = array<i32>} : memref<25x128xf32, #tpu.memory_space<vmem>>, vector<16xf32>,
        %parallel_loop3A_569 = arith.subf %parallel_loop3A_568, %parallel_loop3A_565 : vector<16xf32>
        %parallel_loop3A_570 = arith.index_cast %parallel_loop3A_549 : i32 to index
        %parallel_loop3A_571 = arith.constant 0 : index
        %parallel_loop3A_572 = tpu.vector_load %arg15[%parallel_loop3A_570, %parallel_loop3A_571] {strides = array<i32>} : memref<25x128xf32, #tpu.memory_space<vmem>>, vector<16xf32>,
        %parallel_loop3A_573 = arith.mulf %parallel_loop3A_569, %parallel_loop3A_572 : vector<16xf32>
        %parallel_loop3A_574 = arith.addf %parallel_loop3A_556, %parallel_loop3A_573 : vector<16xf32>
        %parallel_loop3A_575 = arith.index_cast %parallel_loop3A_554 : i32 to index
        %parallel_loop3A_576 = tpu.vector_load %arg10[%parallel_loop3A_575] {strides = array<i32>} : memref<51200xf32, #tpu.memory_space<vmem>>, vector<16xf32>,
        tpu.vector_store %arg10[%parallel_loop3A_575], %parallel_loop3A_574 {strides = array<i32>} : memref<51200xf32, #tpu.memory_space<vmem>>, vector<16xf32>,
        %parallel_loop3A_577 = arith.index_cast %parallel_loop3A_549 : i32 to index
        %parallel_loop3A_578 = arith.constant 0 : index
        %parallel_loop3A_579 = tpu.vector_load %arg16[%parallel_loop3A_577, %parallel_loop3A_578] {strides = array<i32>} : memref<25x128xf32, #tpu.memory_space<vmem>>, vector<16xf32>,
        tpu.vector_store %arg16[%parallel_loop3A_577, %parallel_loop3A_578], %parallel_loop3A_565 {strides = array<i32>} : memref<25x128xf32, #tpu.memory_space<vmem>>, vector<16xf32>,
        %parallel_loop3A_580 = arith.constant 128 : i32
        %parallel_loop3A_581 = arith.muli %parallel_loop3A_549, %parallel_loop3A_580 : i32
        %parallel_loop3A_582 = arith.addi %multiple_of3A, %parallel_loop3A_581 : i32
        %parallel_loop3A_583 = arith.constant 16 : i32
        %parallel_loop3A_584 = arith.addi %parallel_loop3A_582, %parallel_loop3A_583 : i32
        %parallel_loop3A_585 = arith.index_cast %parallel_loop3A_584 : i32 to index
        %parallel_loop3A_586 = tpu.vector_load %arg10[%parallel_loop3A_585] {strides = array<i32>} : memref<51200xf32, #tpu.memory_space<vmem>>, vector<16xf32>,
        %parallel_loop3A_587 = arith.mulf %parallel_loop3A_586, %parallel_loop3A_586 : vector<16xf32>
        %parallel_loop3A_588 = arith.mulf %parallel_loop3A_587, %parallel_loop3A_587 : vector<16xf32>
        %parallel_loop3A_589 = arith.index_cast %parallel_loop3A_549 : i32 to index
        %parallel_loop3A_590 = arith.constant 16 : index
        %parallel_loop3A_591 = tpu.vector_load %arg14[%parallel_loop3A_589, %parallel_loop3A_590] {strides = array<i32>} : memref<25x128xf32, #tpu.memory_space<vmem>>, vector<16xf32>,
        %parallel_loop3A_592 = arith.constant 1.303210e+01 : f32
        %parallel_loop3A_593 = vector.broadcast %parallel_loop3A_592 : f32 to vector<16xf32>
        %parallel_loop3A_594 = arith.subf %parallel_loop3A_588, %parallel_loop3A_593 : vector<16xf32>
        %parallel_loop3A_595 = arith.mulf %parallel_loop3A_591, %parallel_loop3A_594 : vector<16xf32>
        %parallel_loop3A_596 = arith.index_cast %parallel_loop3A_549 : i32 to index
        %parallel_loop3A_597 = arith.constant 16 : index
        %parallel_loop3A_598 = tpu.vector_load %arg16[%parallel_loop3A_596, %parallel_loop3A_597] {strides = array<i32>} : memref<25x128xf32, #tpu.memory_space<vmem>>, vector<16xf32>,
        %parallel_loop3A_599 = arith.subf %parallel_loop3A_598, %parallel_loop3A_595 : vector<16xf32>
        %parallel_loop3A_600 = arith.index_cast %parallel_loop3A_549 : i32 to index
        %parallel_loop3A_601 = arith.constant 16 : index
        %parallel_loop3A_602 = tpu.vector_load %arg15[%parallel_loop3A_600, %parallel_loop3A_601] {strides = array<i32>} : memref<25x128xf32, #tpu.memory_space<vmem>>, vector<16xf32>,
        %parallel_loop3A_603 = arith.mulf %parallel_loop3A_599, %parallel_loop3A_602 : vector<16xf32>
        %parallel_loop3A_604 = arith.addf %parallel_loop3A_586, %parallel_loop3A_603 : vector<16xf32>
        %parallel_loop3A_605 = arith.index_cast %parallel_loop3A_584 : i32 to index
        %parallel_loop3A_606 = tpu.vector_load %arg10[%parallel_loop3A_605] {strides = array<i32>} : memref<51200xf32, #tpu.memory_space<vmem>>, vector<16xf32>,
        tpu.vector_store %arg10[%parallel_loop3A_605], %parallel_loop3A_604 {strides = array<i32>} : memref<51200xf32, #tpu.memory_space<vmem>>, vector<16xf32>,
        %parallel_loop3A_607 = arith.index_cast %parallel_loop3A_549 : i32 to index
        %parallel_loop3A_608 = arith.constant 16 : index
        %parallel_loop3A_609 = tpu.vector_load %arg16[%parallel_loop3A_607, %parallel_loop3A_608] {strides = array<i32>} : memref<25x128xf32, #tpu.memory_space<vmem>>, vector<16xf32>,
        tpu.vector_store %arg16[%parallel_loop3A_607, %parallel_loop3A_608], %parallel_loop3A_595 {strides = array<i32>} : memref<25x128xf32, #tpu.memory_space<vmem>>, vector<16xf32>,
        %parallel_loop3A_610 = arith.constant 128 : i32
        %parallel_loop3A_611 = arith.muli %parallel_loop3A_549, %parallel_loop3A_610 : i32
        %parallel_loop3A_612 = arith.addi %multiple_of3A, %parallel_loop3A_611 : i32
        %parallel_loop3A_613 = arith.constant 32 : i32
        %parallel_loop3A_614 = arith.addi %parallel_loop3A_612, %parallel_loop3A_613 : i32
        %parallel_loop3A_615 = arith.index_cast %parallel_loop3A_614 : i32 to index
        %parallel_loop3A_616 = tpu.vector_load %arg10[%parallel_loop3A_615] {strides = array<i32>} : memref<51200xf32, #tpu.memory_space<vmem>>, vector<16xf32>,
        %parallel_loop3A_617 = arith.mulf %parallel_loop3A_616, %parallel_loop3A_616 : vector<16xf32>
        %parallel_loop3A_618 = arith.mulf %parallel_loop3A_617, %parallel_loop3A_617 : vector<16xf32>
        %parallel_loop3A_619 = arith.index_cast %parallel_loop3A_549 : i32 to index
        %parallel_loop3A_620 = arith.constant 32 : index
        %parallel_loop3A_621 = tpu.vector_load %arg14[%parallel_loop3A_619, %parallel_loop3A_620] {strides = array<i32>} : memref<25x128xf32, #tpu.memory_space<vmem>>, vector<16xf32>,
        %parallel_loop3A_622 = arith.constant 1.303210e+01 : f32
        %parallel_loop3A_623 = vector.broadcast %parallel_loop3A_622 : f32 to vector<16xf32>
        %parallel_loop3A_624 = arith.subf %parallel_loop3A_618, %parallel_loop3A_623 : vector<16xf32>
        %parallel_loop3A_625 = arith.mulf %parallel_loop3A_621, %parallel_loop3A_624 : vector<16xf32>
        %parallel_loop3A_626 = arith.index_cast %parallel_loop3A_549 : i32 to index
        %parallel_loop3A_627 = arith.constant 32 : index
        %parallel_loop3A_628 = tpu.vector_load %arg16[%parallel_loop3A_626, %parallel_loop3A_627] {strides = array<i32>} : memref<25x128xf32, #tpu.memory_space<vmem>>, vector<16xf32>,
        %parallel_loop3A_629 = arith.subf %parallel_loop3A_628, %parallel_loop3A_625 : vector<16xf32>
        %parallel_loop3A_630 = arith.index_cast %parallel_loop3A_549 : i32 to index
        %parallel_loop3A_631 = arith.constant 32 : index
        %parallel_loop3A_632 = tpu.vector_load %arg15[%parallel_loop3A_630, %parallel_loop3A_631] {strides = array<i32>} : memref<25x128xf32, #tpu.memory_space<vmem>>, vector<16xf32>,
        %parallel_loop3A_633 = arith.mulf %parallel_loop3A_629, %parallel_loop3A_632 : vector<16xf32>
        %parallel_loop3A_634 = arith.addf %parallel_loop3A_616, %parallel_loop3A_633 : vector<16xf32>
        %parallel_loop3A_635 = arith.index_cast %parallel_loop3A_614 : i32 to index
        %parallel_loop3A_636 = tpu.vector_load %arg10[%parallel_loop3A_635] {strides = array<i32>} : memref<51200xf32, #tpu.memory_space<vmem>>, vector<16xf32>,
        tpu.vector_store %arg10[%parallel_loop3A_635], %parallel_loop3A_634 {strides = array<i32>} : memref<51200xf32, #tpu.memory_space<vmem>>, vector<16xf32>,
        %parallel_loop3A_637 = arith.index_cast %parallel_loop3A_549 : i32 to index
        %parallel_loop3A_638 = arith.constant 32 : index
        %parallel_loop3A_639 = tpu.vector_load %arg16[%parallel_loop3A_637, %parallel_loop3A_638] {strides = array<i32>} : memref<25x128xf32, #tpu.memory_space<vmem>>, vector<16xf32>,
        tpu.vector_store %arg16[%parallel_loop3A_637, %parallel_loop3A_638], %parallel_loop3A_625 {strides = array<i32>} : memref<25x128xf32, #tpu.memory_space<vmem>>, vector<16xf32>,
        %parallel_loop3A_640 = arith.constant 128 : i32
        %parallel_loop3A_641 = arith.muli %parallel_loop3A_549, %parallel_loop3A_640 : i32
        %parallel_loop3A_642 = arith.addi %multiple_of3A, %parallel_loop3A_641 : i32
        %parallel_loop3A_643 = arith.constant 48 : i32
        %parallel_loop3A_644 = arith.addi %parallel_loop3A_642, %parallel_loop3A_643 : i32
        %parallel_loop3A_645 = arith.index_cast %parallel_loop3A_644 : i32 to index
        %parallel_loop3A_646 = tpu.vector_load %arg10[%parallel_loop3A_645] {strides = array<i32>} : memref<51200xf32, #tpu.memory_space<vmem>>, vector<16xf32>,
        %parallel_loop3A_647 = arith.mulf %parallel_loop3A_646, %parallel_loop3A_646 : vector<16xf32>
        %parallel_loop3A_648 = arith.mulf %parallel_loop3A_647, %parallel_loop3A_647 : vector<16xf32>
        %parallel_loop3A_649 = arith.index_cast %parallel_loop3A_549 : i32 to index
        %parallel_loop3A_650 = arith.constant 48 : index
        %parallel_loop3A_651 = tpu.vector_load %arg14[%parallel_loop3A_649, %parallel_loop3A_650] {strides = array<i32>} : memref<25x128xf32, #tpu.memory_space<vmem>>, vector<16xf32>,
        %parallel_loop3A_652 = arith.constant 1.303210e+01 : f32
        %parallel_loop3A_653 = vector.broadcast %parallel_loop3A_652 : f32 to vector<16xf32>
        %parallel_loop3A_654 = arith.subf %parallel_loop3A_648, %parallel_loop3A_653 : vector<16xf32>
        %parallel_loop3A_655 = arith.mulf %parallel_loop3A_651, %parallel_loop3A_654 : vector<16xf32>
        %parallel_loop3A_656 = arith.index_cast %parallel_loop3A_549 : i32 to index
        %parallel_loop3A_657 = arith.constant 48 : index
        %parallel_loop3A_658 = tpu.vector_load %arg16[%parallel_loop3A_656, %parallel_loop3A_657] {strides = array<i32>} : memref<25x128xf32, #tpu.memory_space<vmem>>, vector<16xf32>,
        %parallel_loop3A_659 = arith.subf %parallel_loop3A_658, %parallel_loop3A_655 : vector<16xf32>
        %parallel_loop3A_660 = arith.index_cast %parallel_loop3A_549 : i32 to index
        %parallel_loop3A_661 = arith.constant 48 : index
        %parallel_loop3A_662 = tpu.vector_load %arg15[%parallel_loop3A_660, %parallel_loop3A_661] {strides = array<i32>} : memref<25x128xf32, #tpu.memory_space<vmem>>, vector<16xf32>,
        %parallel_loop3A_663 = arith.mulf %parallel_loop3A_659, %parallel_loop3A_662 : vector<16xf32>
        %parallel_loop3A_664 = arith.addf %parallel_loop3A_646, %parallel_loop3A_663 : vector<16xf32>
        %parallel_loop3A_665 = arith.index_cast %parallel_loop3A_644 : i32 to index
        %parallel_loop3A_666 = tpu.vector_load %arg10[%parallel_loop3A_665] {strides = array<i32>} : memref<51200xf32, #tpu.memory_space<vmem>>, vector<16xf32>,
        tpu.vector_store %arg10[%parallel_loop3A_665], %parallel_loop3A_664 {strides = array<i32>} : memref<51200xf32, #tpu.memory_space<vmem>>, vector<16xf32>,
        %parallel_loop3A_667 = arith.index_cast %parallel_loop3A_549 : i32 to index
        %parallel_loop3A_668 = arith.constant 48 : index
        %parallel_loop3A_669 = tpu.vector_load %arg16[%parallel_loop3A_667, %parallel_loop3A_668] {strides = array<i32>} : memref<25x128xf32, #tpu.memory_space<vmem>>, vector<16xf32>,
        tpu.vector_store %arg16[%parallel_loop3A_667, %parallel_loop3A_668], %parallel_loop3A_655 {strides = array<i32>} : memref<25x128xf32, #tpu.memory_space<vmem>>, vector<16xf32>,
        %parallel_loop3A_670 = arith.constant 128 : i32
        %parallel_loop3A_671 = arith.muli %parallel_loop3A_549, %parallel_loop3A_670 : i32
        %parallel_loop3A_672 = arith.addi %multiple_of3A, %parallel_loop3A_671 : i32
        %parallel_loop3A_673 = arith.constant 64 : i32
        %parallel_loop3A_674 = arith.addi %parallel_loop3A_672, %parallel_loop3A_673 : i32
        %parallel_loop3A_675 = arith.index_cast %parallel_loop3A_674 : i32 to index
        %parallel_loop3A_676 = tpu.vector_load %arg10[%parallel_loop3A_675] {strides = array<i32>} : memref<51200xf32, #tpu.memory_space<vmem>>, vector<16xf32>,
        %parallel_loop3A_677 = arith.mulf %parallel_loop3A_676, %parallel_loop3A_676 : vector<16xf32>
        %parallel_loop3A_678 = arith.mulf %parallel_loop3A_677, %parallel_loop3A_677 : vector<16xf32>
        %parallel_loop3A_679 = arith.index_cast %parallel_loop3A_549 : i32 to index
        %parallel_loop3A_680 = arith.constant 64 : index
        %parallel_loop3A_681 = tpu.vector_load %arg14[%parallel_loop3A_679, %parallel_loop3A_680] {strides = array<i32>} : memref<25x128xf32, #tpu.memory_space<vmem>>, vector<16xf32>,
        %parallel_loop3A_682 = arith.constant 1.303210e+01 : f32
        %parallel_loop3A_683 = vector.broadcast %parallel_loop3A_682 : f32 to vector<16xf32>
        %parallel_loop3A_684 = arith.subf %parallel_loop3A_678, %parallel_loop3A_683 : vector<16xf32>
        %parallel_loop3A_685 = arith.mulf %parallel_loop3A_681, %parallel_loop3A_684 : vector<16xf32>
        %parallel_loop3A_686 = arith.index_cast %parallel_loop3A_549 : i32 to index
        %parallel_loop3A_687 = arith.constant 64 : index
        %parallel_loop3A_688 = tpu.vector_load %arg16[%parallel_loop3A_686, %parallel_loop3A_687] {strides = array<i32>} : memref<25x128xf32, #tpu.memory_space<vmem>>, vector<16xf32>,
        %parallel_loop3A_689 = arith.subf %parallel_loop3A_688, %parallel_loop3A_685 : vector<16xf32>
        %parallel_loop3A_690 = arith.index_cast %parallel_loop3A_549 : i32 to index
        %parallel_loop3A_691 = arith.constant 64 : index
        %parallel_loop3A_692 = tpu.vector_load %arg15[%parallel_loop3A_690, %parallel_loop3A_691] {strides = array<i32>} : memref<25x128xf32, #tpu.memory_space<vmem>>, vector<16xf32>,
        %parallel_loop3A_693 = arith.mulf %parallel_loop3A_689, %parallel_loop3A_692 : vector<16xf32>
        %parallel_loop3A_694 = arith.addf %parallel_loop3A_676, %parallel_loop3A_693 : vector<16xf32>
        %parallel_loop3A_695 = arith.index_cast %parallel_loop3A_674 : i32 to index
        %parallel_loop3A_696 = tpu.vector_load %arg10[%parallel_loop3A_695] {strides = array<i32>} : memref<51200xf32, #tpu.memory_space<vmem>>, vector<16xf32>,
        tpu.vector_store %arg10[%parallel_loop3A_695], %parallel_loop3A_694 {strides = array<i32>} : memref<51200xf32, #tpu.memory_space<vmem>>, vector<16xf32>,
        %parallel_loop3A_697 = arith.index_cast %parallel_loop3A_549 : i32 to index
        %parallel_loop3A_698 = arith.constant 64 : index
        %parallel_loop3A_699 = tpu.vector_load %arg16[%parallel_loop3A_697, %parallel_loop3A_698] {strides = array<i32>} : memref<25x128xf32, #tpu.memory_space<vmem>>, vector<16xf32>,
        tpu.vector_store %arg16[%parallel_loop3A_697, %parallel_loop3A_698], %parallel_loop3A_685 {strides = array<i32>} : memref<25x128xf32, #tpu.memory_space<vmem>>, vector<16xf32>,
        %parallel_loop3A_700 = arith.constant 128 : i32
        %parallel_loop3A_701 = arith.muli %parallel_loop3A_549, %parallel_loop3A_700 : i32
        %parallel_loop3A_702 = arith.addi %multiple_of3A, %parallel_loop3A_701 : i32
        %parallel_loop3A_703 = arith.constant 80 : i32
        %parallel_loop3A_704 = arith.addi %parallel_loop3A_702, %parallel_loop3A_703 : i32
        %parallel_loop3A_705 = arith.index_cast %parallel_loop3A_704 : i32 to index
        %parallel_loop3A_706 = tpu.vector_load %arg10[%parallel_loop3A_705] {strides = array<i32>} : memref<51200xf32, #tpu.memory_space<vmem>>, vector<16xf32>,
        %parallel_loop3A_707 = arith.mulf %parallel_loop3A_706, %parallel_loop3A_706 : vector<16xf32>
        %parallel_loop3A_708 = arith.mulf %parallel_loop3A_707, %parallel_loop3A_707 : vector<16xf32>
        %parallel_loop3A_709 = arith.index_cast %parallel_loop3A_549 : i32 to index
        %parallel_loop3A_710 = arith.constant 80 : index
        %parallel_loop3A_711 = tpu.vector_load %arg14[%parallel_loop3A_709, %parallel_loop3A_710] {strides = array<i32>} : memref<25x128xf32, #tpu.memory_space<vmem>>, vector<16xf32>,
        %parallel_loop3A_712 = arith.constant 1.303210e+01 : f32
        %parallel_loop3A_713 = vector.broadcast %parallel_loop3A_712 : f32 to vector<16xf32>
        %parallel_loop3A_714 = arith.subf %parallel_loop3A_708, %parallel_loop3A_713 : vector<16xf32>
        %parallel_loop3A_715 = arith.mulf %parallel_loop3A_711, %parallel_loop3A_714 : vector<16xf32>
        %parallel_loop3A_716 = arith.index_cast %parallel_loop3A_549 : i32 to index
        %parallel_loop3A_717 = arith.constant 80 : index
        %parallel_loop3A_718 = tpu.vector_load %arg16[%parallel_loop3A_716, %parallel_loop3A_717] {strides = array<i32>} : memref<25x128xf32, #tpu.memory_space<vmem>>, vector<16xf32>,
        %parallel_loop3A_719 = arith.subf %parallel_loop3A_718, %parallel_loop3A_715 : vector<16xf32>
        %parallel_loop3A_720 = arith.index_cast %parallel_loop3A_549 : i32 to index
        %parallel_loop3A_721 = arith.constant 80 : index
        %parallel_loop3A_722 = tpu.vector_load %arg15[%parallel_loop3A_720, %parallel_loop3A_721] {strides = array<i32>} : memref<25x128xf32, #tpu.memory_space<vmem>>, vector<16xf32>,
        %parallel_loop3A_723 = arith.mulf %parallel_loop3A_719, %parallel_loop3A_722 : vector<16xf32>
        %parallel_loop3A_724 = arith.addf %parallel_loop3A_706, %parallel_loop3A_723 : vector<16xf32>
        %parallel_loop3A_725 = arith.index_cast %parallel_loop3A_704 : i32 to index
        %parallel_loop3A_726 = tpu.vector_load %arg10[%parallel_loop3A_725] {strides = array<i32>} : memref<51200xf32, #tpu.memory_space<vmem>>, vector<16xf32>,
        tpu.vector_store %arg10[%parallel_loop3A_725], %parallel_loop3A_724 {strides = array<i32>} : memref<51200xf32, #tpu.memory_space<vmem>>, vector<16xf32>,
        %parallel_loop3A_727 = arith.index_cast %parallel_loop3A_549 : i32 to index
        %parallel_loop3A_728 = arith.constant 80 : index
        %parallel_loop3A_729 = tpu.vector_load %arg16[%parallel_loop3A_727, %parallel_loop3A_728] {strides = array<i32>} : memref<25x128xf32, #tpu.memory_space<vmem>>, vector<16xf32>,
        tpu.vector_store %arg16[%parallel_loop3A_727, %parallel_loop3A_728], %parallel_loop3A_715 {strides = array<i32>} : memref<25x128xf32, #tpu.memory_space<vmem>>, vector<16xf32>,
        %parallel_loop3A_730 = arith.constant 128 : i32
        %parallel_loop3A_731 = arith.muli %parallel_loop3A_549, %parallel_loop3A_730 : i32
        %parallel_loop3A_732 = arith.addi %multiple_of3A, %parallel_loop3A_731 : i32
        %parallel_loop3A_733 = arith.constant 96 : i32
        %parallel_loop3A_734 = arith.addi %parallel_loop3A_732, %parallel_loop3A_733 : i32
        %parallel_loop3A_735 = arith.index_cast %parallel_loop3A_734 : i32 to index
        %parallel_loop3A_736 = tpu.vector_load %arg10[%parallel_loop3A_735] {strides = array<i32>} : memref<51200xf32, #tpu.memory_space<vmem>>, vector<16xf32>,
        %parallel_loop3A_737 = arith.mulf %parallel_loop3A_736, %parallel_loop3A_736 : vector<16xf32>
        %parallel_loop3A_738 = arith.mulf %parallel_loop3A_737, %parallel_loop3A_737 : vector<16xf32>
        %parallel_loop3A_739 = arith.index_cast %parallel_loop3A_549 : i32 to index
        %parallel_loop3A_740 = arith.constant 96 : index
        %parallel_loop3A_741 = tpu.vector_load %arg14[%parallel_loop3A_739, %parallel_loop3A_740] {strides = array<i32>} : memref<25x128xf32, #tpu.memory_space<vmem>>, vector<16xf32>,
        %parallel_loop3A_742 = arith.constant 1.303210e+01 : f32
        %parallel_loop3A_743 = vector.broadcast %parallel_loop3A_742 : f32 to vector<16xf32>
        %parallel_loop3A_744 = arith.subf %parallel_loop3A_738, %parallel_loop3A_743 : vector<16xf32>
        %parallel_loop3A_745 = arith.mulf %parallel_loop3A_741, %parallel_loop3A_744 : vector<16xf32>
        %parallel_loop3A_746 = arith.index_cast %parallel_loop3A_549 : i32 to index
        %parallel_loop3A_747 = arith.constant 96 : index
        %parallel_loop3A_748 = tpu.vector_load %arg16[%parallel_loop3A_746, %parallel_loop3A_747] {strides = array<i32>} : memref<25x128xf32, #tpu.memory_space<vmem>>, vector<16xf32>,
        %parallel_loop3A_749 = arith.subf %parallel_loop3A_748, %parallel_loop3A_745 : vector<16xf32>
        %parallel_loop3A_750 = arith.index_cast %parallel_loop3A_549 : i32 to index
        %parallel_loop3A_751 = arith.constant 96 : index
        %parallel_loop3A_752 = tpu.vector_load %arg15[%parallel_loop3A_750, %parallel_loop3A_751] {strides = array<i32>} : memref<25x128xf32, #tpu.memory_space<vmem>>, vector<16xf32>,
        %parallel_loop3A_753 = arith.mulf %parallel_loop3A_749, %parallel_loop3A_752 : vector<16xf32>
        %parallel_loop3A_754 = arith.addf %parallel_loop3A_736, %parallel_loop3A_753 : vector<16xf32>
        %parallel_loop3A_755 = arith.index_cast %parallel_loop3A_734 : i32 to index
        %parallel_loop3A_756 = tpu.vector_load %arg10[%parallel_loop3A_755] {strides = array<i32>} : memref<51200xf32, #tpu.memory_space<vmem>>, vector<16xf32>,
        tpu.vector_store %arg10[%parallel_loop3A_755], %parallel_loop3A_754 {strides = array<i32>} : memref<51200xf32, #tpu.memory_space<vmem>>, vector<16xf32>,
        %parallel_loop3A_757 = arith.index_cast %parallel_loop3A_549 : i32 to index
        %parallel_loop3A_758 = arith.constant 96 : index
        %parallel_loop3A_759 = tpu.vector_load %arg16[%parallel_loop3A_757, %parallel_loop3A_758] {strides = array<i32>} : memref<25x128xf32, #tpu.memory_space<vmem>>, vector<16xf32>,
        tpu.vector_store %arg16[%parallel_loop3A_757, %parallel_loop3A_758], %parallel_loop3A_745 {strides = array<i32>} : memref<25x128xf32, #tpu.memory_space<vmem>>, vector<16xf32>,
        %parallel_loop3A_760 = arith.constant 128 : i32
        %parallel_loop3A_761 = arith.muli %parallel_loop3A_549, %parallel_loop3A_760 : i32
        %parallel_loop3A_762 = arith.addi %multiple_of3A, %parallel_loop3A_761 : i32
        %parallel_loop3A_763 = arith.constant 112 : i32
        %parallel_loop3A_764 = arith.addi %parallel_loop3A_762, %parallel_loop3A_763 : i32
        %parallel_loop3A_765 = arith.index_cast %parallel_loop3A_764 : i32 to index
        %parallel_loop3A_766 = tpu.vector_load %arg10[%parallel_loop3A_765] {strides = array<i32>} : memref<51200xf32, #tpu.memory_space<vmem>>, vector<16xf32>,
        %parallel_loop3A_767 = arith.mulf %parallel_loop3A_766, %parallel_loop3A_766 : vector<16xf32>
        %parallel_loop3A_768 = arith.mulf %parallel_loop3A_767, %parallel_loop3A_767 : vector<16xf32>
        %parallel_loop3A_769 = arith.index_cast %parallel_loop3A_549 : i32 to index
        %parallel_loop3A_770 = arith.constant 112 : index
        %parallel_loop3A_771 = tpu.vector_load %arg14[%parallel_loop3A_769, %parallel_loop3A_770] {strides = array<i32>} : memref<25x128xf32, #tpu.memory_space<vmem>>, vector<16xf32>,
        %parallel_loop3A_772 = arith.constant 1.303210e+01 : f32
        %parallel_loop3A_773 = vector.broadcast %parallel_loop3A_772 : f32 to vector<16xf32>
        %parallel_loop3A_774 = arith.subf %parallel_loop3A_768, %parallel_loop3A_773 : vector<16xf32>
        %parallel_loop3A_775 = arith.mulf %parallel_loop3A_771, %parallel_loop3A_774 : vector<16xf32>
        %parallel_loop3A_776 = arith.index_cast %parallel_loop3A_549 : i32 to index
        %parallel_loop3A_777 = arith.constant 112 : index
        %parallel_loop3A_778 = tpu.vector_load %arg16[%parallel_loop3A_776, %parallel_loop3A_777] {strides = array<i32>} : memref<25x128xf32, #tpu.memory_space<vmem>>, vector<16xf32>,
        %parallel_loop3A_779 = arith.subf %parallel_loop3A_778, %parallel_loop3A_775 : vector<16xf32>
        %parallel_loop3A_780 = arith.index_cast %parallel_loop3A_549 : i32 to index
        %parallel_loop3A_781 = arith.constant 112 : index
        %parallel_loop3A_782 = tpu.vector_load %arg15[%parallel_loop3A_780, %parallel_loop3A_781] {strides = array<i32>} : memref<25x128xf32, #tpu.memory_space<vmem>>, vector<16xf32>,
        %parallel_loop3A_783 = arith.mulf %parallel_loop3A_779, %parallel_loop3A_782 : vector<16xf32>
        %parallel_loop3A_784 = arith.addf %parallel_loop3A_766, %parallel_loop3A_783 : vector<16xf32>
        %parallel_loop3A_785 = arith.index_cast %parallel_loop3A_764 : i32 to index
        %parallel_loop3A_786 = tpu.vector_load %arg10[%parallel_loop3A_785] {strides = array<i32>} : memref<51200xf32, #tpu.memory_space<vmem>>, vector<16xf32>,
        tpu.vector_store %arg10[%parallel_loop3A_785], %parallel_loop3A_784 {strides = array<i32>} : memref<51200xf32, #tpu.memory_space<vmem>>, vector<16xf32>,
        %parallel_loop3A_787 = arith.index_cast %parallel_loop3A_549 : i32 to index
        %parallel_loop3A_788 = arith.constant 112 : index
        %parallel_loop3A_789 = tpu.vector_load %arg16[%parallel_loop3A_787, %parallel_loop3A_788] {strides = array<i32>} : memref<25x128xf32, #tpu.memory_space<vmem>>, vector<16xf32>,
        tpu.vector_store %arg16[%parallel_loop3A_787, %parallel_loop3A_788], %parallel_loop3A_775 {strides = array<i32>} : memref<25x128xf32, #tpu.memory_space<vmem>>, vector<16xf32>,
      } {sc.loop_unroll_factor = 2 : i64, sc.parallel_access}
      %add3A_505 = arith.constant 1 : i32
      %add3A_506 = arith.addi %scan3A_115, %add3A_505 : i32
      %mul3A_507 = arith.constant 51200 : i32
      %mul3A_508 = arith.muli %add3A_506, %mul3A_507 : i32
      %add3A_509 = arith.addi %mul3A_508, %multiple_of3A : i32
      %multiple_of3A_510 = tpu.assume_multiple %add3A_509, 8 : i32
      %dma_start3A_511 = tpu.memref_slice %arg10[%multiple_of3A] : memref<51200xf32, #tpu.memory_space<vmem>> -> memref<3200xf32, #tpu.memory_space<vmem>>
      %dma_start3A_512 = tpu.memref_slice %arg7[%multiple_of3A_510] : memref<1587200xf32, #tpu.memory_space<hbm>> -> memref<3200xf32, #tpu.memory_space<hbm>>
      %dma_start3A_513 = tpu.memref_slice %arg7[%multiple_of3A_510] : memref<1587200xf32, #tpu.memory_space<hbm>> -> memref<3200xf32, #tpu.memory_space<hbm>>
      %dma_start3A_514 = tpu.memref_slice %arg10[%multiple_of3A] : memref<51200xf32, #tpu.memory_space<vmem>> -> memref<3200xf32, #tpu.memory_space<vmem>>
      tpu.enqueue_dma source(%dma_start3A_514 : memref<3200xf32, #tpu.memory_space<vmem>>) target(%dma_start3A_513 : memref<3200xf32, #tpu.memory_space<hbm>>) target_semaphore(%arg20 : memref<!tpu.dma_semaphore, #tpu.memory_space<semaphore_mem>>)
      %add3A_515 = arith.constant 1 : i32
      %add3A_516 = arith.addi %scan3A_115, %add3A_515 : i32
      %mul3A_517 = arith.constant 400 : i32
      %mul3A_518 = arith.muli %add3A_516, %mul3A_517 : i32
      %add3A_519 = arith.addi %mul3A_518, %mul3A_2 : i32
      %dma_start3A_520 = arith.constant 0 : i32
      %dma_start3A_521 = tpu.memref_slice %arg8[%add3A_519, %dma_start3A_520] : memref<12400x128xf32, #tpu.memory_space<hbm>> -> memref<25x128xf32, #tpu.memory_space<hbm>>
      %dma_start3A_522 = arith.constant 0 : i32
      %dma_start3A_523 = tpu.memref_slice %arg8[%add3A_519, %dma_start3A_522] : memref<12400x128xf32, #tpu.memory_space<hbm>> -> memref<25x128xf32, #tpu.memory_space<hbm>>
      tpu.enqueue_dma source(%arg16 : memref<25x128xf32, #tpu.memory_space<vmem>>) target(%dma_start3A_523 : memref<25x128xf32, #tpu.memory_space<hbm>>) target_semaphore(%arg21 : memref<!tpu.dma_semaphore, #tpu.memory_space<semaphore_mem>>)
      %dma_wait3A_524 = arith.constant 0 : i32
      %dma_wait3A_525 = tpu.memref_slice %arg8[%add3A_519, %dma_wait3A_524] : memref<12400x128xf32, #tpu.memory_space<hbm>> -> memref<25x128xf32, #tpu.memory_space<hbm>>
      %dma_wait3A_526 = arith.constant 0 : i32
      %dma_wait3A_527 = tpu.memref_slice %arg8[%add3A_519, %dma_wait3A_526] : memref<12400x128xf32, #tpu.memory_space<hbm>> -> memref<25x128xf32, #tpu.memory_space<hbm>>
      tpu.wait_dma2 semaphore(%arg21 : memref<!tpu.dma_semaphore, #tpu.memory_space<semaphore_mem>>) src(%arg16 : memref<25x128xf32, #tpu.memory_space<vmem>>) dst(%dma_wait3A_527 : memref<25x128xf32, #tpu.memory_space<hbm>>)
      %dma_wait3A_528 = tpu.memref_slice %arg10[%multiple_of3A] : memref<51200xf32, #tpu.memory_space<vmem>> -> memref<3200xf32, #tpu.memory_space<vmem>>
      %dma_wait3A_529 = tpu.memref_slice %arg7[%multiple_of3A_510] : memref<1587200xf32, #tpu.memory_space<hbm>> -> memref<3200xf32, #tpu.memory_space<hbm>>
      %dma_wait3A_530 = tpu.memref_slice %arg7[%multiple_of3A_510] : memref<1587200xf32, #tpu.memory_space<hbm>> -> memref<3200xf32, #tpu.memory_space<hbm>>
      %dma_wait3A_531 = tpu.memref_slice %arg10[%multiple_of3A] : memref<51200xf32, #tpu.memory_space<vmem>> -> memref<3200xf32, #tpu.memory_space<vmem>>
      tpu.wait_dma2 semaphore(%arg20 : memref<!tpu.dma_semaphore, #tpu.memory_space<semaphore_mem>>) src(%dma_wait3A_531 : memref<3200xf32, #tpu.memory_space<vmem>>) dst(%dma_wait3A_530 : memref<3200xf32, #tpu.memory_space<hbm>>)
      %dma_wait3A_532 = arith.constant 0 : i32
      %dma_wait3A_533 = tpu.memref_slice %arg25[%mul3A_2, %dma_wait3A_532] : memref<400x128xf32, #tpu.memory_space<vmem_shared>> -> memref<25x128xf32, #tpu.memory_space<vmem_shared>>
      %dma_wait3A_534 = arith.constant 0 : i32
      %dma_wait3A_535 = tpu.memref_slice %arg8[%mul3A_2, %dma_wait3A_534] : memref<12400x128xf32, #tpu.memory_space<hbm>> -> memref<25x128xf32, #tpu.memory_space<hbm>>
      tpu.wait_dma2 semaphore(%arg24 : memref<!tpu.dma_semaphore, #tpu.memory_space<semaphore_mem>>) src(%dma_wait3A_535 : memref<25x128xf32, #tpu.memory_space<hbm>>) dst(%dma_wait3A_533 : memref<25x128xf32, #tpu.memory_space<vmem_shared>>)
      %barrier3A_536 = arith.constant 0 : index
      tpu.barrier barrier_id(%barrier3A_536)
      %add3A_537 = arith.constant 1 : i32
      %add3A_538 = arith.addi %scan3A_115, %add3A_537 : i32
      %mul3A_539 = arith.constant 51200 : i32
      %mul3A_540 = arith.muli %add3A_538, %mul3A_539 : i32
      %multiple_of3A_541 = tpu.assume_multiple %mul3A_540, 8 : i32
      %dma_start3A_542 = tpu.memref_slice %arg7[%multiple_of3A_541] : memref<1587200xf32, #tpu.memory_space<hbm>> -> memref<51200xf32, #tpu.memory_space<hbm>>
      %dma_start3A_543 = tpu.memref_slice %arg7[%multiple_of3A_541] : memref<1587200xf32, #tpu.memory_space<hbm>> -> memref<51200xf32, #tpu.memory_space<hbm>>
      tpu.enqueue_dma source(%dma_start3A_543 : memref<51200xf32, #tpu.memory_space<hbm>>) target(%arg10 : memref<51200xf32, #tpu.memory_space<vmem>>) target_semaphore(%arg23 : memref<!tpu.dma_semaphore, #tpu.memory_space<semaphore_mem>>)
      %parallel_loop3A_544 = arith.constant 0 : i32
      %parallel_loop3A_545 = arith.constant 400 : i32
      %parallel_loop3A_546 = arith.constant 1 : i32
      scf.for %parallel_loop3A_549 = %parallel_loop3A_544 to %parallel_loop3A_545 step %parallel_loop3A_546  : i32 {
        %parallel_loop3A_550 = arith.index_cast %parallel_loop3A_549 : i32 to index
        %parallel_loop3A_551 = arith.constant 0 : index
        %parallel_loop3A_552 = tpu.vector_load %arg11[%parallel_loop3A_550, %parallel_loop3A_551] {strides = array<i32>} : memref<400x128xf32, #tpu.memory_space<vmem>>, vector<16xf32>,
        tpu.vector_store %arg11[%parallel_loop3A_550, %parallel_loop3A_551], %mul3A_7 {strides = array<i32>} : memref<400x128xf32, #tpu.memory_space<vmem>>, vector<16xf32>,
        %parallel_loop3A_553 = arith.index_cast %parallel_loop3A_549 : i32 to index
        %parallel_loop3A_554 = arith.constant 16 : index
        %parallel_loop3A_555 = tpu.vector_load %arg11[%parallel_loop3A_553, %parallel_loop3A_554] {strides = array<i32>} : memref<400x128xf32, #tpu.memory_space<vmem>>, vector<16xf32>,
        tpu.vector_store %arg11[%parallel_loop3A_553, %parallel_loop3A_554], %mul3A_7 {strides = array<i32>} : memref<400x128xf32, #tpu.memory_space<vmem>>, vector<16xf32>,
        %parallel_loop3A_556 = arith.index_cast %parallel_loop3A_549 : i32 to index
        %parallel_loop3A_557 = arith.constant 32 : index
        %parallel_loop3A_558 = tpu.vector_load %arg11[%parallel_loop3A_556, %parallel_loop3A_557] {strides = array<i32>} : memref<400x128xf32, #tpu.memory_space<vmem>>, vector<16xf32>,
        tpu.vector_store %arg11[%parallel_loop3A_556, %parallel_loop3A_557], %mul3A_7 {strides = array<i32>} : memref<400x128xf32, #tpu.memory_space<vmem>>, vector<16xf32>,
        %parallel_loop3A_559 = arith.index_cast %parallel_loop3A_549 : i32 to index
        %parallel_loop3A_560 = arith.constant 48 : index
        %parallel_loop3A_561 = tpu.vector_load %arg11[%parallel_loop3A_559, %parallel_loop3A_560] {strides = array<i32>} : memref<400x128xf32, #tpu.memory_space<vmem>>, vector<16xf32>,
        tpu.vector_store %arg11[%parallel_loop3A_559, %parallel_loop3A_560], %mul3A_7 {strides = array<i32>} : memref<400x128xf32, #tpu.memory_space<vmem>>, vector<16xf32>,
        %parallel_loop3A_562 = arith.index_cast %parallel_loop3A_549 : i32 to index
        %parallel_loop3A_563 = arith.constant 64 : index
        %parallel_loop3A_564 = tpu.vector_load %arg11[%parallel_loop3A_562, %parallel_loop3A_563] {strides = array<i32>} : memref<400x128xf32, #tpu.memory_space<vmem>>, vector<16xf32>,
        tpu.vector_store %arg11[%parallel_loop3A_562, %parallel_loop3A_563], %mul3A_7 {strides = array<i32>} : memref<400x128xf32, #tpu.memory_space<vmem>>, vector<16xf32>,
        %parallel_loop3A_565 = arith.index_cast %parallel_loop3A_549 : i32 to index
        %parallel_loop3A_566 = arith.constant 80 : index
        %parallel_loop3A_567 = tpu.vector_load %arg11[%parallel_loop3A_565, %parallel_loop3A_566] {strides = array<i32>} : memref<400x128xf32, #tpu.memory_space<vmem>>, vector<16xf32>,
        tpu.vector_store %arg11[%parallel_loop3A_565, %parallel_loop3A_566], %mul3A_7 {strides = array<i32>} : memref<400x128xf32, #tpu.memory_space<vmem>>, vector<16xf32>,
        %parallel_loop3A_568 = arith.index_cast %parallel_loop3A_549 : i32 to index
        %parallel_loop3A_569 = arith.constant 96 : index
        %parallel_loop3A_570 = tpu.vector_load %arg11[%parallel_loop3A_568, %parallel_loop3A_569] {strides = array<i32>} : memref<400x128xf32, #tpu.memory_space<vmem>>, vector<16xf32>,
        tpu.vector_store %arg11[%parallel_loop3A_568, %parallel_loop3A_569], %mul3A_7 {strides = array<i32>} : memref<400x128xf32, #tpu.memory_space<vmem>>, vector<16xf32>,
        %parallel_loop3A_571 = arith.index_cast %parallel_loop3A_549 : i32 to index
        %parallel_loop3A_572 = arith.constant 112 : index
        %parallel_loop3A_573 = tpu.vector_load %arg11[%parallel_loop3A_571, %parallel_loop3A_572] {strides = array<i32>} : memref<400x128xf32, #tpu.memory_space<vmem>>, vector<16xf32>,
        tpu.vector_store %arg11[%parallel_loop3A_571, %parallel_loop3A_572], %mul3A_7 {strides = array<i32>} : memref<400x128xf32, #tpu.memory_space<vmem>>, vector<16xf32>,
      } {sc.loop_unroll_factor = 4 : i64, sc.parallel_access}
      %dma_wait3A_547 = tpu.memref_slice %arg7[%multiple_of3A_541] : memref<1587200xf32, #tpu.memory_space<hbm>> -> memref<51200xf32, #tpu.memory_space<hbm>>
      %dma_wait3A_548 = tpu.memref_slice %arg7[%multiple_of3A_541] : memref<1587200xf32, #tpu.memory_space<hbm>> -> memref<51200xf32, #tpu.memory_space<hbm>>
      tpu.wait_dma2 semaphore(%arg23 : memref<!tpu.dma_semaphore, #tpu.memory_space<semaphore_mem>>) src(%dma_wait3A_548 : memref<51200xf32, #tpu.memory_space<hbm>>) dst(%arg10 : memref<51200xf32, #tpu.memory_space<vmem>>)
    }
    %scan3A_50 = arith.constant 30 : i32
    %mul3A_51 = arith.constant 32 : i32
    %mul3A_52 = arith.muli %arg1, %mul3A_51 : i32
    %add3A_53 = arith.constant 0 : i32
    %add3A_54 = arith.addi %mul3A_52, %add3A_53 : i32
    %mul3A_55 = arith.constant 3200 : i32
    %mul3A_56 = arith.muli %add3A_54, %mul3A_55 : i32
    %multiple_of3A_57 = tpu.assume_multiple %mul3A_56, 8 : i32
    %dma_wait3A = arith.constant 0 : i32
    %dma_wait3A_58 = arith.constant 0 : i32
    %dma_wait3A_59 = tpu.memref_slice %arg12[%dma_wait3A, %dma_wait3A_58] : memref<3x3200xi32, #tpu.memory_space<vmem>> -> memref<1x3200xi32, #tpu.memory_space<vmem>>
    %dma_wait3A_60 = tpu.memref_squeeze %dma_wait3A_59 : memref<1x3200xi32, #tpu.memory_space<vmem>> -> memref<3200xi32, #tpu.memory_space<vmem>>
    %dma_wait3A_61 = tpu.memref_slice %arg2[%multiple_of3A_57] : memref<1638400xi32, #tpu.memory_space<hbm>> -> memref<3200xi32, #tpu.memory_space<hbm>>
    %dma_wait3A_62 = arith.constant 0 : i32
    %dma_wait3A_63 = tpu.memref_slice %arg12[%dma_wait3A, %dma_wait3A_62] : memref<3x3200xi32, #tpu.memory_space<vmem>> -> memref<1x3200xi32, #tpu.memory_space<vmem>>
    %dma_wait3A_64 = tpu.memref_squeeze %dma_wait3A_63 : memref<1x3200xi32, #tpu.memory_space<vmem>> -> memref<3200xi32, #tpu.memory_space<vmem>>
    %dma_wait3A_65 = tpu.memref_slice %arg2[%multiple_of3A_57] : memref<1638400xi32, #tpu.memory_space<hbm>> -> memref<3200xi32, #tpu.memory_space<hbm>>
    tpu.wait_dma2 semaphore(%arg18 : memref<!tpu.dma_semaphore, #tpu.memory_space<semaphore_mem>>) src(%dma_wait3A_65 : memref<3200xi32, #tpu.memory_space<hbm>>) dst(%dma_wait3A_64 : memref<3200xi32, #tpu.memory_space<vmem>>)
    %mul3A_66 = arith.constant 32 : i32
    %mul3A_67 = arith.muli %arg1, %mul3A_66 : i32
    %add3A_68 = arith.constant 1 : i32
    %add3A_69 = arith.addi %mul3A_67, %add3A_68 : i32
    %mul3A_70 = arith.constant 3200 : i32
    %mul3A_71 = arith.muli %add3A_69, %mul3A_70 : i32
    %multiple_of3A_72 = tpu.assume_multiple %mul3A_71, 8 : i32
    %dma_wait3A_73 = arith.constant 1 : i32
    %dma_wait3A_74 = arith.constant 0 : i32
    %dma_wait3A_75 = tpu.memref_slice %arg12[%dma_wait3A_73, %dma_wait3A_74] : memref<3x3200xi32, #tpu.memory_space<vmem>> -> memref<1x3200xi32, #tpu.memory_space<vmem>>
    %dma_wait3A_76 = tpu.memref_squeeze %dma_wait3A_75 : memref<1x3200xi32, #tpu.memory_space<vmem>> -> memref<3200xi32, #tpu.memory_space<vmem>>
    %dma_wait3A_77 = tpu.memref_slice %arg2[%multiple_of3A_72] : memref<1638400xi32, #tpu.memory_space<hbm>> -> memref<3200xi32, #tpu.memory_space<hbm>>
    %dma_wait3A_78 = arith.constant 0 : i32
    %dma_wait3A_79 = tpu.memref_slice %arg12[%dma_wait3A_73, %dma_wait3A_78] : memref<3x3200xi32, #tpu.memory_space<vmem>> -> memref<1x3200xi32, #tpu.memory_space<vmem>>
    %dma_wait3A_80 = tpu.memref_squeeze %dma_wait3A_79 : memref<1x3200xi32, #tpu.memory_space<vmem>> -> memref<3200xi32, #tpu.memory_space<vmem>>
    %dma_wait3A_81 = tpu.memref_slice %arg2[%multiple_of3A_72] : memref<1638400xi32, #tpu.memory_space<hbm>> -> memref<3200xi32, #tpu.memory_space<hbm>>
    tpu.wait_dma2 semaphore(%arg18 : memref<!tpu.dma_semaphore, #tpu.memory_space<semaphore_mem>>) src(%dma_wait3A_81 : memref<3200xi32, #tpu.memory_space<hbm>>) dst(%dma_wait3A_80 : memref<3200xi32, #tpu.memory_space<vmem>>)
    %dma_wait3A_82 = arith.constant 0 : i32
    %dma_wait3A_83 = arith.constant 0 : i32
    %dma_wait3A_84 = tpu.memref_slice %arg13[%dma_wait3A_82, %dma_wait3A_83] : memref<3x1600xf32, #tpu.memory_space<vmem>> -> memref<1x1600xf32, #tpu.memory_space<vmem>>
    %dma_wait3A_85 = tpu.memref_squeeze %dma_wait3A_84 : memref<1x1600xf32, #tpu.memory_space<vmem>> -> memref<1600xf32, #tpu.memory_space<vmem>>
    %dma_wait3A_86 = arith.constant 0 : i32
    %dma_wait3A_87 = tpu.memref_slice %arg9[%dma_wait3A_86] : memref<24576000xf32, #tpu.memory_space<hbm>> -> memref<1600xf32, #tpu.memory_space<hbm>>
    %dma_wait3A_88 = arith.constant 0 : i32
    %dma_wait3A_89 = tpu.memref_slice %arg9[%dma_wait3A_88] : memref<24576000xf32, #tpu.memory_space<hbm>> -> memref<1600xf32, #tpu.memory_space<hbm>>
    %dma_wait3A_90 = arith.constant 0 : i32
    %dma_wait3A_91 = tpu.memref_slice %arg13[%dma_wait3A_82, %dma_wait3A_90] : memref<3x1600xf32, #tpu.memory_space<vmem>> -> memref<1x1600xf32, #tpu.memory_space<vmem>>
    %dma_wait3A_92 = tpu.memref_squeeze %dma_wait3A_91 : memref<1x1600xf32, #tpu.memory_space<vmem>> -> memref<1600xf32, #tpu.memory_space<vmem>>
    tpu.wait_dma2 semaphore(%arg19 : memref<!tpu.dma_semaphore, #tpu.memory_space<semaphore_mem>>) src(%dma_wait3A_92 : memref<1600xf32, #tpu.memory_space<vmem>>) dst(%dma_wait3A_89 : memref<1600xf32, #tpu.memory_space<hbm>>)
    %dma_wait3A_93 = arith.constant 0 : i32
    %dma_wait3A_94 = arith.constant 0 : i32
    %dma_wait3A_95 = tpu.memref_slice %arg13[%dma_wait3A_93, %dma_wait3A_94] : memref<3x1600xf32, #tpu.memory_space<vmem>> -> memref<1x1600xf32, #tpu.memory_space<vmem>>
    %dma_wait3A_96 = tpu.memref_squeeze %dma_wait3A_95 : memref<1x1600xf32, #tpu.memory_space<vmem>> -> memref<1600xf32, #tpu.memory_space<vmem>>
    %dma_wait3A_97 = arith.constant 0 : i32
    %dma_wait3A_98 = tpu.memref_slice %arg9[%dma_wait3A_97] : memref<24576000xf32, #tpu.memory_space<hbm>> -> memref<1600xf32, #tpu.memory_space<hbm>>
    %dma_wait3A_99 = arith.constant 0 : i32
    %dma_wait3A_100 = tpu.memref_slice %arg9[%dma_wait3A_99] : memref<24576000xf32, #tpu.memory_space<hbm>> -> memref<1600xf32, #tpu.memory_space<hbm>>
    %dma_wait3A_101 = arith.constant 0 : i32
    %dma_wait3A_102 = tpu.memref_slice %arg13[%dma_wait3A_93, %dma_wait3A_101] : memref<3x1600xf32, #tpu.memory_space<vmem>> -> memref<1x1600xf32, #tpu.memory_space<vmem>>
    %dma_wait3A_103 = tpu.memref_squeeze %dma_wait3A_102 : memref<1x1600xf32, #tpu.memory_space<vmem>> -> memref<1600xf32, #tpu.memory_space<vmem>>
    tpu.wait_dma2 semaphore(%arg19 : memref<!tpu.dma_semaphore, #tpu.memory_space<semaphore_mem>>) src(%dma_wait3A_103 : memref<1600xf32, #tpu.memory_space<vmem>>) dst(%dma_wait3A_100 : memref<1600xf32, #tpu.memory_space<hbm>>)
    %dma_wait3A_104 = arith.constant 0 : i32
    %dma_wait3A_105 = arith.constant 0 : i32
    %dma_wait3A_106 = tpu.memref_slice %arg13[%dma_wait3A_104, %dma_wait3A_105] : memref<3x1600xf32, #tpu.memory_space<vmem>> -> memref<1x1600xf32, #tpu.memory_space<vmem>>
    %dma_wait3A_107 = tpu.memref_squeeze %dma_wait3A_106 : memref<1x1600xf32, #tpu.memory_space<vmem>> -> memref<1600xf32, #tpu.memory_space<vmem>>
    %dma_wait3A_108 = arith.constant 0 : i32
    %dma_wait3A_109 = tpu.memref_slice %arg9[%dma_wait3A_108] : memref<24576000xf32, #tpu.memory_space<hbm>> -> memref<1600xf32, #tpu.memory_space<hbm>>
    %dma_wait3A_110 = arith.constant 0 : i32
    %dma_wait3A_111 = tpu.memref_slice %arg9[%dma_wait3A_110] : memref<24576000xf32, #tpu.memory_space<hbm>> -> memref<1600xf32, #tpu.memory_space<hbm>>
    %dma_wait3A_112 = arith.constant 0 : i32
    %dma_wait3A_113 = tpu.memref_slice %arg13[%dma_wait3A_104, %dma_wait3A_112] : memref<3x1600xf32, #tpu.memory_space<vmem>> -> memref<1x1600xf32, #tpu.memory_space<vmem>>
    %dma_wait3A_114 = tpu.memref_squeeze %dma_wait3A_113 : memref<1x1600xf32, #tpu.memory_space<vmem>> -> memref<1600xf32, #tpu.memory_space<vmem>>
    tpu.wait_dma2 semaphore(%arg19 : memref<!tpu.dma_semaphore, #tpu.memory_space<semaphore_mem>>) src(%dma_wait3A_114 : memref<1600xf32, #tpu.memory_space<vmem>>) dst(%dma_wait3A_111 : memref<1600xf32, #tpu.memory_space<hbm>>)
    return
  }
}

</mosaic_0001>

<sc_bundles>
// kernel: _run.3.cloned.1.call-start
scs
__scs_entry_jumppad:
0x0: {  	(pc) =	sbr.rel $0x88, $3  }
0x1: {  	(tag) =	ssettag $0x0;
	lr =	simm.s32 $0x1  }
0x2: {  	[smem:$0x3F9C] =	sst lr;
	_ =	strace $0xD0000000  }
0x3: {  	_ = 	snop  }
0x4: {  	_ = 	snop  }
0x5: {  	_ = 	snop  }
0x6: {  	_ = 	snop  }
0x7: {  	_ = 	snop  }
__scs_overlays_trampoline_lowered:
0x8: {  	[smem:$0x3FAB] =	sst s0  }
0x9: {  	[smem:$0x3FAC] =	sst s1  }
0xa: {  	[smem:$0x3FAD] =	sst s2  }
0xb: {  	[smem:$0x3FAE] =	sst s3  }
0xc: {  	[smem:$0x3FAF] =	sst s4  }
0xd: {  	[smem:$0x3FB0] =	sst s5  }
0xe: {  	[smem:$0x3FB1] =	sst s6  }
0xf: {  	[smem:$0x3FB2] =	sst s7  }
0x10: {  	[smem:$0x3FB3] =	sst s8  }
0x11: {  	[smem:$0x3FB4] =	sst s9;
	s0 =	simm.s32 @!p0 $0x0  }
0x12: {  	s1 =	sld [smem:$0x3F9A];
	s0 =	simm.s32 @p0 $0x1  }
0x13: {  	[smem:$0x3FB5] =	sst s0;
	s0 =	simm.s32 @!p1 $0x0  }
0x14: {  	s2 =	sld [smem:$0x3F99];
	s0 =	simm.s32 @p1 $0x1  }
0x15: {  	[smem:$0x3FB6] =	sst s0;
	s0 =	simm.s32 @!p2 $0x0  }
0x16: {  	s3 =	sld [smem:$0x3FDB];
	s0 =	simm.s32 @p2 $0x1  }
0x17: {  	s4 =	simm.s32 $0x1BF5;
	[smem:$0x3FB8] =	sst s0  }
0x18: {  	s0 =	sld [smem:$0x3F9B];
	_ =	swait.ge [sflag:s4], $0x0  }
0x19: {  	s7 =	sld [smem:$0x3F9C]  }
0x1a: {  	s8 =	sadd.s32 $0xFFFFE003, lr  }
0x1b: {  	s9 =	sadd.s32 $0xFFFFFEF7, lr;
	s5 =	simm.s32 $0xFFFFFFFF;
	p2 =	slt.u32 s8, $0xFFFFF086  }
0x1c: {  	p1 =	slt.u32 s9, $0xF7A;
	s5 =	simm.s32 @!p2 $0x0  }
0x1d: {  	s5 =	simm.s32 @p1 $0x1;
	p0 =	seq.s32 s7, s2  }
0x1e: {  	s7 =	smul.u32 @!p0 $0xF7A, s2;
	p2 =	seq.s32 @!p0 s5, $0x0  }
0x1f: {  	s9 =	smul.u32 $0xF7A, s1;
	s8 =	simm.s32 @!p0 $0x1BF5;
	p2 =	por !p2, p0  }
0x20: {  	[sflag:s8] =	ssyncset.s32 @!p0 $0xFFFFF086;
	s6 =	sadd.s32 @!p0 s3, s7;
	s7 =	simm.s32 @!p0 $0x108  }
0x21: {  	s3 =	sadd.s32 s3, s9;
	s6 =	sadd.s32 @!p0 $0x88, s6;
	s7 =	simm.s32 @p2 $0x1082  }
0x22: {  	[simem:s7], [sflag:s8] =	dma.local @!p0 [hbm:s6], $0xF7A  }
0x23: {  	s9 =	sor.u32 $0xD0000000, s2;
	s6 =	simm.s32 $0x108;
	_ =	swait.ge @!p0 [sflag:s8], $0x0  }
0x24: {  	s3 =	sadd.s32 $0x88, s3;
	s6 =	simm.s32 @!p1 $0x1082;
	[sflag:s4] =	ssyncset.s32 $0xFFFFF086  }
0x25: {  	[simem:s6], [sflag:s4] =	dma.local [hbm:s3], $0xF7A  }
0x26: {  	[smem:$0x3F9C] =	sst s1;
	(tag) =	ssettag s2;
	_ =	strace s9  }
0x27: {  	s1 =	sld [smem:$0x3FAC]  }
0x28: {  	s2 =	sld [smem:$0x3FAD]  }
0x29: {  	s4 =	sld [smem:$0x3FAF]  }
0x2a: {  	p0 =	seq.s32 s5, $0x0;
	s5 =	sld [smem:$0x3FB0]  }
0x2b: {  	s6 =	sld [smem:$0x3FB1]  }
0x2c: {  	s7 =	sld [smem:$0x3FB2]  }
0x2d: {  	s3 =	simm.s32 $0x108;
	s8 =	sld [smem:$0x3FB3]  }
0x2e: {  	s3 =	simm.s32 @!p0 $0x1082;
	s9 =	sld [smem:$0x3FB4]  }
0x2f: {  	lr =	sadd.s32 s0, s3;
	s0 =	sld [smem:$0x3FAB]  }
0x30: {  	s3 =	sld [smem:$0x3FAE]  }
0x31: {  	[smem:$0x3FB7] =	sst s10  }
0x32: {  	s10 =	sld [smem:$0x3FB5];
	_ =	sdelay $0x3  }
0x33: {  	p0 =	seq.s32 s10, $0x1;
	s10 =	sld [smem:$0x3FB7];
	_ =	sdelay $0x3  }
0x34: {  	[smem:$0x3FB7] =	sst s10  }
0x35: {  	s10 =	sld [smem:$0x3FB6];
	_ =	sdelay $0x3  }
0x36: {  	p1 =	seq.s32 s10, $0x1;
	s10 =	sld [smem:$0x3FB7];
	_ =	sdelay $0x3  }
0x37: {  	[smem:$0x3FB7] =	sst s10  }
0x38: {  	s10 =	sld [smem:$0x3FB8]  }
0x39: {  	_ = 	snop;
	(pc) =	sbr.ind lr, $3  }
0x3a: {  	_ = 	snop  }
0x3b: {  	_ = 	snop  }
0x3c: {  	p2 =	seq.s32 s10, $0x1;
	s10 =	sld [smem:$0x3FB7]  }
0x3d: {  	_ =	shalt  }
0x3e: {  	_ =	shalt  }
0x3f: {  	_ =	shalt  }
0x40: {  	_ =	shalt  }
0x41: {  	_ =	shalt  }
0x42: {  	_ =	shalt  }
0x43: {  	_ =	shalt  }
0x44: {  	_ =	shalt  }
0x45: {  	_ =	shalt  }
0x46: {  	_ =	shalt  }
0x47: {  	_ =	shalt  }
0x48: {  	_ =	shalt  }
0x49: {  	_ =	shalt  }
0x4a: {  	_ =	shalt  }
0x4b: {  	_ =	shalt  }
0x4c: {  	_ =	shalt  }
0x4d: {  	_ =	shalt  }
0x4e: {  	_ =	shalt  }
0x4f: {  	_ =	shalt  }
0x50: {  	_ =	shalt  }
0x51: {  	_ =	shalt  }
0x52: {  	_ =	shalt  }
0x53: {  	_ =	shalt  }
0x54: {  	_ =	shalt  }
0x55: {  	_ =	shalt  }
0x56: {  	_ =	shalt  }
0x57: {  	_ =	shalt  }
0x58: {  	_ =	shalt  }
0x59: {  	_ =	shalt  }
0x5a: {  	_ =	shalt  }
0x5b: {  	_ =	shalt  }
0x5c: {  	_ =	shalt  }
0x5d: {  	_ =	shalt  }
0x5e: {  	_ =	shalt  }
0x5f: {  	_ =	shalt  }
0x60: {  	_ =	shalt  }
0x61: {  	_ =	shalt  }
0x62: {  	_ =	shalt  }
0x63: {  	_ =	shalt  }
0x64: {  	_ =	shalt  }
0x65: {  	_ =	shalt  }
0x66: {  	_ =	shalt  }
0x67: {  	_ =	shalt  }
0x68: {  	_ =	shalt  }
0x69: {  	_ =	shalt  }
0x6a: {  	_ =	shalt  }
0x6b: {  	_ =	shalt  }
0x6c: {  	_ =	shalt  }
0x6d: {  	_ =	shalt  }
0x6e: {  	_ =	shalt  }
0x6f: {  	_ =	shalt  }
0x70: {  	_ =	shalt  }
0x71: {  	_ =	shalt  }
0x72: {  	_ =	shalt  }
0x73: {  	_ =	shalt  }
0x74: {  	_ =	shalt  }
0x75: {  	_ =	shalt  }
0x76: {  	_ =	shalt  }
0x77: {  	_ =	shalt  }
0x78: {  	_ =	shalt  }
0x79: {  	_ =	shalt  }
0x7a: {  	_ =	shalt  }
0x7b: {  	_ =	shalt  }
0x7c: {  	_ =	shalt  }
0x7d: {  	_ =	shalt  }
0x7e: {  	_ =	shalt  }
0x7f: {  	_ =	shalt  }
0x80: {  	_ =	shalt  }
0x81: {  	_ =	shalt  }
0x82: {  	_ =	shalt  }
0x83: {  	_ =	shalt  }
0x84: {  	_ =	shalt  }
0x85: {  	_ =	shalt  }
0x86: {  	_ =	shalt  }
0x87: {  	_ =	shalt  }
.Lfunc_end0:
.L_simem_size_0:
called_computation_lowered:
.L_overlay_start_0:
0x88: {  	s0 =	sld [smem:$0x3FD9]  }
0x89: {  	s1 =	sld [smem:$0x3FFE];
	_ =	sdelay $0x3  }
0x8a: {  	s0 =	sadd.s32 s1, s0  }
0x8b: {  	[smem:$0x3FC3] =	sst s0  }
0x8c: {  	_ = 	snop  }
0x8d: {  	s0 =	sld [smem:$0x3FC9]  }
0x8e: {  	s14 =	sld [smem:$0x3FC8]  }
0x8f: {  	s2 =	sld [smem:$0x3FD0]  }
0x90: {  	s3 =	sld [smem:$0x3FC7]  }
0x91: {  	s4 =	sld [smem:$0x3FC6]  }
0x92: {  	s6 =	simm.s32 $0xA;
	s7 =	simm.s32 $0x10;
	s5 =	sld [smem:$0x3FC5]  }
0x93: {  	[smem:s7], [sflag:s6] =	dma.local [hbm:s2], $0x1  }
0x94: {  	_ =	swait.eq [sflag:s6], $0x1  }
0x95: {  	s15 =	sld [smem:$0x10];
	[sflag:s6] =	ssyncset.done $0x0  }
0x96: {  	s16 =	sld [smem:$0x11];
	[sflag:s6] =	ssyncadd.s32 $0xFFFFFFFF  }
0x97: {  	s17 =	sld [smem:$0x12];
	(tm) =	ssettm $0x1  }
0x98: {  	s8 =	sld [smem:$0x3FFB];
	_ =	sdelay $0x3  }
0x99: {  	_ =	strace s8  }
0x9a: {  	s8 =	sld [smem:$0x3FFC];
	_ =	sdelay $0x3  }
0x9b: {  	_ =	strace s8  }
0x9c: {  	s8 =	sld [smem:$0x3FFD];
	_ =	sdelay $0x3  }
0x9d: {  	_ =	strace s8  }
0x9e: {  	_ =	strace $0x8FFFFFFF  }
0x9f: {  	s18 =	sld [smem:$0x3FDB];
	_ =	sdelay $0x1  }
0xa0: {  	s9 =	simm.s32 $_scs_section_size  }
0xa1: {  	s10 =	simm.s32 $_size__tile_overlayer_lowered;
	s11 =	simm.s32 $_tile_overlayer_lowered  }
0xa2: {  	s21 =	simm.s32 $0x1BFF;
	s20 =	sshll.u32 s11, $0x1;
	s8 =	sadd.s32 s9, s18  }
0xa3: {  	s12 =	simm.s32 $0x0;
	s19 =	sshll.u32 s10, $0x1;
	s10 =	sadd.s32 s20, s8  }
0xa4: {  	[timem:s12], [sflag:s21] =	dma.local [hbm:s10], s19  }
0xa5: {  	_ =	swait.ge [sflag:s21], s19  }
0xa6: {  	s9 =	ssub.s32 $0x0, s19;
	[sflag:s21] =	ssyncset.done $0x0  }
0xa7: {  	[sflag:s21] =	ssyncadd.s32 s9;
	_ =	sdelay $0x1  }
0xa8: {  	s22 =	simm.s32 $0x1B8B  }
0xa9: {  	_ =	swait.ge [sflag:s22], $0x1  }
0xaa: {  	[sflag:s22] =	ssyncset.done $0x0  }
0xab: {  	s23 =	simm.s32 $0x1B8E;
	[sflag:s22] =	ssyncadd.s32 $0xFFFFFFFF  }
0xac: {  	s24 =	simm.s32 $execute0_lowered;
	[smem:$0x3FD2] =	sst s23  }
0xad: {  	s9 =	sshll.u32 s24, $0x1;
	_ =	strace $0x80000046;
	[dreg:$0x1] =	wrdreg $0xFFFFFFFF  }
0xae: {  	s25 =	simm.s32 $_size_execute0_lowered;
	s8 =	sadd.s32 s8, s9;
	[dreg:$0x0] =	wrdreg $0x0  }
0xaf: {  	s9 =	sshll.u32 s25, $0x1;
	[dreg:$0x2] =	wrdreg s8  }
0xb0: {  	[dreg:$0x3] =	wrdreg s9  }
0xb1: {  	[dreg:$0x4] =	wrdreg $0xC0  }
0xb2: {  	_ =	task [dreg:s12], $0x5FFFF  }
0xb3: {  	[dreg:$0x1] =	wrdreg $0xFFFFFFFF  }
0xb4: {  	[dreg:$0x0] =	wrdreg $0x60  }
0xb5: {  	[dreg:$0x2] =	wrdreg s0  }
0xb6: {  	[dreg:$0x3] =	wrdreg s14  }
0xb7: {  	[dreg:$0x4] =	wrdreg s3  }
0xb8: {  	[dreg:$0x5] =	wrdreg s4  }
0xb9: {  	[dreg:$0x6] =	wrdreg s5  }
0xba: {  	[dreg:$0x7] =	wrdreg s15  }
0xbb: {  	[dreg:$0x8] =	wrdreg s16  }
0xbc: {  	[dreg:$0x9] =	wrdreg s17  }
0xbd: {  	[dreg:$0xa] =	wrdreg $0x1EDD00  }
0xbe: {  	[dreg:$0xb] =	wrdreg $0x9  }
0xbf: {  	_ =	task.clear_ibuf [dreg:s12], $0xCFFFF;
	_ =	strace $0x90000046  }
0xc0: {  	s26 =	simm.s32 $0x9;
	_ =	strace $0x80000048  }
0xc1: {  	_ =	swait.ge [sflag:s26], $0x1  }
0xc2: {  	[sflag:s26] =	ssyncadd.s32 $0xFFFFFFFF  }
0xc3: {  	_ =	strace $0x90000048  }
0xc4: {  	_ =	sfence  }
0xc5: {  	s28 =	sld [smem:$0x0];
	_ =	sdelay $0x1  }
0xc6: {  	s29 =	srdreg.scid  }
0xc7: {  	s30 =	sshll.u32 s29, $0xD;
	s31 =	sshrl.u32 s29, $0x2  }
0xc8: {  	s1 =	sand.u32 $0x1, s29;
	s2 =	sand.u32 $0x4000, s30;
	s0 =	sadd.s32 s31, s28  }
0xc9: {  	s1 =	sor.u32 s2, s1;
	s0 =	sshll.u32 s0, $0x11  }
0xca: {  	s0 =	sor.u32 s0, s1  }
0xcb: {  	s0 =	sadd.s32 $0x8F2B, s0  }
0xcc: {  	[sflag:s0] =	ssyncadd.remote.s32 $0x1  }
0xcd: {  	_ =	sfence.sel $0xFFFF  }
0xce: {  	[dreg:$0x0] =	wrdreg $0xFFFFFFFF;
	(pc) =	sbr.abs _section_cstart, $3  }
0xcf: {  	[dreg:$0x1] =	wrdreg $0xFFFFFFFF  }
0xd0: {  	_ =	task.clear_ibuf [dreg:s12], $0x2FFFF;
	_ =	strace $0x9FFFFFFF  }
0xd1: {  	(tm) =	ssettm $0x7FFFFFFF  }
tec
execute0_lowered:
.L_overlay_start_1:
0x0: {  	(tag) =	ssettag $0x1  }
0x1: {  	s2 =	rddreg [dreg:$0x0]  }
0x2: {  	s0 =	rddreg [dreg:$0x1]  }
0x3: {  	s1 =	rddreg [dreg:$0x2]  }
0x4: {  	s3 =	rddreg [dreg:$0x3]  }
0x5: {  	s4 =	rddreg [dreg:$0x4]  }
0x6: {  	s5 =	rddreg [dreg:$0x7]  }
0x7: {  	s6 =	rddreg [dreg:$0x8];
	s8 =	simm.s32 $0x0  }
0x8: {  	s7 =	stileid.u32;
	[smem:$0x7FF] =	sst s8  }
0x9: {  	s9 =	simm.s32 $0x8;
	s7 =	smul.u32 $0xC80, s7;
	_ =	strace $0x80000047  }
0xa: {  	[tilespmem:s8], [sflag:$0x8] =	stream.linear.gather [hbm4b:s0+s8], $0xC800, $0x38;
	[tilespmem:$0x1FA50] =	vst v63  }
0xb: {  	_ =	swait.ge [sflag:s9], $0xC800  }
0xc: {  	s0 =	sshrl.u32 s7, $0x3;
	[sflag:s9] =	ssyncset.done $0x0  }
0xd: {  	s10 =	simm.s32 $0x1C840;
	s1 =	sadd.s32 s1, s0;
	[sflag:s9] =	ssyncadd.s32 $0xFFFF3800  }
0xe: {  	[tilespmem:s10], [sflag:$0x8] =	stream.linear.gather [hbm4b:s1+s8], $0xC80, $0x38;
	[tilespmem:$0x1FA50] =	vst v63  }
0xf: {  	_ =	swait.ge [sflag:s9], $0xC80  }
0x10: {  	[sflag:s9] =	ssyncset.done $0x0  }
0x11: {  	s30 =	simm.s32 $0x1D4C0;
	s29 =	sadd.s32 s3, s0;
	[sflag:s9] =	ssyncadd.s32 $0xFFFFF380  }
0x12: {  	[tilespmem:s30], [sflag:$0x8] =	stream.linear.gather [hbm4b:s29+s8], $0xC80, $0x38;
	[tilespmem:$0x1FA50] =	vst v63  }
0x13: {  	_ =	swait.ge [sflag:s9], $0xC80  }
0x14: {  	[sflag:s9] =	ssyncset.done $0x0  }
0x15: {  	s31 =	simm.s32 $0x1EDC0;
	[sflag:s9] =	ssyncadd.s32 $0xFFFFF380  }
0x16: {  	[tilespmem:s31], [sflag:$0x8] =	stream.linear.gather [hbm4b:s4+s8], $0x10, $0x38;
	[tilespmem:$0x1FA50] =	vst v63  }
0x17: {  	_ =	swait.ge [sflag:s9], $0x10  }
0x18: {  	[sflag:s9] =	ssyncset.done $0x0  }
0x19: {  	[sflag:s9] =	ssyncadd.s32 $0xFFFFFFF0  }
0x1a: {  	v1 =	vimm.f32 $0.0e+00;
	s3 =	simm.s32 $0x200;
	s1 =	simm.s32 $0x0;
	v0 =	vld [tilespmem:$0x1EDC0]  }
.LBB2_1:
0x1b: {  	p0 =	sne.s32 s3, $0x3000;
	[tilespmem:s1+$0x1E1B0] =	vst v1  }
0x1c: {  	[tilespmem:s1+$0x1E140] =	vst v1  }
0x1d: {  	[tilespmem:s1+$0x1E150] =	vst v1  }
.Ltmp0:
0x1e: {  	[tilespmem:s1+$0x1E160] =	vst v1;
	(pc) =	sbr.rel @p0 .LBB2_1-.Ltmp0, $4  }
0x1f: {  	[tilespmem:s1+$0x1E170] =	vst v1  }
0x20: {  	[tilespmem:s1+$0x1E180] =	vst v1  }
0x21: {  	[tilespmem:s1+$0x1E190] =	vst v1  }
0x22: {  	[tilespmem:s1+$0x1E1A0] =	vst v1;
	s1 =	sshra.s32 s3, $0x2;
	s3 =	sadd.s32 $0x200, s3  }
0x23: {  	[tilespmem:s1+$0x1E1B0] =	vst v1  }
0x24: {  	[tilespmem:s1+$0x1E140] =	vst v1  }
0x25: {  	[tilespmem:s1+$0x1E150] =	vst v1  }
0x26: {  	[tilespmem:s1+$0x1E160] =	vst v1  }
0x27: {  	[tilespmem:s1+$0x1E170] =	vst v1  }
0x28: {  	[tilespmem:s1+$0x1E180] =	vst v1  }
0x29: {  	[tilespmem:s1+$0x1E190] =	vst v1;
	s3 =	sadd.s32 s7, s6  }
0x2a: {  	[tilespmem:s1+$0x1E1A0] =	vst v1;
	s26 =	simm.s32 $0x1E140;
	s28 =	simm.s32 $0x8;
	[dreg:$0xa] =	wrdreg s3  }
0x2b: {  	[spmem:s3] =	stream.linear.scatter [tilespmem:s26], [sflag:$0x8], $0xC80, $0x38;
	[tilespmem:$0x1FA50] =	vst v63  }
0x2c: {  	_ =	swait.ge [sflag:s28], $0xC80  }
0x2d: {  	[sflag:s28] =	ssyncset.done $0x0  }
0x2e: {  	s4 =	rddreg [dreg:$0x6]  }
0x2f: {  	s8 =	sadd.s32 s4, s0  }
0x30: {  	s29 =	simm.s32 $0x0;
	[sflag:s28] =	ssyncadd.s32 $0xFFFFF380;
	[dreg:$0xb] =	wrdreg s8  }
0x31: {  	[hbm4b:s8+s29] =	stream.linear.scatter [tilespmem:s26], [sflag:$0x8], $0xC80, $0x38;
	[tilespmem:$0x1FA50] =	vst v63  }
0x32: {  	_ =	swait.ge [sflag:s28], $0xC80  }
0x33: {  	[sflag:s28] =	ssyncset.done $0x0  }
0x34: {  	s30 =	rddreg [dreg:$0x5]  }
0x35: {  	[sflag:s28] =	ssyncadd.s32 $0xFFFFF380;
	s31 =	sadd.s32 s30, s0  }
0x36: {  	[hbm4b:s31+s29] =	stream.linear.scatter [tilespmem:s7], [sflag:$0x8], $0xC80, $0x38;
	[tilespmem:$0x1FA50] =	vst v63  }
0x37: {  	_ =	swait.ge [sflag:s28], $0xC80  }
0x38: {  	v0 =	vmul.f32 $6.250000000e-02, v0;
	[sflag:s28] =	ssyncset.done $0x0  }
0x39: {  	s0 =	simm.s32 $0xC900;
	[sflag:s28] =	ssyncadd.s32 $0xFFFFF380  }
0x3a: {  	[tilespmem:s0+$0xFFFFFF00] =	vst v0  }
0x3b: {  	[tilespmem:s0+$0xF0] =	vst v0  }
0x3c: {  	[tilespmem:s0+$0xE0] =	vst v0  }
0x3d: {  	[tilespmem:s0+$0xD0] =	vst v0  }
0x3e: {  	[tilespmem:s0+$0xC0] =	vst v0  }
0x3f: {  	[tilespmem:s0+$0xB0] =	vst v0  }
0x40: {  	[tilespmem:s0+$0xA0] =	vst v0  }
0x41: {  	[tilespmem:s0+$0x90] =	vst v0  }
0x42: {  	[tilespmem:s0+$0x80] =	vst v0  }
0x43: {  	[tilespmem:s0+$0x70] =	vst v0  }
0x44: {  	[tilespmem:s0+$0x60] =	vst v0  }
0x45: {  	[tilespmem:s0+$0x50] =	vst v0  }
0x46: {  	[tilespmem:s0+$0x40] =	vst v0  }
0x47: {  	[tilespmem:s0+$0x30] =	vst v0  }
0x48: {  	[tilespmem:s0+$0x20] =	vst v0  }
0x49: {  	[tilespmem:s0+$0x10] =	vst v0  }
0x4a: {  	[tilespmem:s0+$0x0] =	vst v0  }
0x4b: {  	[tilespmem:s0+$0xFFFFFFF0] =	vst v0  }
0x4c: {  	[tilespmem:s0+$0xFFFFFFE0] =	vst v0  }
0x4d: {  	[tilespmem:s0+$0xFFFFFFD0] =	vst v0  }
0x4e: {  	[tilespmem:s0+$0xFFFFFFC0] =	vst v0  }
0x4f: {  	[tilespmem:s0+$0xFFFFFFB0] =	vst v0  }
0x50: {  	[tilespmem:s0+$0xFFFFFFA0] =	vst v0  }
0x51: {  	[tilespmem:s0+$0xFFFFFF90] =	vst v0  }
0x52: {  	[tilespmem:s0+$0xFFFFFF80] =	vst v0  }
0x53: {  	[tilespmem:s0+$0xFFFFFF70] =	vst v0  }
0x54: {  	[tilespmem:s0+$0xFFFFFF60] =	vst v0  }
0x55: {  	[tilespmem:s0+$0xFFFFFF50] =	vst v0  }
0x56: {  	[tilespmem:s0+$0xFFFFFF40] =	vst v0  }
0x57: {  	[tilespmem:s0+$0xFFFFFF30] =	vst v0  }
0x58: {  	s1 =	simm.s32 $0x0;
	[tilespmem:s0+$0xFFFFFF20] =	vst v0  }
.LBB2_3:
0x59: {  	s1 =	sadd.s32 $0x4, s1;
	[tilespmem:s0+$0xFFFFFF10] =	vst v0;
	s0 =	sadd.s32 $0x200, s0  }
0x5a: {  	[tilespmem:s0+$0xFFFFFF00] =	vst v0;
	p0 =	slt.u32 s1, $0x18C  }
0x5b: {  	[tilespmem:s0+$0xF0] =	vst v0  }
0x5c: {  	[tilespmem:s0+$0xE0] =	vst v0  }
0x5d: {  	[tilespmem:s0+$0xD0] =	vst v0  }
0x5e: {  	[tilespmem:s0+$0xC0] =	vst v0  }
0x5f: {  	[tilespmem:s0+$0xB0] =	vst v0  }
0x60: {  	[tilespmem:s0+$0xA0] =	vst v0  }
0x61: {  	[tilespmem:s0+$0x90] =	vst v0  }
0x62: {  	[tilespmem:s0+$0x80] =	vst v0  }
0x63: {  	[tilespmem:s0+$0x70] =	vst v0  }
0x64: {  	[tilespmem:s0+$0x60] =	vst v0  }
0x65: {  	[tilespmem:s0+$0x50] =	vst v0  }
0x66: {  	[tilespmem:s0+$0x40] =	vst v0  }
0x67: {  	[tilespmem:s0+$0x30] =	vst v0  }
0x68: {  	[tilespmem:s0+$0x20] =	vst v0  }
0x69: {  	[tilespmem:s0+$0x10] =	vst v0  }
0x6a: {  	[tilespmem:s0+$0x0] =	vst v0  }
0x6b: {  	[tilespmem:s0+$0xFFFFFFF0] =	vst v0  }
0x6c: {  	[tilespmem:s0+$0xFFFFFFE0] =	vst v0  }
0x6d: {  	[tilespmem:s0+$0xFFFFFFD0] =	vst v0  }
0x6e: {  	[tilespmem:s0+$0xFFFFFFC0] =	vst v0  }
0x6f: {  	[tilespmem:s0+$0xFFFFFFB0] =	vst v0  }
0x70: {  	[tilespmem:s0+$0xFFFFFFA0] =	vst v0  }
0x71: {  	[tilespmem:s0+$0xFFFFFF90] =	vst v0  }
0x72: {  	[tilespmem:s0+$0xFFFFFF80] =	vst v0  }
0x73: {  	[tilespmem:s0+$0xFFFFFF70] =	vst v0  }
.Ltmp1:
0x74: {  	[tilespmem:s0+$0xFFFFFF60] =	vst v0;
	(pc) =	sbr.rel @p0 .LBB2_3-.Ltmp1, $4  }
0x75: {  	[tilespmem:s0+$0xFFFFFF50] =	vst v0  }
0x76: {  	[tilespmem:s0+$0xFFFFFF40] =	vst v0  }
0x77: {  	[tilespmem:s0+$0xFFFFFF30] =	vst v0  }
0x78: {  	[tilespmem:s0+$0xFFFFFF20] =	vst v0  }
0x79: {  	s4 =	stileid.u32  }
0x7a: {  	s10 =	simm.s32 $0x0;
	s8 =	simm.s32 $0x19000;
	s3 =	simm.s32 $0x19C80;
	vm0 =	vmmov $0xffff;
	v1 =	vlaneseq.u32  }
0x7b: {  	s16 =	simm.s32 $0x1B580;
	s17 =	simm.s32 $0x1;
	s1 =	smul.u32 $0x3200, s4;
	v2 =	vor.u32 $0x10, v1;
	v3 =	vor.u32 $0x20, v1;
	v4 =	vor.u32 $0x30, v1  }
0x7c: {  	s18 =	simm.s32 $0xC800;
	s30 =	simm.s32 $0x5;
	s28 =	smul.u32 $0x19, s4;
	v5 =	vor.u32 $0x40, v1;
	v6 =	vor.u32 $0x50, v1;
	v7 =	vor.u32 $0x60, v1  }
0x7d: {  	[tilespmem:s0+$0xFFFFFF10] =	vst v0;
	s25 =	simm.s32 $0x1E140;
	s22 =	simm.s32 $0x0;
	s23 =	simm.s32 $0x0;
	v8 =	vor.u32 $0x70, v1;
	v9 =	vor.u32 $0x80, v1;
	v10 =	vor.u32 $0x90, v1  }
0x7e: {  	s31 =	smul.u32 $0xC800, s4;
	v11 =	vor.u32 $0xA0, v1;
	v12 =	vor.u32 $0xB0, v1;
	v13 =	vor.u32 $0xC0, v1;
	s26 =	sadd.s32 s2, s1;
	[dreg:$0xd] =	wrdreg s28  }
0x7f: {  	v14 =	vor.u32 $0xD0, v1;
	v15 =	vor.u32 $0xE0, v1;
	v16 =	vor.u32 $0xF0, v1;
	[tilespmem:s8], [sflag:$0x1] =	stream.linear.gather [hbm4b:s26+s10], $0xC80, $0x38;
	[tilespmem:$0x1FA50] =	vst v63  }
0x80: {  	v17 =	vor.u32 $0x100, v1;
	v18 =	vor.u32 $0x110, v1;
	v19 =	vor.u32 $0x120, v1;
	s29 =	sshrl.u32 s1, $0x2;
	[dreg:$0xe] =	wrdreg s31;
	s0 =	sadd.s32 $0x190, s26  }
0x81: {  	v20 =	vor.u32 $0x130, v1;
	v21 =	vor.u32 $0x140, v1;
	v22 =	vor.u32 $0x150, v1;
	[tilespmem:s3], [sflag:$0x1] =	stream.linear.gather [hbm4b:s0+s10], $0xC80, $0x38;
	[tilespmem:$0x1FA50] =	vst v63  }
0x82: {  	s13 =	sshll.u32 s4, $0x5;
	v23 =	vor.u32 $0x160, v1;
	v24 =	vor.u32 $0x170, v1;
	v25 =	vor.u32 $0x180, v1;
	s15 =	sadd.s32 $0x80, s29;
	[bflag:$0x0] =	sbarrier.arrive $0xFFFF  }
.LBB2_5:
0x83: {  	s1 =	smul.u32 $0xC8000, s23;
	s3 =	rddreg [dreg:$0xe]  }
0x84: {  	s0 =	sshll.u32 s23, $0x5;
	s4 =	smov.u32 s22;
	[dreg:$0xc] =	wrdreg s8  }
0x85: {  	s9 =	simm.s32 $0x0;
	s1 =	sadd.s32 s3, s1;
	s3 =	smov.u32 s16  }
.LBB2_6:
0x86: {  	s14 =	sadd.s32 s0, s9  }
0x87: {  	s11 =	sadd.s32 $0x2, s14  }
0x88: {  	s12 =	smulhi.u32 $0xAAAAAAAB, s11;
	_ =	sdelay $0x1  }
0x89: {  	s19 =	smulhi.u32 $0xAAAAAAAB, s4;
	s12 =	sshrl.u32 s12, $0x1  }
0x8a: {  	s12 =	smul.u32 $0x3, s12  }
0x8b: {  	s20 =	sadd.s32 $0x2, s9;
	s19 =	sshrl.u32 s19, $0x1  }
0x8c: {  	s20 =	sand.u32 $0x1F, s20;
	s21 =	smul.u32 $0xFFFF6A00, s19;
	s11 =	ssub.s32 s11, s12  }
0x8d: {  	_ =	swait.ge [sflag:s17], $0xC80;
	s12 =	sor.u32 s13, s20;
	s11 =	smul.u32 $0x3200, s11  }
0x8e: {  	[sflag:s17] =	ssyncset.done $0x0;
	p0 =	slt.u32 s14, $0x3;
	s12 =	smul.u32 $0x190, s12  }
0x8f: {  	[sflag:s17] =	ssyncadd.s32 $0xFFFFF380;
	s21 =	sshra.s32 s21, $0x2;
	s11 =	sshrl.u32 s11, $0x2  }
0x90: {  	s20 =	sadd.s32 s21, s8;
	s12 =	sadd.s32 s2, s12;
	s11 =	sadd.s32 $0x19000, s11  }
0x91: {  	v26 =	vmov s20;
	[tilespmem:s11], [sflag:$0x1] =	stream.linear.gather [hbm4b:s12+s10], $0xC80, $0x38;
	[tilespmem:$0x1FA50] =	vst v63  }
0x92: {  	s11 =	simm.s32 @!p0 $0x2  }
0x93: {  	_ =	swait.ge @!p0 [sflag:s11], $0x640  }
0x94: {  	[sflag:s11] =	ssyncset.done @!p0 $0x0  }
0x95: {  	s20 =	simm.s32 $0x0;
	[sflag:s11] =	ssyncadd.s32 @!p0 $0xFFFFF9C0  }
0x96: {  	v27 =	vld.idx.msk [tilespmem:v26+s20+$0x10 ss:$0x1], $0xffff;
	_ =	sdelay $0x2  }
0x97: {  	v28 =	vld.idx.msk [tilespmem:v26+s20+$0x0 ss:$0x1], $0xffff;
	_ =	sdelay $0x1  }
0x98: {  	s11 =	simm.s32 $0x20;
	v34 =	vand.u32 $0xFFFF, v27  }
0x99: {  	v30 =	vld.idx.msk [tilespmem:v26+s11+$0x10 ss:$0x1], $0xffff;
	v35 =	vshrl.u32 v27, $0x10;
	_ =	sdelay $0x1  }
0x9a: {  	v36 =	vld.idx.msk [tilespmem:v26+s20+$0x640 ss:$0x1], $0xffff;
	v29 =	vand.u32 $0xFFFF, v28  }
0x9b: {  	v33 =	vld.idx.msk [tilespmem:v26+s20+$0x650 ss:$0x1], $0xffff;
	v43 =	vshrl.u32 v28, $0x10  }
0x9c: {  	s24 =	smul.u32 $0xFFFFB500, s19;
	v31 =	vld.idx.msk [tilespmem:v34+s10+$0x0], $0xffff  }
0x9d: {  	v28 =	vand.u32 $0xFFFF, v30;
	v32 =	vld.idx.msk [tilespmem:v35+s10+$0x0], $0xffff  }
0x9e: {  	s12 =	sshra.s32 s24, $0x2;
	v37 =	vld.idx.msk [tilespmem:v26+s11+$0x0 ss:$0x1], $0xffff;
	v30 =	vshrl.u32 v30, $0x10  }
0x9f: {  	s12 =	sadd.s32 s12, s3;
	v38 =	vld.idx.msk [tilespmem:v29+s10+$0x0], $0xffff  }
0xa0: {  	v27 =	vmov s12;
	s12 =	simm.s32 $0x40;
	v39 =	vld.idx.msk [tilespmem:v43+s10+$0x0], $0xffff  }
0xa1: {  	v42 =	vld.idx.msk [tilespmem:v26+s12+$0x10 ss:$0x1], $0xffff  }
0xa2: {  	v44 =	vld.idx.msk [tilespmem:v28+s10+$0x0], $0xffff;
	v31 =	vsub.f32 v31, v32  }
0xa3: {  	s26 =	smulhi.u32 $0xAAAAAAAB, s14;
	v45 =	vld.idx.msk [tilespmem:v30+s10+$0x0], $0xffff  }
0xa4: {  	v32 =	vld.idx.msk [tilespmem:v26+s11+$0x640 ss:$0x1], $0xffff;
	v40 =	vmul.f32 v31, v33  }
0xa5: {  	s19 =	sshrl.u32 s26, $0x1;
	v63 =	vsub.f32 v38, v39;
	v38 =	vld.idx.msk [tilespmem:v26+s12+$0x0 ss:$0x1], $0xffff;
	v31 =	vand.u32 $0xFFFF, v37  }
0xa6: {  	s19 =	smul.u32 $0x3, s19;
	v33 =	vshrl.u32 v37, $0x10;
	v37 =	vld.idx.msk [tilespmem:v26+s11+$0x650 ss:$0x1], $0xffff;
	[tilespmem:v27+s20+$0x10 ss:$0x1] =	vst.idx.msk $0xffff, v40  }
0xa7: {  	v41 =	vsub.f32 $0.0e+00, v40;
	[tilespmem:v35+s18+$0x0] =	vst.idx.add.f32.msk $0xffff, v40  }
0xa8: {  	s28 =	smul.u32 $0x640, s9;
	s14 =	ssub.s32 s14, s19;
	v35 =	vld.idx.msk [tilespmem:v26+s12+$0x640 ss:$0x1], $0xffff  }
0xa9: {  	s29 =	smul.u32 $0x1900, s14;
	v46 =	vmul.f32 v63, v36;
	[tilespmem:v34+s18+$0x0] =	vst.idx.add.f32.msk $0xffff, v41  }
0xaa: {  	v34 =	vand.u32 $0xFFFF, v42;
	v39 =	vld.idx.msk [tilespmem:v31+s10+$0x0], $0xffff  }
0xab: {  	s14 =	sadd.s32 s28, s1;
	s31 =	sshra.s32 s29, $0x2;
	v36 =	vshrl.u32 v42, $0x10;
	[tilespmem:v27+s20+$0x0 ss:$0x1] =	vst.idx.msk $0xffff, v46;
	v41 =	vsub.f32 $0.0e+00, v46;
	v40 =	vld.idx.msk [tilespmem:v33+s10+$0x0], $0xffff  }
0xac: {  	s21 =	simm.s32 $0x180;
	s19 =	sadd.s32 $0x1B580, s31;
	s20 =	simm.s32 $0x4;
	[tilespmem:v43+s18+$0x0] =	vst.idx.add.f32.msk $0xffff, v46;
	v42 =	vsub.f32 v44, v45  }
.LBB2_7:
0xad: {  	s24 =	sshra.s32 s21, $0x2;
	v43 =	vshrl.u32 v38, $0x10;
	[tilespmem:v29+s18+$0x0] =	vst.idx.add.f32.msk $0xffff, v41;
	v29 =	vmov v31;
	v31 =	vand.u32 $0xFFFF, v38  }
0xae: {  	v44 =	vld.idx.msk [tilespmem:v26+s24+$0x10 ss:$0x1], $0xffff;
	v37 =	vmul.f32 v42, v37  }
0xaf: {  	v42 =	vld.idx.msk [tilespmem:v34+s10+$0x0], $0xffff  }
0xb0: {  	v38 =	vsub.f32 v39, v40;
	v45 =	vld.idx.msk [tilespmem:v36+s10+$0x0], $0xffff;
	[tilespmem:v27+s11+$0x10 ss:$0x1] =	vst.idx.msk $0xffff, v37;
	v39 =	vsub.f32 $0.0e+00, v37  }
0xb1: {  	[tilespmem:v30+s18+$0x0] =	vst.idx.add.f32.msk $0xffff, v37;
	v30 =	vmov v36  }
0xb2: {  	s20 =	sadd.s32 $0x2, s20;
	v46 =	vmul.f32 v38, v32;
	v32 =	vmov v35;
	[tilespmem:v28+s18+$0x0] =	vst.idx.add.f32.msk $0xffff, v39;
	v28 =	vmov v34  }
0xb3: {  	p0 =	slt.u32 s20, $0x62;
	v38 =	vld.idx.msk [tilespmem:v26+s24+$0x0 ss:$0x1], $0xffff  }
.Ltmp2:
0xb4: {  	v41 =	vsub.f32 $0.0e+00, v46;
	v37 =	vld.idx.msk [tilespmem:v26+s12+$0x650 ss:$0x1], $0xffff;
	[tilespmem:v27+s11+$0x0 ss:$0x1] =	vst.idx.msk $0xffff, v46;
	s11 =	smov.u32 s12;
	s12 =	smov.u32 s24;
	(pc) =	sbr.rel @p0 .LBB2_7-.Ltmp2, $4  }
0xb5: {  	v39 =	vld.idx.msk [tilespmem:v31+s10+$0x0], $0xffff  }
0xb6: {  	v34 =	vand.u32 $0xFFFF, v44;
	v40 =	vld.idx.msk [tilespmem:v43+s10+$0x0], $0xffff  }
0xb7: {  	v36 =	vshrl.u32 v44, $0x10;
	v35 =	vld.idx.msk [tilespmem:v26+s12+$0x640 ss:$0x1], $0xffff  }
0xb8: {  	s21 =	sadd.s32 $0x80, s21;
	v42 =	vsub.f32 v42, v45;
	[tilespmem:v33+s18+$0x0] =	vst.idx.add.f32.msk $0xffff, v46;
	v33 =	vmov v43  }
0xb9: {  	_ =	sdelay $0x2  }
0xba: {  	v43 =	vand.u32 $0xFFFF, v38  }
0xbb: {  	v55 =	vshrl.u32 v38, $0x10;
	[tilespmem:v29+s18+$0x0] =	vst.idx.add.f32.msk $0xffff, v41  }
0xbc: {  	v56 =	vld.idx.msk [tilespmem:v34+s10+$0x0], $0xffff  }
0xbd: {  	v57 =	vld.idx.msk [tilespmem:v36+s10+$0x0], $0xffff  }
0xbe: {  	v26 =	vld.idx.msk [tilespmem:v26+s12+$0x650 ss:$0x1], $0xffff;
	v37 =	vmul.f32 v42, v37  }
0xbf: {  	v39 =	vsub.f32 v39, v40;
	v58 =	vld.idx.msk [tilespmem:v43+s10+$0x0], $0xffff  }
0xc0: {  	[tilespmem:v27+s11+$0x10 ss:$0x1] =	vst.idx.msk $0xffff, v37;
	v42 =	vsub.f32 $0.0e+00, v37;
	v44 =	vld.idx.msk [tilespmem:v55+s10+$0x0], $0xffff  }
0xc1: {  	[tilespmem:v30+s18+$0x0] =	vst.idx.add.f32.msk $0xffff, v37;
	v59 =	vmul.f32 v39, v32  }
0xc2: {  	[tilespmem:v28+s18+$0x0] =	vst.idx.add.f32.msk $0xffff, v42;
	v60 =	vsub.f32 v56, v57  }
0xc3: {  	[tilespmem:v27+s11+$0x0 ss:$0x1] =	vst.idx.msk $0xffff, v59;
	v61 =	vsub.f32 $0.0e+00, v59  }
0xc4: {  	[tilespmem:v33+s18+$0x0] =	vst.idx.add.f32.msk $0xffff, v59;
	v26 =	vmul.f32 v60, v26  }
0xc5: {  	[tilespmem:v31+s18+$0x0] =	vst.idx.add.f32.msk $0xffff, v61;
	v62 =	vsub.f32 v58, v44  }
0xc6: {  	s9 =	sadd.s32 $0x1, s9;
	[tilespmem:v27+s12+$0x10 ss:$0x1] =	vst.idx.msk $0xffff, v26;
	v63 =	vsub.f32 $0.0e+00, v26  }
0xc7: {  	p0 =	sne.s32 s9, $0x20;
	[tilespmem:v36+s18+$0x0] =	vst.idx.add.f32.msk $0xffff, v26;
	v26 =	vmul.f32 v62, v35  }
.Ltmp3:
0xc8: {  	[tilespmem:v34+s18+$0x0] =	vst.idx.add.f32.msk $0xffff, v63;
	(pc) =	sbr.rel @p0 .LBB2_6-.Ltmp3, $4  }
0xc9: {  	[tilespmem:v27+s12+$0x0 ss:$0x1] =	vst.idx.msk $0xffff, v26;
	v27 =	vsub.f32 $0.0e+00, v26  }
0xca: {  	s31 =	sshrl.u32 s14, $0x3;
	s8 =	sadd.s32 $0xC80, s8;
	[tilespmem:v55+s18+$0x0] =	vst.idx.add.f32.msk $0xffff, v26  }
0xcb: {  	s4 =	sadd.s32 $0x1, s4;
	s3 =	sadd.s32 $0x640, s3;
	s11 =	sadd.s32 s5, s31;
	[tilespmem:v43+s18+$0x0] =	vst.idx.add.f32.msk $0xffff, v27  }
0xcc: {  	[hbm4b:s11+s10] =	stream.linear.scatter [tilespmem:s19], [sflag:$0x2], $0x640, $0x38;
	[tilespmem:$0x1FA50] =	vst v63  }
0xcd: {  	_ =	sdelay $0x3  }
0xce: {  	[spmem:s6] =	stream.indirect_vreg.scatter.add.f32 [tilespmem:s18], [sflag:$0x5], $0x80, v1, vm0, $0xb8;
	[tilespmem:$0x1FA50] =	vst v63  }
0xcf: {  	s0 =	simm.s32 $0xD000  }
0xd0: {  	[spmem:s6] =	stream.indirect_vreg.scatter.add.f32 [tilespmem:s0], [sflag:$0x5], $0x80, v2, vm0, $0xb8;
	[tilespmem:$0x1FA50] =	vst v63  }
0xd1: {  	s24 =	simm.s32 $0xD800  }
0xd2: {  	[spmem:s6] =	stream.indirect_vreg.scatter.add.f32 [tilespmem:s24], [sflag:$0x5], $0x80, v3, vm0, $0xb8;
	[tilespmem:$0x1FA50] =	vst v63  }
0xd3: {  	s26 =	simm.s32 $0xE000  }
0xd4: {  	[spmem:s6] =	stream.indirect_vreg.scatter.add.f32 [tilespmem:s26], [sflag:$0x5], $0x80, v4, vm0, $0xb8;
	[tilespmem:$0x1FA50] =	vst v63  }
0xd5: {  	s1 =	simm.s32 $0xE800  }
0xd6: {  	[spmem:s6] =	stream.indirect_vreg.scatter.add.f32 [tilespmem:s1], [sflag:$0x5], $0x80, v5, vm0, $0xb8;
	[tilespmem:$0x1FA50] =	vst v63  }
0xd7: {  	s3 =	simm.s32 $0xF000  }
0xd8: {  	[spmem:s6] =	stream.indirect_vreg.scatter.add.f32 [tilespmem:s3], [sflag:$0x5], $0x80, v6, vm0, $0xb8;
	[tilespmem:$0x1FA50] =	vst v63  }
0xd9: {  	s4 =	simm.s32 $0xF800  }
0xda: {  	[spmem:s6] =	stream.indirect_vreg.scatter.add.f32 [tilespmem:s4], [sflag:$0x5], $0x80, v7, vm0, $0xb8;
	[tilespmem:$0x1FA50] =	vst v63  }
0xdb: {  	s8 =	simm.s32 $0x10000  }
0xdc: {  	[spmem:s6] =	stream.indirect_vreg.scatter.add.f32 [tilespmem:s8], [sflag:$0x5], $0x80, v8, vm0, $0xb8;
	[tilespmem:$0x1FA50] =	vst v63  }
0xdd: {  	s9 =	simm.s32 $0x10800  }
0xde: {  	[spmem:s6] =	stream.indirect_vreg.scatter.add.f32 [tilespmem:s9], [sflag:$0x5], $0x80, v9, vm0, $0xb8;
	[tilespmem:$0x1FA50] =	vst v63  }
0xdf: {  	s11 =	simm.s32 $0x11000  }
0xe0: {  	[spmem:s6] =	stream.indirect_vreg.scatter.add.f32 [tilespmem:s11], [sflag:$0x5], $0x80, v10, vm0, $0xb8;
	[tilespmem:$0x1FA50] =	vst v63  }
0xe1: {  	s12 =	simm.s32 $0x11800  }
0xe2: {  	[spmem:s6] =	stream.indirect_vreg.scatter.add.f32 [tilespmem:s12], [sflag:$0x5], $0x80, v11, vm0, $0xb8;
	[tilespmem:$0x1FA50] =	vst v63  }
0xe3: {  	s14 =	simm.s32 $0x12000  }
0xe4: {  	[spmem:s6] =	stream.indirect_vreg.scatter.add.f32 [tilespmem:s14], [sflag:$0x5], $0x80, v12, vm0, $0xb8;
	[tilespmem:$0x1FA50] =	vst v63  }
0xe5: {  	s19 =	simm.s32 $0x12800  }
0xe6: {  	[spmem:s6] =	stream.indirect_vreg.scatter.add.f32 [tilespmem:s19], [sflag:$0x5], $0x80, v13, vm0, $0xb8;
	[tilespmem:$0x1FA50] =	vst v63  }
0xe7: {  	s20 =	simm.s32 $0x13000  }
0xe8: {  	[spmem:s6] =	stream.indirect_vreg.scatter.add.f32 [tilespmem:s20], [sflag:$0x5], $0x80, v14, vm0, $0xb8;
	[tilespmem:$0x1FA50] =	vst v63  }
0xe9: {  	s21 =	simm.s32 $0x13800  }
0xea: {  	[spmem:s6] =	stream.indirect_vreg.scatter.add.f32 [tilespmem:s21], [sflag:$0x5], $0x80, v15, vm0, $0xb8;
	[tilespmem:$0x1FA50] =	vst v63  }
0xeb: {  	s24 =	simm.s32 $0x14000  }
0xec: {  	[spmem:s6] =	stream.indirect_vreg.scatter.add.f32 [tilespmem:s24], [sflag:$0x5], $0x80, v16, vm0, $0xb8;
	[tilespmem:$0x1FA50] =	vst v63  }
0xed: {  	s26 =	simm.s32 $0x14800  }
0xee: {  	[spmem:s6] =	stream.indirect_vreg.scatter.add.f32 [tilespmem:s26], [sflag:$0x5], $0x80, v17, vm0, $0xb8;
	[tilespmem:$0x1FA50] =	vst v63  }
0xef: {  	s1 =	simm.s32 $0x15000  }
0xf0: {  	[spmem:s6] =	stream.indirect_vreg.scatter.add.f32 [tilespmem:s1], [sflag:$0x5], $0x80, v18, vm0, $0xb8;
	[tilespmem:$0x1FA50] =	vst v63  }
0xf1: {  	s3 =	simm.s32 $0x15800  }
0xf2: {  	[spmem:s6] =	stream.indirect_vreg.scatter.add.f32 [tilespmem:s3], [sflag:$0x5], $0x80, v19, vm0, $0xb8;
	[tilespmem:$0x1FA50] =	vst v63  }
0xf3: {  	s4 =	simm.s32 $0x16000  }
0xf4: {  	[spmem:s6] =	stream.indirect_vreg.scatter.add.f32 [tilespmem:s4], [sflag:$0x5], $0x80, v20, vm0, $0xb8;
	[tilespmem:$0x1FA50] =	vst v63  }
0xf5: {  	s8 =	simm.s32 $0x16800  }
0xf6: {  	[spmem:s6] =	stream.indirect_vreg.scatter.add.f32 [tilespmem:s8], [sflag:$0x5], $0x80, v21, vm0, $0xb8;
	[tilespmem:$0x1FA50] =	vst v63  }
0xf7: {  	s9 =	simm.s32 $0x17000  }
0xf8: {  	[spmem:s6] =	stream.indirect_vreg.scatter.add.f32 [tilespmem:s9], [sflag:$0x5], $0x80, v22, vm0, $0xb8;
	[tilespmem:$0x1FA50] =	vst v63  }
0xf9: {  	s11 =	simm.s32 $0x17800  }
0xfa: {  	[spmem:s6] =	stream.indirect_vreg.scatter.add.f32 [tilespmem:s11], [sflag:$0x5], $0x80, v23, vm0, $0xb8;
	[tilespmem:$0x1FA50] =	vst v63  }
0xfb: {  	s12 =	simm.s32 $0x18000  }
0xfc: {  	[spmem:s6] =	stream.indirect_vreg.scatter.add.f32 [tilespmem:s12], [sflag:$0x5], $0x80, v24, vm0, $0xb8;
	[tilespmem:$0x1FA50] =	vst v63  }
0xfd: {  	s14 =	simm.s32 $0x18800  }
0xfe: {  	[spmem:s6] =	stream.indirect_vreg.scatter.add.f32 [tilespmem:s14], [sflag:$0x5], $0x80, v25, vm0, $0xb8;
	[tilespmem:$0x1FA50] =	vst v63  }
0xff: {  	_ =	swait.ge [sflag:s30], $0x800  }
0x100: {  	[sflag:s30] =	ssyncset.done $0x0  }
0x101: {  	[sflag:s30] =	ssyncadd.s32 $0xFFFFF800  }
0x102: {  	_ =	swait.ge [sflag:s30], $0x800  }
0x103: {  	[sflag:s30] =	ssyncset.done $0x0  }
0x104: {  	[sflag:s30] =	ssyncadd.s32 $0xFFFFF800  }
0x105: {  	_ =	swait.ge [sflag:s30], $0x800  }
0x106: {  	[sflag:s30] =	ssyncset.done $0x0  }
0x107: {  	[sflag:s30] =	ssyncadd.s32 $0xFFFFF800  }
0x108: {  	_ =	swait.ge [sflag:s30], $0x800  }
0x109: {  	[sflag:s30] =	ssyncset.done $0x0  }
0x10a: {  	[sflag:s30] =	ssyncadd.s32 $0xFFFFF800  }
0x10b: {  	_ =	swait.ge [sflag:s30], $0x800  }
0x10c: {  	[sflag:s30] =	ssyncset.done $0x0  }
0x10d: {  	[sflag:s30] =	ssyncadd.s32 $0xFFFFF800  }
0x10e: {  	_ =	swait.ge [sflag:s30], $0x800  }
0x10f: {  	[sflag:s30] =	ssyncset.done $0x0  }
0x110: {  	[sflag:s30] =	ssyncadd.s32 $0xFFFFF800  }
0x111: {  	_ =	swait.ge [sflag:s30], $0x800  }
0x112: {  	[sflag:s30] =	ssyncset.done $0x0  }
0x113: {  	[sflag:s30] =	ssyncadd.s32 $0xFFFFF800  }
0x114: {  	_ =	swait.ge [sflag:s30], $0x800  }
0x115: {  	[sflag:s30] =	ssyncset.done $0x0  }
0x116: {  	[sflag:s30] =	ssyncadd.s32 $0xFFFFF800  }
0x117: {  	_ =	swait.ge [sflag:s30], $0x800  }
0x118: {  	[sflag:s30] =	ssyncset.done $0x0  }
0x119: {  	[sflag:s30] =	ssyncadd.s32 $0xFFFFF800  }
0x11a: {  	_ =	swait.ge [sflag:s30], $0x800  }
0x11b: {  	[sflag:s30] =	ssyncset.done $0x0  }
0x11c: {  	[sflag:s30] =	ssyncadd.s32 $0xFFFFF800  }
0x11d: {  	_ =	swait.ge [sflag:s30], $0x800  }
0x11e: {  	[sflag:s30] =	ssyncset.done $0x0  }
0x11f: {  	[sflag:s30] =	ssyncadd.s32 $0xFFFFF800  }
0x120: {  	_ =	swait.ge [sflag:s30], $0x800  }
0x121: {  	[sflag:s30] =	ssyncset.done $0x0  }
0x122: {  	[sflag:s30] =	ssyncadd.s32 $0xFFFFF800  }
0x123: {  	_ =	swait.ge [sflag:s30], $0x800  }
0x124: {  	[sflag:s30] =	ssyncset.done $0x0  }
0x125: {  	[sflag:s30] =	ssyncadd.s32 $0xFFFFF800  }
0x126: {  	_ =	swait.ge [sflag:s30], $0x800  }
0x127: {  	[sflag:s30] =	ssyncset.done $0x0  }
0x128: {  	[sflag:s30] =	ssyncadd.s32 $0xFFFFF800  }
0x129: {  	_ =	swait.ge [sflag:s30], $0x800  }
0x12a: {  	[sflag:s30] =	ssyncset.done $0x0  }
0x12b: {  	[sflag:s30] =	ssyncadd.s32 $0xFFFFF800  }
0x12c: {  	_ =	swait.ge [sflag:s30], $0x800  }
0x12d: {  	[sflag:s30] =	ssyncset.done $0x0  }
0x12e: {  	[sflag:s30] =	ssyncadd.s32 $0xFFFFF800  }
0x12f: {  	_ =	swait.ge [sflag:s30], $0x800  }
0x130: {  	[sflag:s30] =	ssyncset.done $0x0  }
0x131: {  	[sflag:s30] =	ssyncadd.s32 $0xFFFFF800  }
0x132: {  	_ =	swait.ge [sflag:s30], $0x800  }
0x133: {  	[sflag:s30] =	ssyncset.done $0x0  }
0x134: {  	[sflag:s30] =	ssyncadd.s32 $0xFFFFF800  }
0x135: {  	_ =	swait.ge [sflag:s30], $0x800  }
0x136: {  	[sflag:s30] =	ssyncset.done $0x0  }
0x137: {  	[sflag:s30] =	ssyncadd.s32 $0xFFFFF800  }
0x138: {  	_ =	swait.ge [sflag:s30], $0x800  }
0x139: {  	[sflag:s30] =	ssyncset.done $0x0  }
0x13a: {  	[sflag:s30] =	ssyncadd.s32 $0xFFFFF800  }
0x13b: {  	_ =	swait.ge [sflag:s30], $0x800  }
0x13c: {  	[sflag:s30] =	ssyncset.done $0x0  }
0x13d: {  	[sflag:s30] =	ssyncadd.s32 $0xFFFFF800  }
0x13e: {  	_ =	swait.ge [sflag:s30], $0x800  }
0x13f: {  	[sflag:s30] =	ssyncset.done $0x0  }
0x140: {  	[sflag:s30] =	ssyncadd.s32 $0xFFFFF800  }
0x141: {  	_ =	swait.ge [sflag:s30], $0x800  }
0x142: {  	[sflag:s30] =	ssyncset.done $0x0  }
0x143: {  	[sflag:s30] =	ssyncadd.s32 $0xFFFFF800  }
0x144: {  	_ =	swait.ge [sflag:s30], $0x800  }
0x145: {  	[sflag:s30] =	ssyncset.done $0x0  }
0x146: {  	[sflag:s30] =	ssyncadd.s32 $0xFFFFF800  }
0x147: {  	_ =	swait.ge [sflag:s30], $0x800  }
0x148: {  	[sflag:s30] =	ssyncset.done $0x0  }
0x149: {  	[sflag:s30] =	ssyncadd.s32 $0xFFFFF800  }
0x14a: {  	[bflag:$0x0] =	sbarrier.arrive $0xFFFF  }
0x14b: {  	s19 =	stileid.u32;
	s3 =	simm.s32 $0x8;
	s1 =	rddreg [dreg:$0xa]  }
0x14c: {  	[tilespmem:s25], [sflag:$0x8] =	stream.linear.gather [spmem:s1], $0xC80, $0x38;
	[tilespmem:$0x1FA50] =	vst v63  }
0x14d: {  	s0 =	sshll.u32 s19, $0x6;
	_ =	swait.ge [sflag:s3], $0xC80  }
0x14e: {  	s0 =	sor.u32 $0x1C07, s0;
	[sflag:s3] =	ssyncset.done $0x0  }
0x14f: {  	s1 =	sshrl.u32 s1, $0x3;
	s20 =	rddreg [dreg:$0xb];
	[sflag:s3] =	ssyncadd.s32 $0xFFFFF380  }
0x150: {  	[spmem:s1], [sflag:s0] =	dma.local [hbm:s20], $0x190  }
0x151: {  	v26 =	vld [tilespmem:s15+$0x0];
	_ =	sdelay $0x4  }
0x152: {  	s4 =	simm.s32 $0x1C8C0;
	v27 =	vmul.f32 v26, v26  }
0x153: {  	v28 =	vld [tilespmem:s4+$0x0]  }
0x154: {  	s24 =	simm.s32 $0x1E1C0;
	v27 =	vmul.f32 v27, v27  }
0x155: {  	v29 =	vld [tilespmem:s24+$0x0]  }
0x156: {  	s21 =	simm.s32 $0x1D540;
	v27 =	vadd.f32 $-1.303209970e+01, v27  }
0x157: {  	v30 =	vld [tilespmem:s21+$0x0]  }
0x158: {  	v27 =	vmul.f32 v27, v28;
	_ =	sdelay $0x1  }
0x159: {  	v28 =	vsub.f32 v29, v27  }
0x15a: {  	v29 =	vld [tilespmem:s15+$0xFFFFFF80]  }
0x15b: {  	v28 =	vmul.f32 v28, v30;
	_ =	sdelay $0x1  }
0x15c: {  	v26 =	vadd.f32 v28, v26;
	_ =	sdelay $0x1  }
0x15d: {  	v28 =	vmul.f32 v29, v29;
	[tilespmem:s15+$0x0] =	vst v26  }
0x15e: {  	v26 =	vld [tilespmem:s4+$0xFFFFFF80];
	[tilespmem:s24+$0x0] =	vst v27  }
0x15f: {  	v27 =	vmul.f32 v28, v28;
	v28 =	vld [tilespmem:s15+$0x10]  }
0x160: {  	v30 =	vld [tilespmem:s24+$0xFFFFFF80]  }
0x161: {  	v27 =	vadd.f32 $-1.303209970e+01, v27  }
0x162: {  	v31 =	vld [tilespmem:s21+$0xFFFFFF80]  }
0x163: {  	v26 =	vmul.f32 v27, v26  }
0x164: {  	v27 =	vmul.f32 v28, v28  }
0x165: {  	v32 =	vld [tilespmem:s4+$0x10];
	v30 =	vsub.f32 v30, v26  }
0x166: {  	v27 =	vmul.f32 v27, v27  }
0x167: {  	v30 =	vmul.f32 v30, v31;
	v31 =	vld [tilespmem:s24+$0x10]  }
0x168: {  	v27 =	vadd.f32 $-1.303209970e+01, v27  }
0x169: {  	v29 =	vadd.f32 v30, v29;
	v30 =	vld [tilespmem:s21+$0x10]  }
0x16a: {  	v27 =	vmul.f32 v27, v32  }
0x16b: {  	[tilespmem:s15+$0xFFFFFF80] =	vst v29  }
0x16c: {  	[tilespmem:s24+$0xFFFFFF80] =	vst v26;
	v26 =	vsub.f32 v31, v27  }
0x16d: {  	v29 =	vld [tilespmem:s15+$0xFFFFFF90]  }
0x16e: {  	v26 =	vmul.f32 v26, v30;
	_ =	sdelay $0x1  }
0x16f: {  	v26 =	vadd.f32 v26, v28;
	_ =	sdelay $0x1  }
0x170: {  	v28 =	vmul.f32 v29, v29;
	[tilespmem:s15+$0x10] =	vst v26  }
0x171: {  	v26 =	vld [tilespmem:s4+$0xFFFFFF90];
	[tilespmem:s24+$0x10] =	vst v27  }
0x172: {  	v27 =	vmul.f32 v28, v28;
	v28 =	vld [tilespmem:s15+$0x20]  }
0x173: {  	v30 =	vld [tilespmem:s24+$0xFFFFFF90]  }
0x174: {  	v27 =	vadd.f32 $-1.303209970e+01, v27  }
0x175: {  	v31 =	vld [tilespmem:s21+$0xFFFFFF90]  }
0x176: {  	v26 =	vmul.f32 v27, v26  }
0x177: {  	v27 =	vmul.f32 v28, v28  }
0x178: {  	v42 =	vld [tilespmem:s4+$0x20];
	v30 =	vsub.f32 v30, v26  }
0x179: {  	v27 =	vmul.f32 v27, v27  }
0x17a: {  	v30 =	vmul.f32 v30, v31;
	v31 =	vld [tilespmem:s24+$0x20]  }
0x17b: {  	v27 =	vadd.f32 $-1.303209970e+01, v27  }
0x17c: {  	v29 =	vadd.f32 v30, v29;
	v30 =	vld [tilespmem:s21+$0x20]  }
0x17d: {  	v27 =	vmul.f32 v27, v42  }
0x17e: {  	[tilespmem:s15+$0xFFFFFF90] =	vst v29  }
0x17f: {  	[tilespmem:s24+$0xFFFFFF90] =	vst v26;
	v26 =	vsub.f32 v31, v27  }
0x180: {  	v29 =	vld [tilespmem:s15+$0xFFFFFFA0]  }
0x181: {  	v26 =	vmul.f32 v26, v30;
	_ =	sdelay $0x1  }
0x182: {  	s25 =	sadd.s32 $0x100, s15;
	v26 =	vadd.f32 v26, v28  }
0x183: {  	v28 =	vld [tilespmem:s25+$0x0]  }
0x184: {  	v30 =	vmul.f32 v29, v29;
	[tilespmem:s15+$0x20] =	vst v26  }
0x185: {  	v26 =	vld [tilespmem:s4+$0xFFFFFFA0];
	[tilespmem:s24+$0x20] =	vst v27  }
0x186: {  	v27 =	vmul.f32 v30, v30;
	v30 =	vld [tilespmem:s15+$0x30]  }
0x187: {  	s29 =	simm.s32 $0x1C9C0;
	v31 =	vld [tilespmem:s24+$0xFFFFFFA0]  }
0x188: {  	v34 =	vld [tilespmem:s29+$0x0];
	v27 =	vadd.f32 $-1.303209970e+01, v27;
	v33 =	vmul.f32 v28, v28  }
0x189: {  	v43 =	vld [tilespmem:s21+$0xFFFFFFA0]  }
0x18a: {  	s26 =	simm.s32 $0x1E2C0;
	v26 =	vmul.f32 v27, v26;
	v27 =	vmul.f32 v33, v33  }
0x18b: {  	v44 =	vld [tilespmem:s26+$0x0];
	v35 =	vmul.f32 v30, v30  }
0x18c: {  	s28 =	simm.s32 $0x1D640;
	v36 =	vld [tilespmem:s4+$0x30];
	v31 =	vsub.f32 v31, v26;
	v27 =	vadd.f32 $-1.303209970e+01, v27  }
0x18d: {  	v37 =	vld [tilespmem:s28+$0x0];
	v35 =	vmul.f32 v35, v35  }
0x18e: {  	v38 =	vld [tilespmem:s24+$0x30];
	v31 =	vmul.f32 v31, v43;
	v27 =	vmul.f32 v27, v34  }
0x18f: {  	v45 =	vld [tilespmem:s25+$0xFFFFFF80];
	v46 =	vadd.f32 $-1.303209970e+01, v35  }
0x190: {  	v47 =	vld [tilespmem:s21+$0x30];
	v29 =	vadd.f32 v31, v29;
	v31 =	vsub.f32 v44, v27  }
0x191: {  	v48 =	vmul.f32 v46, v36  }
0x192: {  	[tilespmem:s15+$0xFFFFFFA0] =	vst v29;
	v29 =	vmul.f32 v31, v37  }
0x193: {  	[tilespmem:s24+$0xFFFFFFA0] =	vst v26;
	v26 =	vsub.f32 v38, v48  }
0x194: {  	v31 =	vmul.f32 v45, v45;
	v28 =	vadd.f32 v29, v28;
	v29 =	vld [tilespmem:s15+$0xFFFFFFB0]  }
0x195: {  	v49 =	vld [tilespmem:s29+$0xFFFFFF80];
	v26 =	vmul.f32 v26, v47  }
0x196: {  	v31 =	vmul.f32 v31, v31;
	[tilespmem:s25+$0x0] =	vst v28  }
0x197: {  	v28 =	vld [tilespmem:s26+$0xFFFFFF80];
	[tilespmem:s26+$0x0] =	vst v27;
	v26 =	vadd.f32 v26, v30  }
0x198: {  	v27 =	vadd.f32 $-1.303209970e+01, v31;
	v30 =	vld [tilespmem:s25+$0x10]  }
0x199: {  	v31 =	vld [tilespmem:s28+$0xFFFFFF80];
	[tilespmem:s15+$0x30] =	vst v26;
	v26 =	vmul.f32 v29, v29  }
0x19a: {  	v50 =	vld [tilespmem:s4+$0xFFFFFFB0];
	v27 =	vmul.f32 v27, v49;
	[tilespmem:s24+$0x30] =	vst v48  }
0x19b: {  	v26 =	vmul.f32 v26, v26;
	v33 =	vld [tilespmem:s15+$0x40]  }
0x19c: {  	v51 =	vld [tilespmem:s24+$0xFFFFFFB0];
	v28 =	vsub.f32 v28, v27  }
0x19d: {  	v52 =	vld [tilespmem:s21+$0xFFFFFFB0];
	v53 =	vmul.f32 v30, v30;
	v26 =	vadd.f32 $-1.303209970e+01, v26  }
0x19e: {  	v28 =	vmul.f32 v28, v31;
	v31 =	vld [tilespmem:s29+$0x10]  }
0x19f: {  	v54 =	vmul.f32 v53, v53;
	v26 =	vmul.f32 v26, v50  }
0x1a0: {  	v55 =	vld [tilespmem:s26+$0x10];
	v28 =	vadd.f32 v28, v45;
	v56 =	vmul.f32 v33, v33  }
0x1a1: {  	v57 =	vld [tilespmem:s4+$0x40];
	v34 =	vadd.f32 $-1.303209970e+01, v54;
	v35 =	vsub.f32 v51, v26  }
0x1a2: {  	[tilespmem:s25+$0xFFFFFF80] =	vst v28;
	v28 =	vld [tilespmem:s28+$0x10];
	v37 =	vmul.f32 v56, v56  }
0x1a3: {  	v58 =	vld [tilespmem:s24+$0x40];
	[tilespmem:s26+$0xFFFFFF80] =	vst v27;
	v31 =	vmul.f32 v34, v31;
	v27 =	vmul.f32 v35, v52  }
0x1a4: {  	v60 =	vld [tilespmem:s25+$0xFFFFFF90];
	v59 =	vadd.f32 $-1.303209970e+01, v37  }
0x1a5: {  	v32 =	vsub.f32 v55, v31;
	v27 =	vadd.f32 v27, v29;
	v29 =	vld [tilespmem:s21+$0x40]  }
0x1a6: {  	v34 =	vmul.f32 v59, v57  }
0x1a7: {  	[tilespmem:s15+$0xFFFFFFB0] =	vst v27;
	v27 =	vmul.f32 v32, v28  }
0x1a8: {  	[tilespmem:s24+$0xFFFFFFB0] =	vst v26;
	v26 =	vsub.f32 v58, v34  }
0x1a9: {  	v27 =	vadd.f32 v27, v30;
	v28 =	vld [tilespmem:s15+$0xFFFFFFC0];
	v30 =	vmul.f32 v60, v60  }
0x1aa: {  	s3 =	simm.s32 $0x1E3C0;
	v61 =	vld [tilespmem:s29+$0xFFFFFF90];
	v26 =	vmul.f32 v26, v29  }
0x1ab: {  	v41 =	vld [tilespmem:s3+$0x0];
	[tilespmem:s25+$0x10] =	vst v27;
	v27 =	vmul.f32 v30, v30  }
0x1ac: {  	v29 =	vld [tilespmem:s26+$0xFFFFFF90];
	v26 =	vadd.f32 v26, v33;
	[tilespmem:s26+$0x10] =	vst v31  }
0x1ad: {  	v27 =	vadd.f32 $-1.303209970e+01, v27;
	v30 =	vld [tilespmem:s25+$0x20]  }
0x1ae: {  	v31 =	vld [tilespmem:s28+$0xFFFFFF90];
	[tilespmem:s15+$0x40] =	vst v26;
	v26 =	vmul.f32 v28, v28  }
0x1af: {  	v62 =	vld [tilespmem:s4+$0xFFFFFFC0];
	[tilespmem:s24+$0x40] =	vst v34;
	v27 =	vmul.f32 v27, v61  }
0x1b0: {  	v26 =	vmul.f32 v26, v26;
	v63 =	vld [tilespmem:s15+$0x50]  }
0x1b1: {  	v42 =	vld [tilespmem:s24+$0xFFFFFFC0];
	v29 =	vsub.f32 v29, v27  }
0x1b2: {  	v43 =	vld [tilespmem:s21+$0xFFFFFFC0];
	v26 =	vadd.f32 $-1.303209970e+01, v26;
	v44 =	vmul.f32 v30, v30  }
0x1b3: {  	s1 =	sadd.s32 $0x100, s25;
	v29 =	vmul.f32 v29, v31;
	v31 =	vld [tilespmem:s29+$0x20]  }
0x1b4: {  	v56 =	vld [tilespmem:s1+$0x0];
	v26 =	vmul.f32 v26, v62;
	v45 =	vmul.f32 v44, v44  }
0x1b5: {  	v46 =	vld [tilespmem:s26+$0x20];
	v47 =	vmul.f32 v63, v63;
	v29 =	vadd.f32 v29, v60  }
0x1b6: {  	v39 =	vld [tilespmem:s28+$0x20];
	v34 =	vsub.f32 v42, v26;
	v33 =	vadd.f32 $-1.303209970e+01, v45  }
0x1b7: {  	s12 =	simm.s32 $0x1CAC0;
	v48 =	vld [tilespmem:s4+$0x50];
	v38 =	vmul.f32 v47, v47;
	[tilespmem:s25+$0xFFFFFF90] =	vst v29  }
0x1b8: {  	v59 =	vld [tilespmem:s12+$0x0];
	v29 =	vmul.f32 v34, v43;
	[tilespmem:s26+$0xFFFFFF90] =	vst v27;
	v27 =	vmul.f32 v33, v31  }
0x1b9: {  	v49 =	vld [tilespmem:s24+$0x50];
	v50 =	vadd.f32 $-1.303209970e+01, v38  }
0x1ba: {  	v52 =	vld [tilespmem:s25+$0xFFFFFFA0];
	v28 =	vadd.f32 v29, v28;
	v51 =	vsub.f32 v46, v27  }
0x1bb: {  	v29 =	vld [tilespmem:s21+$0x50]  }
0x1bc: {  	s9 =	simm.s32 $0x1D740;
	v32 =	vld [tilespmem:s1+$0xFFFFFF80];
	v33 =	vmul.f32 v50, v48;
	[tilespmem:s15+$0xFFFFFFC0] =	vst v28;
	v28 =	vmul.f32 v51, v39  }
0x1bd: {  	v44 =	vld [tilespmem:s9+$0x0];
	[tilespmem:s24+$0xFFFFFFC0] =	vst v26  }
0x1be: {  	v26 =	vsub.f32 v49, v33;
	v55 =	vld [tilespmem:s15+$0xFFFFFFD0];
	v28 =	vadd.f32 v28, v30  }
0x1bf: {  	v31 =	vld [tilespmem:s26+$0xFFFFFFA0]  }
0x1c0: {  	v53 =	vld [tilespmem:s29+$0xFFFFFFA0];
	v26 =	vmul.f32 v26, v29;
	v29 =	vmul.f32 v52, v52;
	[tilespmem:s25+$0x20] =	vst v28  }
0x1c1: {  	v54 =	vld [tilespmem:s28+$0xFFFFFFA0];
	[tilespmem:s26+$0x20] =	vst v27  }
0x1c2: {  	v26 =	vadd.f32 v26, v63;
	v27 =	vmul.f32 v29, v29;
	v29 =	vld [tilespmem:s25+$0x30]  }
0x1c3: {  	v30 =	vld [tilespmem:s4+$0xFFFFFFD0];
	v57 =	vmul.f32 v55, v55  }
0x1c4: {  	v40 =	vmul.f32 v56, v56;
	v28 =	vld [tilespmem:s24+$0xFFFFFFD0];
	[tilespmem:s15+$0x50] =	vst v26;
	v26 =	vadd.f32 $-1.303209970e+01, v27  }
0x1c5: {  	v62 =	vld [tilespmem:s26+$0x30];
	v58 =	vmul.f32 v57, v57  }
0x1c6: {  	v40 =	vmul.f32 v40, v40;
	v43 =	vld [tilespmem:s29+$0x30];
	v26 =	vmul.f32 v26, v53  }
0x1c7: {  	v27 =	vld [tilespmem:s21+$0xFFFFFFD0];
	[tilespmem:s24+$0x50] =	vst v33;
	v33 =	vadd.f32 $-1.303209970e+01, v58;
	v42 =	vmul.f32 v29, v29  }
0x1c8: {  	v60 =	vadd.f32 $-1.303209970e+01, v40;
	v39 =	vld [tilespmem:s15+$0x60];
	v31 =	vsub.f32 v31, v26  }
0x1c9: {  	v49 =	vld [tilespmem:s28+$0x30];
	v30 =	vmul.f32 v33, v30;
	v61 =	vmul.f32 v42, v42  }
0x1ca: {  	v50 =	vld [tilespmem:s24+$0x60];
	v31 =	vmul.f32 v31, v54;
	v33 =	vmul.f32 v60, v59  }
0x1cb: {  	v63 =	vld [tilespmem:s4+$0x60];
	v48 =	vadd.f32 $-1.303209970e+01, v61;
	v28 =	vsub.f32 v28, v30  }
0x1cc: {  	v57 =	vld [tilespmem:s9+$0xFFFFFF80];
	v31 =	vadd.f32 v31, v52;
	v41 =	vsub.f32 v41, v33  }
0x1cd: {  	v45 =	vmul.f32 v39, v39;
	v27 =	vmul.f32 v28, v27;
	v28 =	vld [tilespmem:s12+$0xFFFFFF80]  }
0x1ce: {  	v36 =	vmul.f32 v48, v43;
	[tilespmem:s25+$0xFFFFFFA0] =	vst v31;
	v31 =	vld [tilespmem:s21+$0x60];
	v41 =	vmul.f32 v41, v44  }
0x1cf: {  	v45 =	vmul.f32 v45, v45;
	[tilespmem:s26+$0xFFFFFFA0] =	vst v26;
	v59 =	vld [tilespmem:s26+$0xFFFFFFB0]  }
0x1d0: {  	v52 =	vmul.f32 v32, v32;
	v26 =	vsub.f32 v62, v36;
	v54 =	vld [tilespmem:s25+$0xFFFFFFB0];
	v38 =	vadd.f32 v41, v56  }
0x1d1: {  	v51 =	vadd.f32 $-1.303209970e+01, v45;
	v27 =	vadd.f32 v27, v55;
	v55 =	vld [tilespmem:s3+$0xFFFFFF80]  }
0x1d2: {  	v56 =	vmul.f32 v52, v52;
	v58 =	vld [tilespmem:s29+$0xFFFFFFB0];
	v26 =	vmul.f32 v26, v49;
	[tilespmem:s1+$0x0] =	vst v38  }
0x1d3: {  	v53 =	vmul.f32 v51, v63;
	[tilespmem:s3+$0x0] =	vst v33;
	v46 =	vld [tilespmem:s3+$0x10]  }
0x1d4: {  	[tilespmem:s15+$0xFFFFFFD0] =	vst v27;
	v26 =	vadd.f32 v26, v29;
	v29 =	vadd.f32 $-1.303209970e+01, v56;
	v33 =	vld [tilespmem:s1+$0x10]  }
0x1d5: {  	v27 =	vsub.f32 v50, v53;
	[tilespmem:s24+$0xFFFFFFD0] =	vst v30;
	v63 =	vld [tilespmem:s12+$0x10]  }
0x1d6: {  	v49 =	vld [tilespmem:s9+$0x10];
	[tilespmem:s25+$0x30] =	vst v26;
	v26 =	vmul.f32 v54, v54;
	v28 =	vmul.f32 v29, v28  }
0x1d7: {  	v27 =	vmul.f32 v27, v31;
	v31 =	vld [tilespmem:s4+$0xFFFFFFE0];
	[tilespmem:s26+$0x30] =	vst v36  }
0x1d8: {  	v30 =	vmul.f32 v26, v26;
	v36 =	vld [tilespmem:s25+$0x40];
	v60 =	vsub.f32 v55, v28  }
0x1d9: {  	v29 =	vld [tilespmem:s28+$0xFFFFFFB0];
	v27 =	vadd.f32 v27, v39  }
0x1da: {  	v26 =	vld [tilespmem:s15+$0xFFFFFFE0];
	v62 =	vmul.f32 v33, v33;
	v30 =	vadd.f32 $-1.303209970e+01, v30;
	v61 =	vmul.f32 v60, v57  }
0x1db: {  	v48 =	vld [tilespmem:s29+$0x40];
	[tilespmem:s15+$0x60] =	vst v27  }
0x1dc: {  	v52 =	vld [tilespmem:s28+$0x40];
	[tilespmem:s24+$0x60] =	vst v53;
	v45 =	vmul.f32 v62, v62;
	v37 =	vmul.f32 v30, v58;
	v30 =	vadd.f32 v61, v32  }
0x1dd: {  	v27 =	vld [tilespmem:s15+$0x70];
	v47 =	vmul.f32 v36, v36  }
0x1de: {  	v32 =	vld [tilespmem:s24+$0xFFFFFFE0];
	v38 =	vsub.f32 v59, v37;
	[tilespmem:s1+$0xFFFFFF80] =	vst v30;
	v30 =	vadd.f32 $-1.303209970e+01, v45  }
0x1df: {  	v50 =	vmul.f32 v47, v47;
	v58 =	vld [tilespmem:s3+$0xFFFFFF90]  }
0x1e0: {  	[tilespmem:s3+$0xFFFFFF80] =	vst v28;
	v28 =	vmul.f32 v38, v29;
	v29 =	vld [tilespmem:s26+$0x40];
	v51 =	vmul.f32 v30, v63  }
0x1e1: {  	v39 =	vld [tilespmem:s1+$0xFFFFFF90];
	v30 =	vadd.f32 $-1.303209970e+01, v50  }
0x1e2: {  	v55 =	vld [tilespmem:s12+$0xFFFFFF90];
	v28 =	vadd.f32 v28, v54;
	v34 =	vsub.f32 v46, v51  }
0x1e3: {  	v60 =	vld [tilespmem:s9+$0xFFFFFF90];
	v53 =	vmul.f32 v30, v48  }
0x1e4: {  	v30 =	vld [tilespmem:s4+$0x70];
	[tilespmem:s25+$0xFFFFFFB0] =	vst v28;
	v34 =	vmul.f32 v34, v49  }
0x1e5: {  	v28 =	vld [tilespmem:s24+$0x70];
	[tilespmem:s26+$0xFFFFFFB0] =	vst v37;
	v29 =	vsub.f32 v29, v53  }
0x1e6: {  	v54 =	vmul.f32 v39, v39;
	v37 =	vld [tilespmem:s25+$0xFFFFFFC0];
	v33 =	vadd.f32 v34, v33  }
0x1e7: {  	v63 =	vld [tilespmem:s26+$0xFFFFFFC0];
	v56 =	vmul.f32 v29, v52  }
0x1e8: {  	v62 =	vld [tilespmem:s29+$0xFFFFFFC0];
	v57 =	vmul.f32 v54, v54;
	[tilespmem:s1+$0x10] =	vst v33  }
0x1e9: {  	v48 =	vld [tilespmem:s28+$0xFFFFFFC0];
	v59 =	vadd.f32 v56, v36;
	[tilespmem:s3+$0x10] =	vst v51  }
0x1ea: {  	v35 =	vadd.f32 $-1.303209970e+01, v57;
	v36 =	vld [tilespmem:s1+$0x20]  }
0x1eb: {  	v29 =	vld [tilespmem:s21+$0x70];
	[tilespmem:s25+$0x40] =	vst v59;
	v61 =	vmul.f32 v37, v37  }
0x1ec: {  	v51 =	vld [tilespmem:s12+$0x20];
	v35 =	vmul.f32 v35, v55;
	[tilespmem:s26+$0x40] =	vst v53  }
0x1ed: {  	v33 =	vmul.f32 v61, v61;
	v40 =	vld [tilespmem:s25+$0x50]  }
0x1ee: {  	v47 =	vld [tilespmem:s9+$0x20];
	v41 =	vsub.f32 v58, v35  }
0x1ef: {  	v53 =	vld [tilespmem:s3+$0x20];
	v49 =	vadd.f32 $-1.303209970e+01, v33;
	v50 =	vmul.f32 v36, v36  }
0x1f0: {  	v57 =	vld [tilespmem:s26+$0x50];
	v34 =	vmul.f32 v41, v60  }
0x1f1: {  	v55 =	vld [tilespmem:s29+$0x50];
	v38 =	vmul.f32 v49, v62;
	v52 =	vmul.f32 v50, v50  }
0x1f2: {  	v59 =	vld [tilespmem:s28+$0x50];
	v34 =	vadd.f32 v34, v39;
	v46 =	vmul.f32 v40, v40  }
0x1f3: {  	s19 =	simm.s32 $0x1D840;
	v33 =	vld [tilespmem:s21+$0xFFFFFFE0];
	v54 =	vsub.f32 v63, v38;
	v44 =	vadd.f32 $-1.303209970e+01, v52  }
0x1f4: {  	s31 =	simm.s32 $0x1E4C0;
	v49 =	vld [tilespmem:s19+$0x0];
	[tilespmem:s1+$0xFFFFFF90] =	vst v34;
	v46 =	vmul.f32 v46, v46  }
0x1f5: {  	v50 =	vld [tilespmem:s31+$0x0];
	[tilespmem:s3+$0xFFFFFF90] =	vst v35;
	v56 =	vmul.f32 v54, v48;
	v41 =	vmul.f32 v44, v51  }
0x1f6: {  	v44 =	vld [tilespmem:s1+$0xFFFFFFA0];
	v58 =	vadd.f32 $-1.303209970e+01, v46  }
0x1f7: {  	v35 =	vld [tilespmem:s3+$0xFFFFFFA0];
	v34 =	vadd.f32 v56, v37;
	v45 =	vsub.f32 v53, v41  }
0x1f8: {  	s14 =	sadd.s32 $0x100, s1;
	v60 =	vld [tilespmem:s12+$0xFFFFFFA0];
	v42 =	vmul.f32 v58, v55  }
0x1f9: {  	[tilespmem:s25+$0xFFFFFFC0] =	vst v34;
	v45 =	vmul.f32 v45, v47;
	v47 =	vld [tilespmem:s14+$0x0]  }
0x1fa: {  	v34 =	vld [tilespmem:s9+$0xFFFFFFA0];
	[tilespmem:s26+$0xFFFFFFC0] =	vst v38;
	v61 =	vsub.f32 v57, v42  }
0x1fb: {  	v54 =	vmul.f32 v44, v44;
	v39 =	vld [tilespmem:s25+$0xFFFFFFD0];
	v36 =	vadd.f32 v45, v36  }
0x1fc: {  	v63 =	vld [tilespmem:s26+$0xFFFFFFD0];
	v37 =	vmul.f32 v61, v59  }
0x1fd: {  	s20 =	simm.s32 $0x1CBC0;
	v62 =	vld [tilespmem:s29+$0xFFFFFFD0];
	v56 =	vmul.f32 v54, v54;
	[tilespmem:s1+$0x20] =	vst v36  }
0x1fe: {  	v59 =	vld [tilespmem:s20+$0x0];
	v55 =	vadd.f32 v37, v40;
	[tilespmem:s3+$0x20] =	vst v41;
	v48 =	vmul.f32 v47, v47  }
0x1ff: {  	v40 =	vadd.f32 $-1.303209970e+01, v56;
	v41 =	vld [tilespmem:s1+$0x30]  }
0x200: {  	v36 =	vld [tilespmem:s28+$0xFFFFFFD0];
	v57 =	vmul.f32 v39, v39;
	[tilespmem:s25+$0x50] =	vst v55;
	v48 =	vmul.f32 v48, v48  }
0x201: {  	v37 =	vld [tilespmem:s14+$0xFFFFFF80];
	v40 =	vmul.f32 v40, v60;
	[tilespmem:s26+$0x50] =	vst v42  }
0x202: {  	v58 =	vmul.f32 v57, v57;
	v46 =	vld [tilespmem:s25+$0x60];
	v60 =	vadd.f32 $-1.303209970e+01, v48  }
0x203: {  	v52 =	vld [tilespmem:s12+$0x30];
	v35 =	vsub.f32 v35, v40  }
0x204: {  	v57 =	vld [tilespmem:s9+$0x30];
	v42 =	vadd.f32 $-1.303209970e+01, v58;
	v51 =	vmul.f32 v41, v41;
	v43 =	vmul.f32 v60, v59  }
0x205: {  	v34 =	vmul.f32 v35, v34;
	v58 =	vld [tilespmem:s26+$0x60]  }
0x206: {  	v60 =	vld [tilespmem:s28+$0x60];
	v42 =	vmul.f32 v42, v62;
	v61 =	vmul.f32 v51, v51;
	v50 =	vsub.f32 v50, v43  }
0x207: {  	v51 =	vld [tilespmem:s3+$0x30];
	v34 =	vadd.f32 v34, v44;
	v53 =	vmul.f32 v46, v46  }
0x208: {  	v62 =	vsub.f32 v63, v42;
	v63 =	vld [tilespmem:s29+$0x60];
	v56 =	vadd.f32 $-1.303209970e+01, v61;
	v61 =	vmul.f32 v50, v49  }
0x209: {  	v44 =	vld [tilespmem:s20+$0xFFFFFF80];
	[tilespmem:s1+$0xFFFFFFA0] =	vst v34;
	v53 =	vmul.f32 v53, v53  }
0x20a: {  	[tilespmem:s3+$0xFFFFFFA0] =	vst v40;
	v49 =	vld [tilespmem:s3+$0xFFFFFFB0];
	v35 =	vmul.f32 v62, v36;
	v34 =	vadd.f32 v61, v47  }
0x20b: {  	v45 =	vmul.f32 v56, v52;
	v55 =	vld [tilespmem:s12+$0xFFFFFFB0];
	v59 =	vadd.f32 $-1.303209970e+01, v53  }
0x20c: {  	v53 =	vld [tilespmem:s31+$0xFFFFFF80];
	v35 =	vadd.f32 v35, v39;
	[tilespmem:s14+$0x0] =	vst v34  }
0x20d: {  	v62 =	vsub.f32 v51, v45;
	v38 =	vmul.f32 v59, v63;
	v63 =	vld [tilespmem:s19+$0xFFFFFF80];
	[tilespmem:s31+$0x0] =	vst v43  }
0x20e: {  	[tilespmem:s25+$0xFFFFFFD0] =	vst v35;
	v35 =	vld [tilespmem:s1+$0xFFFFFFB0]  }
0x20f: {  	v54 =	vmul.f32 v37, v37;
	v52 =	vmul.f32 v62, v57;
	v43 =	vld [tilespmem:s14+$0x10];
	v36 =	vsub.f32 v58, v38  }
0x210: {  	v50 =	vld [tilespmem:s19+$0x10]  }
0x211: {  	v57 =	vmul.f32 v54, v54;
	v47 =	vld [tilespmem:s20+$0x10];
	v56 =	vadd.f32 v52, v41;
	v36 =	vmul.f32 v36, v60  }
0x212: {  	[tilespmem:s26+$0xFFFFFFD0] =	vst v42;
	v48 =	vld [tilespmem:s26+$0xFFFFFFE0];
	v60 =	vmul.f32 v26, v26  }
0x213: {  	v41 =	vld [tilespmem:s9+$0xFFFFFFB0];
	v39 =	vadd.f32 $-1.303209970e+01, v57;
	[tilespmem:s1+$0x30] =	vst v56;
	v36 =	vadd.f32 v36, v46;
	v58 =	vmul.f32 v35, v35  }
0x214: {  	v34 =	vld [tilespmem:s25+$0xFFFFFFE0];
	[tilespmem:s3+$0x30] =	vst v45;
	v45 =	vmul.f32 v60, v60  }
0x215: {  	[tilespmem:s25+$0x60] =	vst v36;
	v36 =	vmul.f32 v39, v44;
	v39 =	vld [tilespmem:s1+$0x40];
	v59 =	vmul.f32 v58, v58  }
0x216: {  	v46 =	vld [tilespmem:s29+$0xFFFFFFE0];
	v45 =	vadd.f32 $-1.303209970e+01, v45  }
0x217: {  	v56 =	vld [tilespmem:s12+$0x40];
	[tilespmem:s26+$0x60] =	vst v38;
	v61 =	vsub.f32 v53, v36;
	v38 =	vadd.f32 $-1.303209970e+01, v59  }
0x218: {  	v62 =	vmul.f32 v43, v43;
	v58 =	vld [tilespmem:s3+$0x40];
	v31 =	vmul.f32 v45, v31  }
0x219: {  	v44 =	vld [tilespmem:s25+$0x70];
	v40 =	vmul.f32 v61, v63;
	v38 =	vmul.f32 v38, v55  }
0x21a: {  	v51 =	vmul.f32 v62, v62;
	v53 =	vld [tilespmem:s29+$0x70];
	v32 =	vsub.f32 v32, v31;
	v57 =	vmul.f32 v39, v39  }
0x21b: {  	v63 =	vld [tilespmem:s31+$0x10];
	v37 =	vadd.f32 v40, v37;
	v49 =	vsub.f32 v49, v38  }
0x21c: {  	v59 =	vadd.f32 $-1.303209970e+01, v51;
	v51 =	vld [tilespmem:s28+$0x70];
	v32 =	vmul.f32 v32, v33;
	v60 =	vmul.f32 v57, v57  }
0x21d: {  	v61 =	vld [tilespmem:s9+$0x40];
	[tilespmem:s14+$0xFFFFFF80] =	vst v37;
	v41 =	vmul.f32 v49, v41  }
0x21e: {  	v49 =	vld [tilespmem:s26+$0x70];
	v37 =	vmul.f32 v59, v47;
	v26 =	vadd.f32 v32, v26;
	[tilespmem:s31+$0xFFFFFF80] =	vst v36;
	v62 =	vadd.f32 $-1.303209970e+01, v60  }
0x21f: {  	v35 =	vadd.f32 v41, v35;
	v41 =	vld [tilespmem:s14+$0xFFFFFF90]  }
0x220: {  	v63 =	vsub.f32 v63, v37;
	v47 =	vld [tilespmem:s19+$0xFFFFFF90];
	[tilespmem:s15+$0xFFFFFFE0] =	vst v26;
	v40 =	vmul.f32 v62, v56  }
0x221: {  	v52 =	vmul.f32 v27, v27;
	v26 =	vmul.f32 v44, v44;
	[tilespmem:s1+$0xFFFFFFB0] =	vst v35;
	v35 =	vld [tilespmem:s20+$0xFFFFFF90]  }
0x222: {  	v54 =	vmul.f32 v63, v50;
	[tilespmem:s3+$0xFFFFFFB0] =	vst v38;
	v38 =	vld [tilespmem:s31+$0xFFFFFF90];
	v55 =	vsub.f32 v58, v40  }
0x223: {  	v42 =	vmul.f32 v52, v52;
	v26 =	vmul.f32 v26, v26;
	v45 =	vld [tilespmem:s1+$0xFFFFFFC0]  }
0x224: {  	[tilespmem:s24+$0xFFFFFFE0] =	vst v31;
	v31 =	vld [tilespmem:s3+$0xFFFFFFC0];
	v32 =	vadd.f32 v54, v43;
	v56 =	vmul.f32 v41, v41;
	v33 =	vmul.f32 v55, v61  }
0x225: {  	v42 =	vadd.f32 $-1.303209970e+01, v42;
	v36 =	vld [tilespmem:s12+$0xFFFFFFC0]  }
0x226: {  	v63 =	vadd.f32 $-1.303209970e+01, v26;
	v26 =	vld [tilespmem:s15+$0xFFFFFFF0];
	[tilespmem:s14+$0x10] =	vst v32;
	v57 =	vmul.f32 v56, v56;
	v59 =	vadd.f32 v33, v39  }
0x227: {  	v58 =	vmul.f32 v34, v34;
	v43 =	vld [tilespmem:s4+$0xFFFFFFF0];
	[tilespmem:s31+$0x10] =	vst v37  }
0x228: {  	v30 =	vmul.f32 v42, v30;
	v52 =	vld [tilespmem:s14+$0x20];
	v60 =	vadd.f32 $-1.303209970e+01, v57;
	v61 =	vmul.f32 v45, v45;
	[tilespmem:s1+$0x40] =	vst v59  }
0x229: {  	v62 =	vmul.f32 v58, v58;
	v33 =	vld [tilespmem:s9+$0xFFFFFFC0];
	[tilespmem:s3+$0x40] =	vst v40  }
0x22a: {  	v56 =	vsub.f32 v28, v30;
	v32 =	vmul.f32 v60, v35;
	v55 =	vmul.f32 v61, v61;
	v28 =	vld [tilespmem:s1+$0x50]  }
0x22b: {  	v42 =	vmul.f32 v63, v53;
	v37 =	vld [tilespmem:s28+$0xFFFFFFE0];
	v57 =	vadd.f32 $-1.303209970e+01, v62  }
0x22c: {  	v50 =	vld [tilespmem:s31+$0x20];
	v29 =	vmul.f32 v56, v29;
	v38 =	vsub.f32 v38, v32;
	v35 =	vadd.f32 $-1.303209970e+01, v55  }
0x22d: {  	v58 =	vsub.f32 v49, v42;
	v49 =	vld [tilespmem:s21+$0xFFFFFFF0];
	v40 =	vmul.f32 v57, v46;
	v59 =	vmul.f32 v52, v52  }
0x22e: {  	v60 =	vld [tilespmem:s20+$0x20];
	v38 =	vmul.f32 v38, v47;
	v47 =	vmul.f32 v35, v36  }
0x22f: {  	v46 =	vld [tilespmem:s24+$0xFFFFFFF0];
	v27 =	vadd.f32 v29, v27;
	v36 =	vmul.f32 v59, v59;
	v61 =	vmul.f32 v28, v28  }
0x230: {  	v63 =	vmul.f32 v26, v26;
	v62 =	vld [tilespmem:s12+$0x50];
	v35 =	vmul.f32 v58, v51;
	v31 =	vsub.f32 v31, v47  }
0x231: {  	[tilespmem:s15+$0x70] =	vst v27;
	v58 =	vld [tilespmem:s3+$0x50];
	v38 =	vadd.f32 v38, v41;
	v57 =	vadd.f32 $-1.303209970e+01, v36;
	v56 =	vmul.f32 v61, v61  }
0x232: {  	v48 =	vsub.f32 v48, v40;
	[tilespmem:s24+$0x70] =	vst v30;
	v59 =	vmul.f32 v63, v63;
	v29 =	vmul.f32 v31, v33;
	v31 =	vld [tilespmem:s19+$0x20]  }
0x233: {  	v27 =	vadd.f32 v35, v44;
	[tilespmem:s14+$0xFFFFFF90] =	vst v38;
	v38 =	vmul.f32 v57, v60;
	v60 =	vld [tilespmem:s9+$0x50];
	v33 =	vadd.f32 $-1.303209970e+01, v56  }
0x234: {  	v37 =	vmul.f32 v48, v37;
	v30 =	vadd.f32 $-1.303209970e+01, v59;
	[tilespmem:s31+$0xFFFFFF90] =	vst v32;
	v36 =	vld [tilespmem:s31+$0xFFFFFFA0];
	v29 =	vadd.f32 v29, v45  }
0x235: {  	[tilespmem:s25+$0x70] =	vst v27;
	v35 =	vld [tilespmem:s14+$0xFFFFFFA0];
	v61 =	vsub.f32 v50, v38;
	v33 =	vmul.f32 v33, v62  }
0x236: {  	v27 =	vmul.f32 v30, v43;
	v39 =	vld [tilespmem:s20+$0xFFFFFFA0];
	[tilespmem:s1+$0xFFFFFFC0] =	vst v29;
	v29 =	vadd.f32 v37, v34  }
0x237: {  	v34 =	vld [tilespmem:s19+$0xFFFFFFA0];
	[tilespmem:s3+$0xFFFFFFC0] =	vst v47;
	v62 =	vsub.f32 v58, v33;
	v31 =	vmul.f32 v61, v31  }
0x238: {  	v63 =	vsub.f32 v46, v27;
	v30 =	vld [tilespmem:s1+$0xFFFFFFD0];
	[tilespmem:s25+$0xFFFFFFE0] =	vst v29  }
0x239: {  	s8 =	simm.s32 $0x6;
	s0 =	simm.s32 $0x1D840;
	v32 =	vld [tilespmem:s12+$0xFFFFFFD0];
	v37 =	vmul.f32 v62, v60;
	[tilespmem:s26+$0xFFFFFFE0] =	vst v40;
	v40 =	vadd.f32 v31, v52  }
0x23a: {  	s11 =	sadd.s32 $0x100, s14;
	s4 =	smov.u32 s15;
	s21 =	simm.s32 $0x1CBC0;
	[tilespmem:s26+$0x70] =	vst v42;
	v29 =	vmul.f32 v63, v49;
	v41 =	vmul.f32 v35, v35;
	v31 =	vld [tilespmem:s3+$0xFFFFFFD0]  }
.LBB2_10:
0x23b: {  	v42 =	vld [tilespmem:s11+$0x0];
	[tilespmem:s14+$0x20] =	vst v40;
	v28 =	vadd.f32 v37, v28  }
0x23c: {  	v37 =	vld [tilespmem:s11+$0xFFFFFF80];
	v40 =	vmul.f32 v41, v41;
	[tilespmem:s31+$0x20] =	vst v38;
	v26 =	vadd.f32 v29, v26  }
0x23d: {  	v29 =	vld [tilespmem:s14+$0x30];
	v38 =	vmul.f32 v30, v30;
	[tilespmem:s1+$0x50] =	vst v28  }
0x23e: {  	v28 =	vadd.f32 $-1.303209970e+01, v40;
	v40 =	vld [tilespmem:s9+$0xFFFFFFD0];
	[tilespmem:s3+$0x50] =	vst v33  }
0x23f: {  	s19 =	sadd.s32 $0x100, s19;
	v33 =	vmul.f32 v38, v38;
	v38 =	vld [tilespmem:s1+$0x60];
	[tilespmem:s4+$0xFFFFFFF0] =	vst v26;
	s4 =	smov.u32 s25;
	s25 =	smov.u32 s1  }
0x240: {  	s20 =	sadd.s32 $0x100, s20;
	v26 =	vmul.f32 v42, v42;
	v41 =	vld [tilespmem:s19+$0x0];
	v28 =	vmul.f32 v28, v39;
	[tilespmem:s24+$0xFFFFFFF0] =	vst v27;
	s24 =	smov.u32 s26;
	s26 =	smov.u32 s3  }
0x241: {  	s1 =	smov.u32 s14;
	s3 =	smov.u32 s31;
	s31 =	sadd.s32 $0x100, s31;
	v27 =	vmul.f32 v37, v37;
	v39 =	vld [tilespmem:s20+$0x0];
	v33 =	vadd.f32 $-1.303209970e+01, v33  }
0x242: {  	s14 =	smov.u32 s11;
	v26 =	vmul.f32 v26, v26;
	v43 =	vld [tilespmem:s31+$0x0];
	v36 =	vsub.f32 v36, v28;
	v44 =	vmul.f32 v29, v29  }
0x243: {  	v27 =	vmul.f32 v27, v27;
	v45 =	vld [tilespmem:s21+$0x30];
	v32 =	vmul.f32 v33, v32  }
0x244: {  	v26 =	vadd.f32 $-1.303209970e+01, v26;
	v33 =	vmul.f32 v44, v44;
	v44 =	vld [tilespmem:s3+$0x30];
	v46 =	vmul.f32 v38, v38  }
0x245: {  	v34 =	vmul.f32 v36, v34;
	v27 =	vadd.f32 $-1.303209970e+01, v27;
	v31 =	vsub.f32 v31, v32;
	v36 =	vld [tilespmem:s12+$0x60]  }
0x246: {  	v26 =	vmul.f32 v26, v39;
	v33 =	vadd.f32 $-1.303209970e+01, v33;
	v39 =	vld [tilespmem:s0+$0x30];
	v46 =	vmul.f32 v46, v46  }
0x247: {  	v34 =	vadd.f32 v34, v35;
	v31 =	vmul.f32 v31, v40;
	v35 =	vld [tilespmem:s26+$0x60]  }
0x248: {  	v40 =	vld [tilespmem:s20+$0xFFFFFF80];
	v43 =	vsub.f32 v43, v26;
	v33 =	vmul.f32 v33, v45;
	v45 =	vadd.f32 $-1.303209970e+01, v46  }
0x249: {  	s8 =	sadd.s32 $0x2, s8;
	[tilespmem:s1+$0xFFFFFFA0] =	vst v34;
	v30 =	vadd.f32 v31, v30;
	v31 =	vld [tilespmem:s9+$0x60]  }
0x24a: {  	p0 =	slt.u32 s8, $0x16;
	v34 =	vld [tilespmem:s31+$0xFFFFFF80];
	v41 =	vmul.f32 v43, v41;
	[tilespmem:s3+$0xFFFFFFA0] =	vst v28;
	v28 =	vsub.f32 v44, v33;
	v36 =	vmul.f32 v45, v36  }
0x24b: {  	v43 =	vld [tilespmem:s19+$0xFFFFFF80];
	[tilespmem:s25+$0xFFFFFFD0] =	vst v30  }
0x24c: {  	v30 =	vadd.f32 v41, v42;
	v41 =	vld [tilespmem:s1+$0xFFFFFFB0];
	v28 =	vmul.f32 v28, v39;
	[tilespmem:s26+$0xFFFFFFD0] =	vst v32;
	v32 =	vsub.f32 v35, v36  }
0x24d: {  	v27 =	vmul.f32 v27, v40;
	v35 =	vld [tilespmem:s21+$0xFFFFFFB0]  }
0x24e: {  	[tilespmem:s11+$0x0] =	vst v30;
	v30 =	vld [tilespmem:s3+$0xFFFFFFB0];
	v28 =	vadd.f32 v28, v29;
	v29 =	vmul.f32 v32, v31  }
0x24f: {  	v31 =	vsub.f32 v34, v27;
	[tilespmem:s31+$0x0] =	vst v26;
	v26 =	vld [tilespmem:s0+$0xFFFFFFB0]  }
0x250: {  	[tilespmem:s1+$0x30] =	vst v28;
	v32 =	vld [tilespmem:s25+$0xFFFFFFE0];
	v28 =	vadd.f32 v29, v38  }
0x251: {  	v29 =	vmul.f32 v31, v43;
	v31 =	vld [tilespmem:s11+$0x10];
	v34 =	vmul.f32 v41, v41;
	[tilespmem:s3+$0x30] =	vst v33  }
0x252: {  	v33 =	vld [tilespmem:s12+$0xFFFFFFE0];
	[tilespmem:s25+$0x60] =	vst v28  }
0x253: {  	v28 =	vadd.f32 v29, v37;
	v29 =	vmul.f32 v34, v34;
	v34 =	vld [tilespmem:s1+$0x40];
	[tilespmem:s26+$0x60] =	vst v36  }
0x254: {  	v36 =	vld [tilespmem:s25+$0x70]  }
0x255: {  	[tilespmem:s11+$0xFFFFFF80] =	vst v28;
	v28 =	vadd.f32 $-1.303209970e+01, v29;
	v29 =	vmul.f32 v32, v32;
	v37 =	vld [tilespmem:s26+$0xFFFFFFE0]  }
0x256: {  	[tilespmem:s31+$0xFFFFFF80] =	vst v27;
	v27 =	vmul.f32 v31, v31;
	v38 =	vld [tilespmem:s19+$0x10]  }
0x257: {  	v39 =	vld [tilespmem:s20+$0x10];
	v28 =	vmul.f32 v28, v35;
	v29 =	vmul.f32 v29, v29  }
0x258: {  	v27 =	vmul.f32 v27, v27;
	v35 =	vld [tilespmem:s31+$0x10];
	v40 =	vmul.f32 v34, v34  }
0x259: {  	v30 =	vsub.f32 v30, v28;
	v42 =	vld [tilespmem:s21+$0x40];
	v29 =	vadd.f32 $-1.303209970e+01, v29;
	v43 =	vmul.f32 v36, v36  }
0x25a: {  	v27 =	vadd.f32 $-1.303209970e+01, v27;
	v40 =	vmul.f32 v40, v40;
	v44 =	vld [tilespmem:s12+$0x70]  }
0x25b: {  	v26 =	vmul.f32 v30, v26;
	v30 =	vld [tilespmem:s3+$0x40];
	v43 =	vmul.f32 v43, v43  }
0x25c: {  	v29 =	vmul.f32 v29, v33;
	v27 =	vmul.f32 v27, v39;
	v39 =	vadd.f32 $-1.303209970e+01, v40;
	v33 =	vld [tilespmem:s26+$0x70]  }
0x25d: {  	v26 =	vadd.f32 v26, v41;
	v40 =	vld [tilespmem:s0+$0x40];
	v41 =	vadd.f32 $-1.303209970e+01, v43  }
0x25e: {  	v37 =	vsub.f32 v37, v29;
	v35 =	vsub.f32 v35, v27;
	v39 =	vmul.f32 v39, v42;
	v42 =	vld [tilespmem:s9+$0x70]  }
0x25f: {  	v43 =	vld [tilespmem:s11+$0xFFFFFF90];
	[tilespmem:s1+$0xFFFFFFB0] =	vst v26;
	v26 =	vmul.f32 v41, v44  }
0x260: {  	v41 =	vld [tilespmem:s20+$0xFFFFFF90];
	v35 =	vmul.f32 v35, v38;
	[tilespmem:s3+$0xFFFFFFB0] =	vst v28;
	v28 =	vsub.f32 v30, v39  }
0x261: {  	v30 =	vld [tilespmem:s31+$0xFFFFFF90];
	v33 =	vsub.f32 v33, v26  }
0x262: {  	v38 =	vld [tilespmem:s19+$0xFFFFFF90];
	v31 =	vadd.f32 v35, v31;
	v28 =	vmul.f32 v28, v40  }
0x263: {  	v35 =	vld [tilespmem:s1+$0xFFFFFFC0];
	v33 =	vmul.f32 v33, v42  }
0x264: {  	v40 =	vmul.f32 v43, v43;
	[tilespmem:s11+$0x10] =	vst v31;
	v31 =	vld [tilespmem:s21+$0xFFFFFFC0];
	v28 =	vadd.f32 v28, v34  }
0x265: {  	[tilespmem:s31+$0x10] =	vst v27;
	v27 =	vld [tilespmem:s3+$0xFFFFFFC0];
	v33 =	vadd.f32 v33, v36  }
0x266: {  	v34 =	vmul.f32 v40, v40;
	v36 =	vld [tilespmem:s0+$0xFFFFFFC0];
	[tilespmem:s1+$0x40] =	vst v28  }
0x267: {  	v40 =	vld [tilespmem:s9+$0xFFFFFFE0];
	[tilespmem:s25+$0x70] =	vst v33  }
0x268: {  	v28 =	vadd.f32 $-1.303209970e+01, v34;
	v42 =	vld [tilespmem:s11+$0x20];
	v33 =	vmul.f32 v35, v35;
	[tilespmem:s26+$0x70] =	vst v26  }
0x269: {  	[tilespmem:s3+$0x40] =	vst v39;
	v26 =	vld [tilespmem:s4+$0xFFFFFFF0]  }
0x26a: {  	v34 =	vmul.f32 v28, v41;
	v33 =	vmul.f32 v33, v33;
	v28 =	vld [tilespmem:s1+$0x50]  }
0x26b: {  	v41 =	vld [tilespmem:s29+$0xFFFFFFF0];
	s29 =	smov.u32 s12;
	s12 =	smov.u32 s21;
	s21 =	smov.u32 s20  }
0x26c: {  	v30 =	vsub.f32 v30, v34;
	v33 =	vadd.f32 $-1.303209970e+01, v33;
	v37 =	vmul.f32 v37, v40;
	v40 =	vld [tilespmem:s24+$0xFFFFFFF0]  }
0x26d: {  	v39 =	vmul.f32 v42, v42;
	v44 =	vld [tilespmem:s28+$0xFFFFFFF0];
	s28 =	smov.u32 s9;
	s9 =	smov.u32 s0;
	s0 =	smov.u32 s19  }
0x26e: {  	v30 =	vmul.f32 v30, v38;
	v38 =	vld [tilespmem:s20+$0x20];
	v31 =	vmul.f32 v33, v31;
	v32 =	vadd.f32 v37, v32  }
0x26f: {  	v33 =	vmul.f32 v39, v39;
	v37 =	vld [tilespmem:s31+$0x20];
	v39 =	vmul.f32 v28, v28  }
0x270: {  	v30 =	vadd.f32 v30, v43;
	v27 =	vsub.f32 v27, v31;
	v43 =	vld [tilespmem:s12+$0x50];
	[tilespmem:s25+$0xFFFFFFE0] =	vst v32;
	v32 =	vmul.f32 v26, v26  }
0x271: {  	v33 =	vadd.f32 $-1.303209970e+01, v33;
	v45 =	vld [tilespmem:s19+$0x20];
	v39 =	vmul.f32 v39, v39;
	[tilespmem:s26+$0xFFFFFFE0] =	vst v29  }
0x272: {  	[tilespmem:s11+$0xFFFFFF90] =	vst v30;
	v27 =	vmul.f32 v27, v36;
	v29 =	vld [tilespmem:s3+$0x50];
	v30 =	vmul.f32 v32, v32  }
0x273: {  	[tilespmem:s31+$0xFFFFFF90] =	vst v34;
	v36 =	vld [tilespmem:s31+$0xFFFFFFA0];
	v38 =	vmul.f32 v33, v38;
	v32 =	vadd.f32 $-1.303209970e+01, v39  }
0x274: {  	v27 =	vadd.f32 v27, v35;
	v46 =	vld [tilespmem:s9+$0x50];
	v30 =	vadd.f32 $-1.303209970e+01, v30  }
0x275: {  	v35 =	vld [tilespmem:s11+$0xFFFFFFA0];
	v37 =	vsub.f32 v37, v38;
	v33 =	vmul.f32 v32, v43  }
.Ltmp4:
0x276: {  	v39 =	vld [tilespmem:s20+$0xFFFFFFA0];
	[tilespmem:s1+$0xFFFFFFC0] =	vst v27;
	v27 =	vmul.f32 v30, v41;
	(pc) =	sbr.rel @p0 .LBB2_10-.Ltmp4, $4  }
0x277: {  	v34 =	vld [tilespmem:s19+$0xFFFFFFA0];
	v32 =	vmul.f32 v37, v45;
	[tilespmem:s3+$0xFFFFFFC0] =	vst v31;
	v29 =	vsub.f32 v29, v33  }
0x278: {  	v30 =	vld [tilespmem:s1+$0xFFFFFFD0];
	v43 =	vsub.f32 v40, v27  }
0x279: {  	v40 =	vadd.f32 v32, v42;
	v32 =	vld [tilespmem:s12+$0xFFFFFFD0];
	v37 =	vmul.f32 v29, v46  }
0x27a: {  	s11 =	sadd.s32 $0x100, s11;
	v41 =	vmul.f32 v35, v35;
	v31 =	vld [tilespmem:s3+$0xFFFFFFD0];
	v29 =	vmul.f32 v43, v44  }
0x27b: {  	_ = 	snop  }
0x27c: {  	v41 =	vmul.f32 v41, v41;
	_ =	sdelay $0x1  }
0x27d: {  	v41 =	vadd.f32 $-1.303209970e+01, v41;
	_ =	sdelay $0x1  }
0x27e: {  	v39 =	vmul.f32 v41, v39;
	_ =	sdelay $0x1  }
0x27f: {  	v36 =	vsub.f32 v36, v39  }
0x280: {  	[tilespmem:s14+$0x20] =	vst v40  }
0x281: {  	[tilespmem:s31+$0x20] =	vst v38;
	v34 =	vmul.f32 v36, v34  }
0x282: {  	v57 =	vld [tilespmem:s14+$0x30]  }
0x283: {  	v34 =	vadd.f32 v34, v35;
	_ =	sdelay $0x1  }
0x284: {  	[tilespmem:s14+$0xFFFFFFA0] =	vst v34  }
0x285: {  	[tilespmem:s31+$0xFFFFFFA0] =	vst v39  }
0x286: {  	v59 =	vmul.f32 v57, v57;
	v58 =	vld [tilespmem:s14+$0xFFFFFFB0]  }
0x287: {  	v38 =	vld [tilespmem:s21+$0x30]  }
0x288: {  	v35 =	vmul.f32 v59, v59  }
0x289: {  	v60 =	vld [tilespmem:s31+$0x30]  }
0x28a: {  	v35 =	vadd.f32 $-1.303209970e+01, v35  }
0x28b: {  	v40 =	vld [tilespmem:s0+$0x30];
	v61 =	vmul.f32 v58, v58  }
0x28c: {  	v42 =	vld [tilespmem:s21+$0xFFFFFFB0];
	v35 =	vmul.f32 v35, v38  }
0x28d: {  	v62 =	vmul.f32 v61, v61  }
0x28e: {  	v63 =	vld [tilespmem:s31+$0xFFFFFFB0];
	v39 =	vsub.f32 v60, v35  }
0x28f: {  	v38 =	vadd.f32 $-1.303209970e+01, v62  }
0x290: {  	v43 =	vld [tilespmem:s0+$0xFFFFFFB0];
	v39 =	vmul.f32 v39, v40  }
0x291: {  	v38 =	vmul.f32 v38, v42  }
0x292: {  	v36 =	vadd.f32 v39, v57  }
0x293: {  	v45 =	vsub.f32 v63, v38  }
0x294: {  	[tilespmem:s14+$0x30] =	vst v36  }
0x295: {  	[tilespmem:s31+$0x30] =	vst v35;
	v46 =	vmul.f32 v45, v43  }
0x296: {  	v35 =	vld [tilespmem:s14+$0x40]  }
0x297: {  	v34 =	vadd.f32 v46, v58;
	_ =	sdelay $0x1  }
0x298: {  	[tilespmem:s14+$0xFFFFFFB0] =	vst v34  }
0x299: {  	[tilespmem:s31+$0xFFFFFFB0] =	vst v38  }
0x29a: {  	v48 =	vmul.f32 v35, v35;
	v47 =	vld [tilespmem:s14+$0xFFFFFFC0]  }
0x29b: {  	v49 =	vld [tilespmem:s21+$0x40]  }
0x29c: {  	v36 =	vmul.f32 v48, v48  }
0x29d: {  	v50 =	vld [tilespmem:s31+$0x40]  }
0x29e: {  	v36 =	vadd.f32 $-1.303209970e+01, v36  }
0x29f: {  	v51 =	vld [tilespmem:s0+$0x40];
	v52 =	vmul.f32 v47, v47  }
0x2a0: {  	v53 =	vld [tilespmem:s21+$0xFFFFFFC0];
	v36 =	vmul.f32 v36, v49  }
0x2a1: {  	v54 =	vmul.f32 v52, v52  }
0x2a2: {  	v55 =	vld [tilespmem:s31+$0xFFFFFFC0];
	v39 =	vsub.f32 v50, v36  }
0x2a3: {  	v38 =	vadd.f32 $-1.303209970e+01, v54  }
0x2a4: {  	v56 =	vld [tilespmem:s0+$0xFFFFFFC0];
	v39 =	vmul.f32 v39, v51  }
0x2a5: {  	v38 =	vmul.f32 v38, v53  }
0x2a6: {  	v35 =	vadd.f32 v39, v35  }
0x2a7: {  	v57 =	vsub.f32 v55, v38  }
0x2a8: {  	[tilespmem:s14+$0x40] =	vst v35  }
0x2a9: {  	[tilespmem:s31+$0x40] =	vst v36;
	v58 =	vmul.f32 v57, v56  }
0x2aa: {  	v36 =	vld [tilespmem:s14+$0x50]  }
0x2ab: {  	v34 =	vadd.f32 v58, v47;
	_ =	sdelay $0x1  }
0x2ac: {  	[tilespmem:s14+$0xFFFFFFC0] =	vst v34  }
0x2ad: {  	[tilespmem:s31+$0xFFFFFFC0] =	vst v38  }
0x2ae: {  	v60 =	vmul.f32 v36, v36;
	v59 =	vld [tilespmem:s14+$0xFFFFFFD0]  }
0x2af: {  	v61 =	vld [tilespmem:s21+$0x50]  }
0x2b0: {  	v62 =	vmul.f32 v30, v30;
	v35 =	vmul.f32 v60, v60  }
0x2b1: {  	v63 =	vld [tilespmem:s31+$0x50]  }
0x2b2: {  	v39 =	vmul.f32 v62, v62;
	v35 =	vadd.f32 $-1.303209970e+01, v35  }
0x2b3: {  	v45 =	vld [tilespmem:s0+$0x50];
	v46 =	vmul.f32 v59, v59  }
0x2b4: {  	v39 =	vadd.f32 $-1.303209970e+01, v39;
	v47 =	vld [tilespmem:s21+$0xFFFFFFD0];
	v35 =	vmul.f32 v35, v61  }
0x2b5: {  	v28 =	vadd.f32 v37, v28;
	v48 =	vld [tilespmem:s9+$0xFFFFFFD0];
	v49 =	vmul.f32 v46, v46  }
0x2b6: {  	v32 =	vmul.f32 v39, v32;
	v50 =	vld [tilespmem:s31+$0xFFFFFFD0];
	v37 =	vsub.f32 v63, v35  }
0x2b7: {  	[tilespmem:s1+$0x50] =	vst v28;
	v38 =	vadd.f32 $-1.303209970e+01, v49  }
0x2b8: {  	[tilespmem:s3+$0x50] =	vst v33;
	v31 =	vsub.f32 v31, v32;
	v52 =	vld [tilespmem:s0+$0xFFFFFFD0];
	v37 =	vmul.f32 v37, v45  }
0x2b9: {  	v51 =	vld [tilespmem:s1+$0x60];
	v38 =	vmul.f32 v38, v47  }
0x2ba: {  	v28 =	vmul.f32 v31, v48;
	v53 =	vadd.f32 v37, v36  }
0x2bb: {  	v33 =	vsub.f32 v50, v38  }
0x2bc: {  	v28 =	vadd.f32 v28, v30;
	[tilespmem:s14+$0x50] =	vst v53  }
0x2bd: {  	[tilespmem:s31+$0x50] =	vst v35;
	v55 =	vmul.f32 v33, v52  }
0x2be: {  	v54 =	vmul.f32 v51, v51;
	[tilespmem:s1+$0xFFFFFFD0] =	vst v28;
	v28 =	vld [tilespmem:s14+$0x60]  }
0x2bf: {  	v56 =	vld [tilespmem:s12+$0x60];
	[tilespmem:s3+$0xFFFFFFD0] =	vst v32;
	v30 =	vadd.f32 v55, v59  }
0x2c0: {  	v57 =	vmul.f32 v54, v54;
	v33 =	vld [tilespmem:s1+$0xFFFFFFE0]  }
0x2c1: {  	v58 =	vld [tilespmem:s3+$0x60];
	[tilespmem:s14+$0xFFFFFFD0] =	vst v30  }
0x2c2: {  	v60 =	vld [tilespmem:s9+$0x60];
	v59 =	vadd.f32 $-1.303209970e+01, v57;
	[tilespmem:s31+$0xFFFFFFD0] =	vst v38  }
0x2c3: {  	v62 =	vmul.f32 v28, v28;
	v32 =	vld [tilespmem:s14+$0xFFFFFFE0]  }
0x2c4: {  	v63 =	vld [tilespmem:s21+$0x60];
	v31 =	vmul.f32 v59, v56  }
0x2c5: {  	v61 =	vld [tilespmem:s12+$0xFFFFFFE0];
	v36 =	vmul.f32 v62, v62;
	v44 =	vmul.f32 v33, v33  }
0x2c6: {  	v45 =	vld [tilespmem:s3+$0xFFFFFFE0];
	v34 =	vsub.f32 v58, v31  }
0x2c7: {  	v46 =	vld [tilespmem:s31+$0x60];
	v36 =	vadd.f32 $-1.303209970e+01, v36;
	v38 =	vmul.f32 v44, v44  }
0x2c8: {  	v47 =	vld [tilespmem:s0+$0x60];
	v30 =	vmul.f32 v34, v60;
	v48 =	vmul.f32 v32, v32  }
0x2c9: {  	v49 =	vld [tilespmem:s21+$0xFFFFFFE0];
	v36 =	vmul.f32 v36, v63  }
0x2ca: {  	v50 =	vld [tilespmem:s9+$0xFFFFFFE0];
	v38 =	vadd.f32 $-1.303209970e+01, v38;
	v30 =	vadd.f32 v30, v51;
	v51 =	vmul.f32 v48, v48  }
0x2cb: {  	v52 =	vld [tilespmem:s31+$0xFFFFFFE0]  }
0x2cc: {  	v34 =	vsub.f32 v46, v36;
	v53 =	vmul.f32 v38, v61;
	v54 =	vadd.f32 $-1.303209970e+01, v51  }
0x2cd: {  	v55 =	vld [tilespmem:s0+$0xFFFFFFE0]  }
0x2ce: {  	v41 =	vld [tilespmem:s25+$0xFFFFFFF0];
	v34 =	vmul.f32 v34, v47;
	v38 =	vsub.f32 v45, v53;
	v35 =	vmul.f32 v54, v49  }
0x2cf: {  	v63 =	vld [tilespmem:s26+$0xFFFFFFF0];
	[tilespmem:s1+$0x60] =	vst v30  }
0x2d0: {  	v61 =	vld [tilespmem:s29+$0xFFFFFFF0];
	v28 =	vadd.f32 v34, v28;
	[tilespmem:s3+$0x60] =	vst v31;
	v38 =	vmul.f32 v38, v50;
	v58 =	vsub.f32 v52, v35  }
0x2d1: {  	v37 =	vld [tilespmem:s1+$0x70]  }
0x2d2: {  	v57 =	vld [tilespmem:s3+$0x70];
	[tilespmem:s14+$0x60] =	vst v28;
	v33 =	vadd.f32 v38, v33;
	v60 =	vmul.f32 v58, v55  }
0x2d3: {  	v48 =	vld [tilespmem:s28+$0xFFFFFFF0];
	[tilespmem:s31+$0x60] =	vst v36  }
0x2d4: {  	v47 =	vmul.f32 v41, v41;
	[tilespmem:s1+$0xFFFFFFE0] =	vst v33;
	v33 =	vld [tilespmem:s14+$0x70];
	v28 =	vadd.f32 v60, v32  }
0x2d5: {  	v56 =	vld [tilespmem:s12+$0x70];
	[tilespmem:s3+$0xFFFFFFE0] =	vst v53  }
0x2d6: {  	v34 =	vmul.f32 v47, v47;
	v62 =	vmul.f32 v37, v37;
	v36 =	vld [tilespmem:s1+$0xFFFFFFF0];
	[tilespmem:s14+$0xFFFFFFE0] =	vst v28  }
0x2d7: {  	v59 =	vld [tilespmem:s9+$0x70];
	[tilespmem:s31+$0xFFFFFFE0] =	vst v35  }
0x2d8: {  	v34 =	vadd.f32 $-1.303209970e+01, v34;
	v46 =	vmul.f32 v62, v62;
	v35 =	vld [tilespmem:s14+$0xFFFFFFF0]  }
0x2d9: {  	v51 =	vld [tilespmem:s31+$0x70];
	v49 =	vmul.f32 v33, v33  }
0x2da: {  	v50 =	vld [tilespmem:s21+$0x70];
	v31 =	vmul.f32 v34, v61;
	v30 =	vadd.f32 $-1.303209970e+01, v46  }
0x2db: {  	v44 =	vld [tilespmem:s0+$0x70];
	v38 =	vmul.f32 v49, v49;
	v45 =	vmul.f32 v36, v36  }
0x2dc: {  	v26 =	vadd.f32 v29, v26;
	v52 =	vld [tilespmem:s12+$0xFFFFFFF0];
	v32 =	vsub.f32 v63, v31;
	v30 =	vmul.f32 v30, v56  }
0x2dd: {  	v46 =	vld [tilespmem:s3+$0xFFFFFFF0];
	v38 =	vadd.f32 $-1.303209970e+01, v38;
	v45 =	vmul.f32 v45, v45;
	v47 =	vmul.f32 v35, v35  }
0x2de: {  	v28 =	vmul.f32 v32, v48;
	v40 =	vsub.f32 v57, v30;
	v54 =	vld [tilespmem:s21+$0xFFFFFFF0]  }
0x2df: {  	[tilespmem:s4+$0xFFFFFFF0] =	vst v26;
	v55 =	vld [tilespmem:s9+$0xFFFFFFF0];
	v38 =	vmul.f32 v38, v50;
	v56 =	vadd.f32 $-1.303209970e+01, v45;
	v57 =	vmul.f32 v47, v47  }
0x2e0: {  	[tilespmem:s24+$0xFFFFFFF0] =	vst v27;
	v58 =	vld [tilespmem:s31+$0xFFFFFFF0];
	v27 =	vadd.f32 v28, v41;
	v53 =	vmul.f32 v40, v59  }
0x2e1: {  	v26 =	vmul.f32 v56, v52;
	v59 =	vsub.f32 v51, v38;
	v60 =	vadd.f32 $-1.303209970e+01, v57  }
0x2e2: {  	v61 =	vld [tilespmem:s0+$0xFFFFFFF0];
	v29 =	vadd.f32 v53, v37  }
0x2e3: {  	[tilespmem:s25+$0xFFFFFFF0] =	vst v27;
	v62 =	vmul.f32 v59, v44;
	v63 =	vsub.f32 v46, v26;
	v37 =	vmul.f32 v60, v54  }
0x2e4: {  	[tilespmem:s26+$0xFFFFFFF0] =	vst v31  }
0x2e5: {  	[tilespmem:s1+$0x70] =	vst v29;
	v27 =	vadd.f32 v62, v33;
	v34 =	vmul.f32 v63, v55;
	v39 =	vsub.f32 v58, v37  }
0x2e6: {  	[tilespmem:s3+$0x70] =	vst v30  }
0x2e7: {  	[tilespmem:s14+$0x70] =	vst v27;
	v27 =	vadd.f32 v34, v36;
	v28 =	vmul.f32 v39, v61  }
0x2e8: {  	[tilespmem:s31+$0x70] =	vst v38  }
0x2e9: {  	[tilespmem:s1+$0xFFFFFFF0] =	vst v27;
	v27 =	vadd.f32 v28, v35  }
0x2ea: {  	[tilespmem:s3+$0xFFFFFFF0] =	vst v26  }
0x2eb: {  	[tilespmem:s14+$0xFFFFFFF0] =	vst v27  }
0x2ec: {  	[tilespmem:s31+$0xFFFFFFF0] =	vst v37  }
0x2ed: {  	v26 =	vld [tilespmem:s7+$0xC00];
	_ =	sdelay $0x4  }
0x2ee: {  	v27 =	vmul.f32 v26, v26  }
0x2ef: {  	v40 =	vld [tilespmem:$0x1D440]  }
0x2f0: {  	v27 =	vmul.f32 v27, v27  }
0x2f1: {  	v41 =	vld [tilespmem:$0x1ED40]  }
0x2f2: {  	v27 =	vadd.f32 $-1.303209970e+01, v27  }
0x2f3: {  	v42 =	vld [tilespmem:$0x1E0C0]  }
0x2f4: {  	v27 =	vmul.f32 v27, v40;
	_ =	sdelay $0x1  }
0x2f5: {  	v28 =	vsub.f32 v41, v27;
	_ =	sdelay $0x1  }
0x2f6: {  	v28 =	vmul.f32 v28, v42;
	_ =	sdelay $0x1  }
0x2f7: {  	v26 =	vadd.f32 v28, v26;
	_ =	sdelay $0x1  }
0x2f8: {  	[tilespmem:s7+$0xC00] =	vst v26  }
0x2f9: {  	[tilespmem:$0x1ED40] =	vst v27  }
0x2fa: {  	v26 =	vld [tilespmem:s7+$0xC10];
	_ =	sdelay $0x4  }
0x2fb: {  	v27 =	vmul.f32 v26, v26  }
0x2fc: {  	v43 =	vld [tilespmem:$0x1D450]  }
0x2fd: {  	v27 =	vmul.f32 v27, v27  }
0x2fe: {  	v44 =	vld [tilespmem:$0x1ED50]  }
0x2ff: {  	v27 =	vadd.f32 $-1.303209970e+01, v27  }
0x300: {  	v45 =	vld [tilespmem:$0x1E0D0]  }
0x301: {  	v27 =	vmul.f32 v27, v43;
	_ =	sdelay $0x1  }
0x302: {  	v28 =	vsub.f32 v44, v27;
	_ =	sdelay $0x1  }
0x303: {  	v28 =	vmul.f32 v28, v45;
	_ =	sdelay $0x1  }
0x304: {  	v26 =	vadd.f32 v28, v26;
	_ =	sdelay $0x1  }
0x305: {  	[tilespmem:s7+$0xC10] =	vst v26  }
0x306: {  	[tilespmem:$0x1ED50] =	vst v27  }
0x307: {  	v26 =	vld [tilespmem:s7+$0xC20];
	_ =	sdelay $0x4  }
0x308: {  	v27 =	vmul.f32 v26, v26  }
0x309: {  	v46 =	vld [tilespmem:$0x1D460]  }
0x30a: {  	v27 =	vmul.f32 v27, v27  }
0x30b: {  	v47 =	vld [tilespmem:$0x1ED60]  }
0x30c: {  	v27 =	vadd.f32 $-1.303209970e+01, v27  }
0x30d: {  	v48 =	vld [tilespmem:$0x1E0E0]  }
0x30e: {  	v27 =	vmul.f32 v27, v46;
	_ =	sdelay $0x1  }
0x30f: {  	v28 =	vsub.f32 v47, v27;
	_ =	sdelay $0x1  }
0x310: {  	v28 =	vmul.f32 v28, v48;
	_ =	sdelay $0x1  }
0x311: {  	v26 =	vadd.f32 v28, v26;
	_ =	sdelay $0x1  }
0x312: {  	[tilespmem:s7+$0xC20] =	vst v26  }
0x313: {  	[tilespmem:$0x1ED60] =	vst v27  }
0x314: {  	v26 =	vld [tilespmem:s7+$0xC30];
	_ =	sdelay $0x4  }
0x315: {  	v27 =	vmul.f32 v26, v26  }
0x316: {  	v49 =	vld [tilespmem:$0x1D470]  }
0x317: {  	v27 =	vmul.f32 v27, v27  }
0x318: {  	v50 =	vld [tilespmem:$0x1ED70]  }
0x319: {  	v27 =	vadd.f32 $-1.303209970e+01, v27  }
0x31a: {  	v51 =	vld [tilespmem:$0x1E0F0]  }
0x31b: {  	v27 =	vmul.f32 v27, v49;
	_ =	sdelay $0x1  }
0x31c: {  	v28 =	vsub.f32 v50, v27;
	_ =	sdelay $0x1  }
0x31d: {  	v28 =	vmul.f32 v28, v51;
	_ =	sdelay $0x1  }
0x31e: {  	v26 =	vadd.f32 v28, v26;
	_ =	sdelay $0x1  }
0x31f: {  	[tilespmem:s7+$0xC30] =	vst v26  }
0x320: {  	[tilespmem:$0x1ED70] =	vst v27  }
0x321: {  	v26 =	vld [tilespmem:s7+$0xC40];
	_ =	sdelay $0x4  }
0x322: {  	v27 =	vmul.f32 v26, v26  }
0x323: {  	v52 =	vld [tilespmem:$0x1D480]  }
0x324: {  	v27 =	vmul.f32 v27, v27  }
0x325: {  	v53 =	vld [tilespmem:$0x1ED80]  }
0x326: {  	v27 =	vadd.f32 $-1.303209970e+01, v27  }
0x327: {  	v54 =	vld [tilespmem:$0x1E100]  }
0x328: {  	v27 =	vmul.f32 v27, v52;
	_ =	sdelay $0x1  }
0x329: {  	v28 =	vsub.f32 v53, v27;
	_ =	sdelay $0x1  }
0x32a: {  	v28 =	vmul.f32 v28, v54;
	_ =	sdelay $0x1  }
0x32b: {  	v26 =	vadd.f32 v28, v26;
	_ =	sdelay $0x1  }
0x32c: {  	[tilespmem:s7+$0xC40] =	vst v26  }
0x32d: {  	[tilespmem:$0x1ED80] =	vst v27  }
0x32e: {  	v26 =	vld [tilespmem:s7+$0xC50];
	_ =	sdelay $0x4  }
0x32f: {  	v27 =	vmul.f32 v26, v26  }
0x330: {  	v55 =	vld [tilespmem:$0x1D490]  }
0x331: {  	v27 =	vmul.f32 v27, v27  }
0x332: {  	v56 =	vld [tilespmem:$0x1ED90]  }
0x333: {  	v27 =	vadd.f32 $-1.303209970e+01, v27  }
0x334: {  	v57 =	vld [tilespmem:$0x1E110]  }
0x335: {  	v27 =	vmul.f32 v27, v55;
	_ =	sdelay $0x1  }
0x336: {  	v28 =	vsub.f32 v56, v27;
	_ =	sdelay $0x1  }
0x337: {  	v28 =	vmul.f32 v28, v57;
	_ =	sdelay $0x1  }
0x338: {  	v26 =	vadd.f32 v28, v26;
	_ =	sdelay $0x1  }
0x339: {  	[tilespmem:s7+$0xC50] =	vst v26  }
0x33a: {  	[tilespmem:$0x1ED90] =	vst v27  }
0x33b: {  	v26 =	vld [tilespmem:s7+$0xC60];
	_ =	sdelay $0x4  }
0x33c: {  	v27 =	vmul.f32 v26, v26  }
0x33d: {  	v58 =	vld [tilespmem:$0x1D4A0]  }
0x33e: {  	v27 =	vmul.f32 v27, v27  }
0x33f: {  	v59 =	vld [tilespmem:$0x1EDA0]  }
0x340: {  	v27 =	vadd.f32 $-1.303209970e+01, v27  }
0x341: {  	v60 =	vld [tilespmem:$0x1E120]  }
0x342: {  	v27 =	vmul.f32 v27, v58;
	_ =	sdelay $0x1  }
0x343: {  	v28 =	vsub.f32 v59, v27;
	_ =	sdelay $0x1  }
0x344: {  	v28 =	vmul.f32 v28, v60;
	_ =	sdelay $0x1  }
0x345: {  	v26 =	vadd.f32 v28, v26;
	_ =	sdelay $0x1  }
0x346: {  	[tilespmem:s7+$0xC60] =	vst v26  }
0x347: {  	[tilespmem:$0x1EDA0] =	vst v27  }
0x348: {  	v26 =	vld [tilespmem:s7+$0xC70];
	_ =	sdelay $0x4  }
0x349: {  	v27 =	vmul.f32 v26, v26  }
0x34a: {  	v61 =	vld [tilespmem:$0x1D4B0]  }
0x34b: {  	v27 =	vmul.f32 v27, v27  }
0x34c: {  	v62 =	vld [tilespmem:$0x1EDB0]  }
0x34d: {  	v27 =	vadd.f32 $-1.303209970e+01, v27  }
0x34e: {  	v63 =	vld [tilespmem:$0x1E130]  }
0x34f: {  	v27 =	vmul.f32 v27, v61;
	_ =	sdelay $0x1  }
0x350: {  	v28 =	vsub.f32 v62, v27;
	_ =	sdelay $0x1  }
0x351: {  	s23 =	sadd.s32 $0x1, s23;
	v28 =	vmul.f32 v28, v63  }
0x352: {  	s19 =	smul.u32 $0xC800, s23  }
0x353: {  	v26 =	vadd.f32 v28, v26  }
0x354: {  	s20 =	sadd.s32 s7, s19  }
0x355: {  	s21 =	rddreg [dreg:$0x5];
	s1 =	sshrl.u32 s20, $0x3;
	[tilespmem:s7+$0xC70] =	vst v26  }
0x356: {  	s24 =	smul.u32 $0x190, s23;
	s1 =	sadd.s32 s21, s1;
	s25 =	rddreg [dreg:$0xd];
	[tilespmem:$0x1EDB0] =	vst v27  }
0x357: {  	[hbm4b:s1+s10] =	stream.linear.scatter [tilespmem:s7], [sflag:$0x3], $0xC80, $0x38;
	[tilespmem:$0x1FA50] =	vst v63  }
0x358: {  	s1 =	sadd.s32 s25, s24  }
0x359: {  	s26 =	rddreg [dreg:$0x6];
	s1 =	sshll.u32 s1, $0x4  }
0x35a: {  	s28 =	simm.s32 $0x4;
	s25 =	simm.s32 $0x1E140;
	s1 =	sadd.s32 s26, s1  }
0x35b: {  	[hbm4b:s1+s10] =	stream.linear.scatter [tilespmem:s25], [sflag:$0x4], $0xC80, $0x38;
	[tilespmem:$0x1FA50] =	vst v63  }
0x35c: {  	_ =	swait.ge [sflag:s28], $0xC80  }
0x35d: {  	[sflag:s28] =	ssyncset.done $0x0  }
0x35e: {  	s29 =	simm.s32 $0x3;
	[sflag:s28] =	ssyncadd.s32 $0xFFFFF380  }
0x35f: {  	_ =	swait.ge [sflag:s29], $0xC80  }
0x360: {  	[sflag:s29] =	ssyncset.done $0x0  }
0x361: {  	s31 =	simm.s32 $0x7;
	[sflag:s29] =	ssyncadd.s32 $0xFFFFF380  }
0x362: {  	_ =	swait.ge [sflag:s31], $0x190  }
0x363: {  	[sflag:s31] =	ssyncset.done $0x0  }
0x364: {  	s0 =	sshrl.u32 s19, $0x3;
	[sflag:s31] =	ssyncadd.s32 $0xFFFFFE70  }
0x365: {  	s0 =	sadd.s32 s21, s0;
	[bflag:$0x0] =	sbarrier.arrive $0xFFFF  }
0x366: {  	[tilespmem:s10], [sflag:$0x6] =	stream.linear.gather [hbm4b:s0+s10], $0xC800, $0x38;
	[tilespmem:$0x1FA50] =	vst v63  }
0x367: {  	s0 =	simm.s32 $0xC900  }
0x368: {  	[tilespmem:s0+$0xFFFFFF00] =	vst v0  }
0x369: {  	[tilespmem:s0+$0xF0] =	vst v0  }
0x36a: {  	[tilespmem:s0+$0xE0] =	vst v0  }
0x36b: {  	[tilespmem:s0+$0xD0] =	vst v0  }
0x36c: {  	[tilespmem:s0+$0xC0] =	vst v0  }
0x36d: {  	[tilespmem:s0+$0xB0] =	vst v0  }
0x36e: {  	[tilespmem:s0+$0xA0] =	vst v0  }
0x36f: {  	[tilespmem:s0+$0x90] =	vst v0  }
0x370: {  	[tilespmem:s0+$0x80] =	vst v0  }
0x371: {  	[tilespmem:s0+$0x70] =	vst v0  }
0x372: {  	[tilespmem:s0+$0x60] =	vst v0  }
0x373: {  	[tilespmem:s0+$0x50] =	vst v0  }
0x374: {  	[tilespmem:s0+$0x40] =	vst v0  }
0x375: {  	[tilespmem:s0+$0x30] =	vst v0  }
0x376: {  	[tilespmem:s0+$0x20] =	vst v0  }
0x377: {  	[tilespmem:s0+$0x10] =	vst v0  }
0x378: {  	[tilespmem:s0+$0x0] =	vst v0  }
0x379: {  	[tilespmem:s0+$0xFFFFFFF0] =	vst v0  }
0x37a: {  	[tilespmem:s0+$0xFFFFFFE0] =	vst v0  }
0x37b: {  	[tilespmem:s0+$0xFFFFFFD0] =	vst v0  }
0x37c: {  	[tilespmem:s0+$0xFFFFFFC0] =	vst v0  }
0x37d: {  	[tilespmem:s0+$0xFFFFFFB0] =	vst v0  }
0x37e: {  	[tilespmem:s0+$0xFFFFFFA0] =	vst v0  }
0x37f: {  	[tilespmem:s0+$0xFFFFFF90] =	vst v0  }
0x380: {  	[tilespmem:s0+$0xFFFFFF80] =	vst v0  }
0x381: {  	[tilespmem:s0+$0xFFFFFF70] =	vst v0  }
0x382: {  	[tilespmem:s0+$0xFFFFFF60] =	vst v0  }
0x383: {  	[tilespmem:s0+$0xFFFFFF50] =	vst v0  }
0x384: {  	[tilespmem:s0+$0xFFFFFF40] =	vst v0  }
0x385: {  	[tilespmem:s0+$0xFFFFFF30] =	vst v0  }
0x386: {  	s1 =	simm.s32 $0x0;
	[tilespmem:s0+$0xFFFFFF20] =	vst v0  }
.LBB2_12:
0x387: {  	s1 =	sadd.s32 $0x4, s1;
	[tilespmem:s0+$0xFFFFFF10] =	vst v0;
	s0 =	sadd.s32 $0x200, s0  }
0x388: {  	[tilespmem:s0+$0xFFFFFF00] =	vst v0;
	p0 =	slt.u32 s1, $0x18C  }
0x389: {  	[tilespmem:s0+$0xF0] =	vst v0  }
0x38a: {  	[tilespmem:s0+$0xE0] =	vst v0  }
0x38b: {  	[tilespmem:s0+$0xD0] =	vst v0  }
0x38c: {  	[tilespmem:s0+$0xC0] =	vst v0  }
0x38d: {  	[tilespmem:s0+$0xB0] =	vst v0  }
0x38e: {  	[tilespmem:s0+$0xA0] =	vst v0  }
0x38f: {  	[tilespmem:s0+$0x90] =	vst v0  }
0x390: {  	[tilespmem:s0+$0x80] =	vst v0  }
0x391: {  	[tilespmem:s0+$0x70] =	vst v0  }
0x392: {  	[tilespmem:s0+$0x60] =	vst v0  }
0x393: {  	[tilespmem:s0+$0x50] =	vst v0  }
0x394: {  	[tilespmem:s0+$0x40] =	vst v0  }
0x395: {  	[tilespmem:s0+$0x30] =	vst v0  }
0x396: {  	[tilespmem:s0+$0x20] =	vst v0  }
0x397: {  	[tilespmem:s0+$0x10] =	vst v0  }
0x398: {  	[tilespmem:s0+$0x0] =	vst v0  }
0x399: {  	[tilespmem:s0+$0xFFFFFFF0] =	vst v0  }
0x39a: {  	[tilespmem:s0+$0xFFFFFFE0] =	vst v0  }
0x39b: {  	[tilespmem:s0+$0xFFFFFFD0] =	vst v0  }
0x39c: {  	[tilespmem:s0+$0xFFFFFFC0] =	vst v0  }
0x39d: {  	[tilespmem:s0+$0xFFFFFFB0] =	vst v0  }
0x39e: {  	[tilespmem:s0+$0xFFFFFFA0] =	vst v0  }
0x39f: {  	[tilespmem:s0+$0xFFFFFF90] =	vst v0  }
0x3a0: {  	[tilespmem:s0+$0xFFFFFF80] =	vst v0  }
0x3a1: {  	[tilespmem:s0+$0xFFFFFF70] =	vst v0  }
.Ltmp5:
0x3a2: {  	[tilespmem:s0+$0xFFFFFF60] =	vst v0;
	(pc) =	sbr.rel @p0 .LBB2_12-.Ltmp5, $4  }
0x3a3: {  	[tilespmem:s0+$0xFFFFFF50] =	vst v0  }
0x3a4: {  	[tilespmem:s0+$0xFFFFFF40] =	vst v0  }
0x3a5: {  	[tilespmem:s0+$0xFFFFFF30] =	vst v0  }
0x3a6: {  	[tilespmem:s0+$0xFFFFFF20] =	vst v0  }
0x3a7: {  	p0 =	sne.s32 s23, $0x1E  }
.Ltmp6:
0x3a8: {  	_ = 	snop;
	(pc) =	sbr.rel @p0 .LBB2_5-.Ltmp6, $4  }
0x3a9: {  	[tilespmem:s0+$0xFFFFFF10] =	vst v0;
	s31 =	simm.s32 $0x6  }
0x3aa: {  	_ =	swait.ge [sflag:s31], $0xC800  }
0x3ab: {  	s22 =	sadd.s32 $0x20, s22;
	[sflag:s31] =	ssyncset.done $0x0;
	s8 =	rddreg [dreg:$0xc]  }
0x3ac: {  	s16 =	sadd.s32 $0xC800, s16;
	[sflag:s31] =	ssyncadd.s32 $0xFFFF3800;
	s8 =	sadd.s32 $0x19000, s8  }
0x3ad: {  	s0 =	simm.s32 $0x1  }
0x3ae: {  	_ =	swait.ge [sflag:s0], $0xC80  }
0x3af: {  	[sflag:s0] =	ssyncset.done $0x0  }
0x3b0: {  	[sflag:s0] =	ssyncadd.s32 $0xFFFFF380  }
0x3b1: {  	_ =	swait.ge [sflag:s0], $0xC80  }
0x3b2: {  	[sflag:s0] =	ssyncset.done $0x0  }
0x3b3: {  	s30 =	simm.s32 $0x2;
	[sflag:s0] =	ssyncadd.s32 $0xFFFFF380  }
0x3b4: {  	_ =	swait.ge [sflag:s30], $0x640  }
0x3b5: {  	[sflag:s30] =	ssyncset.done $0x0  }
0x3b6: {  	[sflag:s30] =	ssyncadd.s32 $0xFFFFF9C0  }
0x3b7: {  	_ =	swait.ge [sflag:s30], $0x640  }
0x3b8: {  	[sflag:s30] =	ssyncset.done $0x0  }
0x3b9: {  	[sflag:s30] =	ssyncadd.s32 $0xFFFFF9C0  }
0x3ba: {  	_ =	swait.ge [sflag:s30], $0x640  }
0x3bb: {  	[sflag:s30] =	ssyncset.done $0x0  }
0x3bc: {  	[sflag:s30] =	ssyncadd.s32 $0xFFFFF9C0  }
0x3bd: {  	_ =	sfence.sel $0x180000  }
0x3be: {  	[bflag:$0x0] =	sbarrier.arrive $0xFFFF  }
0x3bf: {  	_ =	strace $0x90000047  }
0x3c0: {  	s31 =	stileid.u32;
	[bflag:$0x2] =	sbarrier.arrive $0xFFFF  }
0x3c1: {  	p0 =	sne.s32 s31, $0x0;
	s0 =	rddreg [dreg:$0x9]  }
0x3c2: {  	s0 =	sadd.s32 @!p0 $0x100000, s0  }
0x3c3: {  	[sflag:s0] =	ssyncadd.tile.s32 @!p0 $0x1;
	_ =	shalt  }
.Lfunc_end2:
_tile_overlayer_lowered:
.L_overlay_start_2:
0x3c4: {  	(tag) =	ssettag $0x2  }
0x3c5: {  	s0 =	rddreg [dreg:$0x0];
	s2 =	stileid.u32  }
0x3c6: {  	s1 =	rddreg [dreg:$0x1];
	p0 =	sne.s32 s2, $0x0  }
0x3c7: {  	s3 =	rddreg [dreg:$0x2];
	[bflag:$0x3] =	sbarrier.arrive $0xFFFF;
	s2 =	simm.s32 @!p0 $0x1C08  }
0x3c8: {  	[timem:s3], [sflag:s2] =	dma.local @!p0 [hbm:s0], s1  }
0x3c9: {  	s0 =	simm.s32 @!p0 $0x8  }
0x3ca: {  	_ =	swait.ge @!p0 [sflag:s0], s1  }
0x3cb: {  	s1 =	ssub.s32 @!p0 $0x0, s1;
	[sflag:s0] =	ssyncset.done @!p0 $0x0  }
0x3cc: {  	[sflag:s0] =	ssyncadd.s32 @!p0 s1  }
0x3cd: {  	[bflag:$0x3] =	sbarrier.arrive $0xFFFF  }
0x3ce: {  	_ =	shalt  }

</sc_bundles>
